<compile_context>
chip_gen: v7x
topology: tpu7x:2x2x1
jax: 0.10.2.dev20260603
libtpu: 0.0.44.dev20260713+nightly
codegen_flags: <defaults>
</compile_context>

<pallas_src>
import functools

import jax
import jax.numpy as jnp
from jax import lax
from jax.experimental import pallas as pl
from jax.experimental.pallas import tpu as pltpu
from jax.experimental.pallas import tpu_sc as plsc

D = 64
SCALE = 8.0
NC, NS, L = 2, 16, 16
NW = NC * NS
NTOK = 4096
NSEQ = 200
VOC = 1000000
CH = 128
NCH = NSEQ * (NTOK // CH)
CPW = NCH // NW
CBLK = NTOK // CH
OUT_FLAT = NSEQ * 8 * CBLK * 8 * 128


def _sc_embed(table128, tok4):
    mesh = plsc.VectorSubcoreMesh(
        core_axis_name="c", subcore_axis_name="s", num_cores=NC, num_subcores=NS
    )

    @functools.partial(
        pl.kernel,
        out_type=jax.ShapeDtypeStruct((OUT_FLAT // 1024, 8, 128), jnp.float32),
        mesh=mesh,
        compiler_params=pltpu.CompilerParams(
            use_tc_tiling_on_sc=False, needs_layout_passes=False
        ),
        scratch_types=[
            pltpu.VMEM((CH,), jnp.int32),
            pltpu.VMEM((CH,), jnp.int32),
            pltpu.VMEM((CH, 128), jnp.float32),
            pltpu.VMEM((CH, 128), jnp.float32),
            pltpu.VMEM((64, 129), jnp.float32),
            pltpu.VMEM((64, 129), jnp.float32),
            pltpu.SemaphoreType.DMA,
            pltpu.SemaphoreType.DMA,
            pltpu.SemaphoreType.DMA,
            pltpu.SemaphoreType.DMA,
        ],
    )
    def k(tab_hbm, tok_hbm, out_hbm,
          idx0, idx1, rows0, rows1, st0, st1, g0, g1, s0, s1):
        wid = lax.axis_index("s") * NC + lax.axis_index("c")
        ch_base = wid * CPW
        lanes = lax.iota(jnp.int32, L)

        def load_idx(ch, idxv):
            j = ch // CBLK
            cb = ch % CBLK
            pltpu.sync_copy(tok_hbm.at[j // 8, cb, j % 8], idxv)

        def start_gather(idxv, rowsv, sem):
            pltpu.async_copy(tab_hbm.at[idxv], rowsv, sem)

        def wait_gather(rowsv, sem):
            pltpu.make_async_copy(tab_hbm.at[pl.ds(0, CH)], rowsv, sem).wait()

        def assemble(rowsv, stv):
            @plsc.parallel_loop(0, CH, unroll=8)
            def _(q):
                qv = jnp.broadcast_to(q, (L,))
                for kk in range(D // L):
                    vec = rowsv.at[q, pl.ds(L * kk, L)][...] * SCALE
                    plsc.store_scatter(stv, [lanes + L * kk, qv], vec)

        def start_stores(stv, ch, sem):
            j = ch // CBLK
            cb = ch % CBLK
            base = j * 8 * CBLK + cb
            for t in range(8):
                pltpu.async_copy(stv.at[pl.ds(8 * t, 8), pl.ds(0, 128)],
                                 out_hbm.at[base + CBLK * t],
                                 sem)

        def wait_stores(stv, sem):
            for t in range(8):
                pltpu.make_async_copy(stv.at[pl.ds(0, 8), pl.ds(0, 128)],
                                      out_hbm.at[0],
                                      sem).wait()

        load_idx(ch_base, idx0)
        start_gather(idx0, rows0, g0)

        @pl.loop(0, CPW, step=2)
        def _(kk):
            ch0 = ch_base + kk
            load_idx(ch0 + 1, idx1)
            start_gather(idx1, rows1, g1)
            wait_gather(rows0, g0)

            @pl.when(kk > 0)
            def _():
                wait_stores(st0, s0)

            assemble(rows0, st0)
            start_stores(st0, ch0, s0)

            @pl.when(kk + 2 < CPW)
            def _():
                load_idx(ch0 + 2, idx0)
                start_gather(idx0, rows0, g0)

            wait_gather(rows1, g1)

            @pl.when(kk > 0)
            def _():
                wait_stores(st1, s1)

            assemble(rows1, st1)
            start_stores(st1, ch0 + 1, s1)

        wait_stores(st0, s0)
        wait_stores(st1, s1)

    return k(table128, tok4)


def kernel(tokens, embedding):
    table128 = jnp.concatenate([embedding, embedding], axis=1)
    tok4 = (tokens.astype(jnp.int32).T
            .reshape(NSEQ // 8, 8, NTOK // 128, 128)
            .transpose(0, 2, 1, 3))
    out3 = _sc_embed(table128, tok4)
    out5 = out3.reshape(NSEQ, 8, CBLK, 8, 128)
    return out5.transpose(2, 4, 0, 1, 3).reshape(NTOK, NSEQ, D)

# --- scband reference (transcript-rebuilt; emitter-appended) ---
"""Pipeline reference for scband-token-embedding-68788196212876 (READ-ONLY COPY).

The authoritative reference and input builder live on the scoring server;
editing this copy changes nothing except your own understanding.
"""

import jax, jax.numpy as jnp
import numpy as np
import math

VOCAB_SIZE = 1000000
EMB_SIZE = 64

def setup_inputs(seed: int = 0) -> dict:
    key = jax.random.key(seed)
    k_tok, k_emb = jax.random.split(key)
    tokens = jax.random.randint(k_tok, (4096, 200), 0, VOCAB_SIZE, dtype=jnp.int64 if jax.config.jax_enable_x64 else jnp.int32)
    embedding = jax.random.normal(k_emb, (VOCAB_SIZE, EMB_SIZE), dtype=jnp.float32)
    return {"tokens": tokens, "embedding": embedding}

def reference(tokens, embedding):
    # Faithful translation of TokenEmbedding.forward:
    # self.embedding(tokens.long()) * math.sqrt(self.emb_size)
    emb = jnp.take(embedding, tokens, axis=0)
    return emb * math.sqrt(EMB_SIZE)

if __name__ == "__main__":
    import jax
    _d = setup_inputs()
    print(jax.jit(kernel)(*tuple(_d.values())))

</pallas_src>

<mosaic_0001>
#map = affine_map<(d0, d1) -> (0, 0)>
#map1 = affine_map<(d0, d1) -> (0, 0, 0, 0)>
#map2 = affine_map<(d0, d1) -> (0, 0, 0)>
module attributes {stable_mosaic.version = 14 : i64} {
  func.func @k(%arg0: i32, %arg1: i32, %arg2: memref<1000000x128xf32, #tpu.memory_space<hbm>>, %arg3: memref<25x32x8x128xi32, #tpu.memory_space<hbm>>, %arg4: memref<51200x8x128xf32, #tpu.memory_space<hbm>>, %arg5: memref<128xi32, #tpu.memory_space<vmem>>, %arg6: memref<128xi32, #tpu.memory_space<vmem>>, %arg7: memref<128x128xf32, #tpu.memory_space<vmem>>, %arg8: memref<128x128xf32, #tpu.memory_space<vmem>>, %arg9: memref<64x129xf32, #tpu.memory_space<vmem>>, %arg10: memref<64x129xf32, #tpu.memory_space<vmem>>, %arg11: memref<!tpu.dma_semaphore, #tpu.memory_space<semaphore_mem>>, %arg12: memref<!tpu.dma_semaphore, #tpu.memory_space<semaphore_mem>>, %arg13: memref<!tpu.dma_semaphore, #tpu.memory_space<semaphore_mem>>, %arg14: memref<!tpu.dma_semaphore, #tpu.memory_space<semaphore_mem>>) attributes {dimension_semantics = [#tpu.dimension_semantics<core_parallel>, #tpu.dimension_semantics<subcore_parallel>], iteration_bounds = array<i64: 2, 16>, scalar_prefetch = 0 : i64, scratch_operands = 10 : i64, tpu.core_type = #tpu.core_type<sc_vector_subcore>, window_params = [{transform_indices = #map}, {transform_indices = #map1}, {transform_indices = #map2}]} {
    %mul3A = arith.constant 2 : i32
    %mul3A_0 = arith.muli %arg1, %mul3A : i32
    %add3A = arith.addi %mul3A_0, %arg0 : i32
    %mul3A_1 = arith.constant 200 : i32
    %mul3A_2 = arith.muli %add3A, %mul3A_1 : i32
    %iota3A = tpu.iota {dimensions = array<i32: 0>} : vector<16xi32>
    %jit3A = arith.constant 32 : i32
    %div3A = arith.divsi %mul3A_2, %jit3A : i32
    %sign3A = arith.constant 0 : i32
    %sign3A_3 = arith.cmpi sgt, %mul3A_2, %sign3A : i32
    %sign3A_4 = arith.extui %sign3A_3 : i1 to i32
    %sign3A_5 = arith.constant 0 : i32
    %sign3A_6 = arith.cmpi slt, %mul3A_2, %sign3A_5 : i32
    %sign3A_7 = arith.extui %sign3A_6 : i1 to i32
    %sign3A_8 = arith.subi %sign3A_4, %sign3A_7 : i32
    %sign3A_9 = arith.constant 0 : i32
    %sign3A_10 = arith.cmpi sgt, %jit3A, %sign3A_9 : i32
    %sign3A_11 = arith.extui %sign3A_10 : i1 to i32
    %sign3A_12 = arith.constant 0 : i32
    %sign3A_13 = arith.cmpi slt, %jit3A, %sign3A_12 : i32
    %sign3A_14 = arith.extui %sign3A_13 : i1 to i32
    %sign3A_15 = arith.subi %sign3A_11, %sign3A_14 : i32
    %ne3A = arith.cmpi ne, %sign3A_8, %sign3A_15 : i32
    %rem3A = arith.remsi %mul3A_2, %jit3A : i32
    %ne3A_16 = arith.constant 0 : i32
    %ne3A_17 = arith.cmpi ne, %rem3A, %ne3A_16 : i32
    %and3A = arith.andi %ne3A, %ne3A_17 : i1
    %sub3A = arith.constant 1 : i32
    %sub3A_18 = arith.subi %div3A, %sub3A : i32
    %select_n3A = arith.select %and3A, %sub3A_18, %div3A : i32
    %jit3A_19 = arith.constant 32 : i32
    %eq3A = arith.constant 0 : i32
    %eq3A_20 = arith.cmpi eq, %jit3A_19, %eq3A : i32
    %jit3A_21 = arith.constant 1 : i32
    %select_n3A_22 = arith.select %eq3A_20, %jit3A_21, %jit3A_19 : i32
    %rem3A_23 = arith.remsi %mul3A_2, %select_n3A_22 : i32
    %ne3A_24 = arith.constant 0 : i32
    %ne3A_25 = arith.cmpi ne, %rem3A_23, %ne3A_24 : i32
    %lt3A = arith.constant 0 : i32
    %lt3A_26 = arith.cmpi slt, %rem3A_23, %lt3A : i32
    %lt3A_27 = arith.constant 0 : i32
    %lt3A_28 = arith.cmpi slt, %select_n3A_22, %lt3A_27 : i32
    %ne3A_29 = arith.xori %lt3A_26, %lt3A_28 : i1
    %and3A_30 = arith.andi %ne3A_29, %ne3A_25 : i1
    %add3A_31 = arith.addi %rem3A_23, %select_n3A_22 : i32
    %select_n3A_32 = arith.select %and3A_30, %add3A_31, %rem3A_23 : i32
    %jit3A_33 = arith.constant 8 : i32
    %div3A_34 = arith.divsi %select_n3A, %jit3A_33 : i32
    %sign3A_35 = arith.constant 0 : i32
    %sign3A_36 = arith.cmpi sgt, %select_n3A, %sign3A_35 : i32
    %sign3A_37 = arith.extui %sign3A_36 : i1 to i32
    %sign3A_38 = arith.constant 0 : i32
    %sign3A_39 = arith.cmpi slt, %select_n3A, %sign3A_38 : i32
    %sign3A_40 = arith.extui %sign3A_39 : i1 to i32
    %sign3A_41 = arith.subi %sign3A_37, %sign3A_40 : i32
    %sign3A_42 = arith.constant 0 : i32
    %sign3A_43 = arith.cmpi sgt, %jit3A_33, %sign3A_42 : i32
    %sign3A_44 = arith.extui %sign3A_43 : i1 to i32
    %sign3A_45 = arith.constant 0 : i32
    %sign3A_46 = arith.cmpi slt, %jit3A_33, %sign3A_45 : i32
    %sign3A_47 = arith.extui %sign3A_46 : i1 to i32
    %sign3A_48 = arith.subi %sign3A_44, %sign3A_47 : i32
    %ne3A_49 = arith.cmpi ne, %sign3A_41, %sign3A_48 : i32
    %rem3A_50 = arith.remsi %select_n3A, %jit3A_33 : i32
    %ne3A_51 = arith.constant 0 : i32
    %ne3A_52 = arith.cmpi ne, %rem3A_50, %ne3A_51 : i32
    %and3A_53 = arith.andi %ne3A_49, %ne3A_52 : i1
    %sub3A_54 = arith.constant 1 : i32
    %sub3A_55 = arith.subi %div3A_34, %sub3A_54 : i32
    %select_n3A_56 = arith.select %and3A_53, %sub3A_55, %div3A_34 : i32
    %jit3A_57 = arith.constant 8 : i32
    %eq3A_58 = arith.constant 0 : i32
    %eq3A_59 = arith.cmpi eq, %jit3A_57, %eq3A_58 : i32
    %jit3A_60 = arith.constant 1 : i32
    %select_n3A_61 = arith.select %eq3A_59, %jit3A_60, %jit3A_57 : i32
    %rem3A_62 = arith.remsi %select_n3A, %select_n3A_61 : i32
    %ne3A_63 = arith.constant 0 : i32
    %ne3A_64 = arith.cmpi ne, %rem3A_62, %ne3A_63 : i32
    %lt3A_65 = arith.constant 0 : i32
    %lt3A_66 = arith.cmpi slt, %rem3A_62, %lt3A_65 : i32
    %lt3A_67 = arith.constant 0 : i32
    %lt3A_68 = arith.cmpi slt, %select_n3A_61, %lt3A_67 : i32
    %ne3A_69 = arith.xori %lt3A_66, %lt3A_68 : i1
    %and3A_70 = arith.andi %ne3A_69, %ne3A_64 : i1
    %add3A_71 = arith.addi %rem3A_62, %select_n3A_61 : i32
    %select_n3A_72 = arith.select %and3A_70, %add3A_71, %rem3A_62 : i32
    "tpu.region"() ({
      %run_scoped3A = tpu.sem_alloc : memref<!tpu.dma_semaphore, #tpu.memory_space<semaphore_mem>>
      %dma_start3A_318 = arith.constant 0 : i32
      %dma_start3A_319 = tpu.memref_slice %arg3[%select_n3A_56, %select_n3A_32, %select_n3A_72, %dma_start3A_318] : memref<25x32x8x128xi32, #tpu.memory_space<hbm>> -> memref<1x1x1x128xi32, #tpu.memory_space<hbm>>
      %dma_start3A_320 = tpu.memref_squeeze %dma_start3A_319 : memref<1x1x1x128xi32, #tpu.memory_space<hbm>> -> memref<128xi32, #tpu.memory_space<hbm>>
      %dma_start3A_321 = arith.constant 0 : i32
      %dma_start3A_322 = tpu.memref_slice %arg3[%select_n3A_56, %select_n3A_32, %select_n3A_72, %dma_start3A_321] : memref<25x32x8x128xi32, #tpu.memory_space<hbm>> -> memref<1x1x1x128xi32, #tpu.memory_space<hbm>>
      %dma_start3A_323 = tpu.memref_squeeze %dma_start3A_322 : memref<1x1x1x128xi32, #tpu.memory_space<hbm>> -> memref<128xi32, #tpu.memory_space<hbm>>
      tpu.enqueue_dma source(%dma_start3A_323 : memref<128xi32, #tpu.memory_space<hbm>>) target(%arg5 : memref<128xi32, #tpu.memory_space<vmem>>) target_semaphore(%run_scoped3A : memref<!tpu.dma_semaphore, #tpu.memory_space<semaphore_mem>>)
      %dma_wait3A_324 = arith.constant 0 : i32
      %dma_wait3A_325 = tpu.memref_slice %arg3[%select_n3A_56, %select_n3A_32, %select_n3A_72, %dma_wait3A_324] : memref<25x32x8x128xi32, #tpu.memory_space<hbm>> -> memref<1x1x1x128xi32, #tpu.memory_space<hbm>>
      %dma_wait3A_326 = tpu.memref_squeeze %dma_wait3A_325 : memref<1x1x1x128xi32, #tpu.memory_space<hbm>> -> memref<128xi32, #tpu.memory_space<hbm>>
      %dma_wait3A_327 = arith.constant 0 : i32
      %dma_wait3A_328 = tpu.memref_slice %arg3[%select_n3A_56, %select_n3A_32, %select_n3A_72, %dma_wait3A_327] : memref<25x32x8x128xi32, #tpu.memory_space<hbm>> -> memref<1x1x1x128xi32, #tpu.memory_space<hbm>>
      %dma_wait3A_329 = tpu.memref_squeeze %dma_wait3A_328 : memref<1x1x1x128xi32, #tpu.memory_space<hbm>> -> memref<128xi32, #tpu.memory_space<hbm>>
      tpu.wait_dma2 semaphore(%run_scoped3A : memref<!tpu.dma_semaphore, #tpu.memory_space<semaphore_mem>>) src(%dma_wait3A_329 : memref<128xi32, #tpu.memory_space<hbm>>) dst(%arg5 : memref<128xi32, #tpu.memory_space<vmem>>)
      tpu.yield
    }) : () -> ()
    %dma_start3A = arith.constant 0 : i32
    %dma_start3A_73 = arith.constant 0 : i32
    %dma_start3A_74 = tpu.memref_slice %arg2[%dma_start3A, %dma_start3A_73] : memref<1000000x128xf32, #tpu.memory_space<hbm>> -> memref<1000000x128xf32, #tpu.memory_space<hbm>>
    tpu.enqueue_indirect_dma source(%dma_start3A_74 : memref<1000000x128xf32, #tpu.memory_space<hbm>>) target(%arg7 : memref<128x128xf32, #tpu.memory_space<vmem>>) offsets(%arg5 : memref<128xi32, #tpu.memory_space<vmem>>) semaphore(%arg11 : memref<!tpu.dma_semaphore, #tpu.memory_space<semaphore_mem>>)
    %scan3A = arith.constant 0 : i32
    %scan3A_75 = arith.constant 100 : i32
    %scan3A_76 = arith.addi %scan3A, %scan3A_75 : i32
    %scan3A_77 = arith.constant 1 : i32
    scf.for %scan3A_318 = %scan3A to %scan3A_76 step %scan3A_77  : i32 {
      %mul3A_319 = arith.constant 2 : i32
      %mul3A_320 = arith.muli %scan3A_318, %mul3A_319 : i32
      %add3A_321 = arith.constant 0 : i32
      %add3A_322 = arith.addi %add3A_321, %mul3A_320 : i32
      %add3A_323 = arith.addi %mul3A_2, %add3A_322 : i32
      %add3A_324 = arith.constant 1 : i32
      %add3A_325 = arith.addi %add3A_323, %add3A_324 : i32
      %jit3A_326 = arith.constant 32 : i32
      %div3A_327 = arith.divsi %add3A_325, %jit3A_326 : i32
      %sign3A_328 = arith.constant 0 : i32
      %sign3A_329 = arith.cmpi sgt, %add3A_325, %sign3A_328 : i32
      %sign3A_330 = arith.extui %sign3A_329 : i1 to i32
      %sign3A_331 = arith.constant 0 : i32
      %sign3A_332 = arith.cmpi slt, %add3A_325, %sign3A_331 : i32
      %sign3A_333 = arith.extui %sign3A_332 : i1 to i32
      %sign3A_334 = arith.subi %sign3A_330, %sign3A_333 : i32
      %sign3A_335 = arith.constant 0 : i32
      %sign3A_336 = arith.cmpi sgt, %jit3A_326, %sign3A_335 : i32
      %sign3A_337 = arith.extui %sign3A_336 : i1 to i32
      %sign3A_338 = arith.constant 0 : i32
      %sign3A_339 = arith.cmpi slt, %jit3A_326, %sign3A_338 : i32
      %sign3A_340 = arith.extui %sign3A_339 : i1 to i32
      %sign3A_341 = arith.subi %sign3A_337, %sign3A_340 : i32
      %ne3A_342 = arith.cmpi ne, %sign3A_334, %sign3A_341 : i32
      %rem3A_343 = arith.remsi %add3A_325, %jit3A_326 : i32
      %ne3A_344 = arith.constant 0 : i32
      %ne3A_345 = arith.cmpi ne, %rem3A_343, %ne3A_344 : i32
      %and3A_346 = arith.andi %ne3A_342, %ne3A_345 : i1
      %sub3A_347 = arith.constant 1 : i32
      %sub3A_348 = arith.subi %div3A_327, %sub3A_347 : i32
      %select_n3A_349 = arith.select %and3A_346, %sub3A_348, %div3A_327 : i32
      %jit3A_350 = arith.constant 32 : i32
      %eq3A_351 = arith.constant 0 : i32
      %eq3A_352 = arith.cmpi eq, %jit3A_350, %eq3A_351 : i32
      %jit3A_353 = arith.constant 1 : i32
      %select_n3A_354 = arith.select %eq3A_352, %jit3A_353, %jit3A_350 : i32
      %rem3A_355 = arith.remsi %add3A_325, %select_n3A_354 : i32
      %ne3A_356 = arith.constant 0 : i32
      %ne3A_357 = arith.cmpi ne, %rem3A_355, %ne3A_356 : i32
      %lt3A_358 = arith.constant 0 : i32
      %lt3A_359 = arith.cmpi slt, %rem3A_355, %lt3A_358 : i32
      %lt3A_360 = arith.constant 0 : i32
      %lt3A_361 = arith.cmpi slt, %select_n3A_354, %lt3A_360 : i32
      %ne3A_362 = arith.xori %lt3A_359, %lt3A_361 : i1
      %and3A_363 = arith.andi %ne3A_362, %ne3A_357 : i1
      %add3A_364 = arith.addi %rem3A_355, %select_n3A_354 : i32
      %select_n3A_365 = arith.select %and3A_363, %add3A_364, %rem3A_355 : i32
      %jit3A_366 = arith.constant 8 : i32
      %div3A_367 = arith.divsi %select_n3A_349, %jit3A_366 : i32
      %sign3A_368 = arith.constant 0 : i32
      %sign3A_369 = arith.cmpi sgt, %select_n3A_349, %sign3A_368 : i32
      %sign3A_370 = arith.extui %sign3A_369 : i1 to i32
      %sign3A_371 = arith.constant 0 : i32
      %sign3A_372 = arith.cmpi slt, %select_n3A_349, %sign3A_371 : i32
      %sign3A_373 = arith.extui %sign3A_372 : i1 to i32
      %sign3A_374 = arith.subi %sign3A_370, %sign3A_373 : i32
      %sign3A_375 = arith.constant 0 : i32
      %sign3A_376 = arith.cmpi sgt, %jit3A_366, %sign3A_375 : i32
      %sign3A_377 = arith.extui %sign3A_376 : i1 to i32
      %sign3A_378 = arith.constant 0 : i32
      %sign3A_379 = arith.cmpi slt, %jit3A_366, %sign3A_378 : i32
      %sign3A_380 = arith.extui %sign3A_379 : i1 to i32
      %sign3A_381 = arith.subi %sign3A_377, %sign3A_380 : i32
      %ne3A_382 = arith.cmpi ne, %sign3A_374, %sign3A_381 : i32
      %rem3A_383 = arith.remsi %select_n3A_349, %jit3A_366 : i32
      %ne3A_384 = arith.constant 0 : i32
      %ne3A_385 = arith.cmpi ne, %rem3A_383, %ne3A_384 : i32
      %and3A_386 = arith.andi %ne3A_382, %ne3A_385 : i1
      %sub3A_387 = arith.constant 1 : i32
      %sub3A_388 = arith.subi %div3A_367, %sub3A_387 : i32
      %select_n3A_389 = arith.select %and3A_386, %sub3A_388, %div3A_367 : i32
      %jit3A_390 = arith.constant 8 : i32
      %eq3A_391 = arith.constant 0 : i32
      %eq3A_392 = arith.cmpi eq, %jit3A_390, %eq3A_391 : i32
      %jit3A_393 = arith.constant 1 : i32
      %select_n3A_394 = arith.select %eq3A_392, %jit3A_393, %jit3A_390 : i32
      %rem3A_395 = arith.remsi %select_n3A_349, %select_n3A_394 : i32
      %ne3A_396 = arith.constant 0 : i32
      %ne3A_397 = arith.cmpi ne, %rem3A_395, %ne3A_396 : i32
      %lt3A_398 = arith.constant 0 : i32
      %lt3A_399 = arith.cmpi slt, %rem3A_395, %lt3A_398 : i32
      %lt3A_400 = arith.constant 0 : i32
      %lt3A_401 = arith.cmpi slt, %select_n3A_394, %lt3A_400 : i32
      %ne3A_402 = arith.xori %lt3A_399, %lt3A_401 : i1
      %and3A_403 = arith.andi %ne3A_402, %ne3A_397 : i1
      %add3A_404 = arith.addi %rem3A_395, %select_n3A_394 : i32
      %select_n3A_405 = arith.select %and3A_403, %add3A_404, %rem3A_395 : i32
      "tpu.region"() ({
        %run_scoped3A = tpu.sem_alloc : memref<!tpu.dma_semaphore, #tpu.memory_space<semaphore_mem>>
        %dma_start3A_788 = arith.constant 0 : i32
        %dma_start3A_789 = tpu.memref_slice %arg3[%select_n3A_389, %select_n3A_365, %select_n3A_405, %dma_start3A_788] : memref<25x32x8x128xi32, #tpu.memory_space<hbm>> -> memref<1x1x1x128xi32, #tpu.memory_space<hbm>>
        %dma_start3A_790 = tpu.memref_squeeze %dma_start3A_789 : memref<1x1x1x128xi32, #tpu.memory_space<hbm>> -> memref<128xi32, #tpu.memory_space<hbm>>
        %dma_start3A_791 = arith.constant 0 : i32
        %dma_start3A_792 = tpu.memref_slice %arg3[%select_n3A_389, %select_n3A_365, %select_n3A_405, %dma_start3A_791] : memref<25x32x8x128xi32, #tpu.memory_space<hbm>> -> memref<1x1x1x128xi32, #tpu.memory_space<hbm>>
        %dma_start3A_793 = tpu.memref_squeeze %dma_start3A_792 : memref<1x1x1x128xi32, #tpu.memory_space<hbm>> -> memref<128xi32, #tpu.memory_space<hbm>>
        tpu.enqueue_dma source(%dma_start3A_793 : memref<128xi32, #tpu.memory_space<hbm>>) target(%arg6 : memref<128xi32, #tpu.memory_space<vmem>>) target_semaphore(%run_scoped3A : memref<!tpu.dma_semaphore, #tpu.memory_space<semaphore_mem>>)
        %dma_wait3A_794 = arith.constant 0 : i32
        %dma_wait3A_795 = tpu.memref_slice %arg3[%select_n3A_389, %select_n3A_365, %select_n3A_405, %dma_wait3A_794] : memref<25x32x8x128xi32, #tpu.memory_space<hbm>> -> memref<1x1x1x128xi32, #tpu.memory_space<hbm>>
        %dma_wait3A_796 = tpu.memref_squeeze %dma_wait3A_795 : memref<1x1x1x128xi32, #tpu.memory_space<hbm>> -> memref<128xi32, #tpu.memory_space<hbm>>
        %dma_wait3A_797 = arith.constant 0 : i32
        %dma_wait3A_798 = tpu.memref_slice %arg3[%select_n3A_389, %select_n3A_365, %select_n3A_405, %dma_wait3A_797] : memref<25x32x8x128xi32, #tpu.memory_space<hbm>> -> memref<1x1x1x128xi32, #tpu.memory_space<hbm>>
        %dma_wait3A_799 = tpu.memref_squeeze %dma_wait3A_798 : memref<1x1x1x128xi32, #tpu.memory_space<hbm>> -> memref<128xi32, #tpu.memory_space<hbm>>
        tpu.wait_dma2 semaphore(%run_scoped3A : memref<!tpu.dma_semaphore, #tpu.memory_space<semaphore_mem>>) src(%dma_wait3A_799 : memref<128xi32, #tpu.memory_space<hbm>>) dst(%arg6 : memref<128xi32, #tpu.memory_space<vmem>>)
        tpu.yield
      }) : () -> ()
      %dma_start3A_406 = arith.constant 0 : i32
      %dma_start3A_407 = arith.constant 0 : i32
      %dma_start3A_408 = tpu.memref_slice %arg2[%dma_start3A_406, %dma_start3A_407] : memref<1000000x128xf32, #tpu.memory_space<hbm>> -> memref<1000000x128xf32, #tpu.memory_space<hbm>>
      tpu.enqueue_indirect_dma source(%dma_start3A_408 : memref<1000000x128xf32, #tpu.memory_space<hbm>>) target(%arg8 : memref<128x128xf32, #tpu.memory_space<vmem>>) offsets(%arg6 : memref<128xi32, #tpu.memory_space<vmem>>) semaphore(%arg12 : memref<!tpu.dma_semaphore, #tpu.memory_space<semaphore_mem>>)
      %dma_wait3A_409 = arith.constant 0 : i32
      %dma_wait3A_410 = arith.constant 0 : i32
      %dma_wait3A_411 = tpu.memref_slice %arg2[%dma_wait3A_409, %dma_wait3A_410] : memref<1000000x128xf32, #tpu.memory_space<hbm>> -> memref<128x128xf32, #tpu.memory_space<hbm>>
      %dma_wait3A_412 = arith.constant 0 : i32
      %dma_wait3A_413 = arith.constant 0 : i32
      %dma_wait3A_414 = tpu.memref_slice %arg2[%dma_wait3A_412, %dma_wait3A_413] : memref<1000000x128xf32, #tpu.memory_space<hbm>> -> memref<128x128xf32, #tpu.memory_space<hbm>>
      tpu.wait_dma2 semaphore(%arg11 : memref<!tpu.dma_semaphore, #tpu.memory_space<semaphore_mem>>) src(%dma_wait3A_414 : memref<128x128xf32, #tpu.memory_space<hbm>>) dst(%arg7 : memref<128x128xf32, #tpu.memory_space<vmem>>)
      %gt3A = arith.constant 0 : i32
      %gt3A_415 = arith.cmpi sgt, %add3A_322, %gt3A : i32
      %convert_element_type3A = arith.extui %gt3A_415 : i1 to i32
      %cond3A = arith.constant 0 : i32
      %cond3A_416 = arith.cmpi ne, %convert_element_type3A, %cond3A : i32
      scf.if %cond3A_416 {
        %dma_wait3A_788 = arith.constant 0 : i32
        %dma_wait3A_789 = arith.constant 0 : i32
        %dma_wait3A_790 = arith.constant 0 : i32
        %dma_wait3A_791 = tpu.memref_slice %arg9[%dma_wait3A_789, %dma_wait3A_790] : memref<64x129xf32, #tpu.memory_space<vmem>> -> memref<8x128xf32, #tpu.memory_space<vmem>>
        %dma_wait3A_792 = arith.constant 0 : i32
        %dma_wait3A_793 = arith.constant 0 : i32
        %dma_wait3A_794 = tpu.memref_slice %arg4[%dma_wait3A_788, %dma_wait3A_792, %dma_wait3A_793] : memref<51200x8x128xf32, #tpu.memory_space<hbm>> -> memref<1x8x128xf32, #tpu.memory_space<hbm>>
        %dma_wait3A_795 = tpu.memref_squeeze %dma_wait3A_794 : memref<1x8x128xf32, #tpu.memory_space<hbm>> -> memref<8x128xf32, #tpu.memory_space<hbm>>
        %dma_wait3A_796 = arith.constant 0 : i32
        %dma_wait3A_797 = arith.constant 0 : i32
        %dma_wait3A_798 = tpu.memref_slice %arg4[%dma_wait3A_788, %dma_wait3A_796, %dma_wait3A_797] : memref<51200x8x128xf32, #tpu.memory_space<hbm>> -> memref<1x8x128xf32, #tpu.memory_space<hbm>>
        %dma_wait3A_799 = tpu.memref_squeeze %dma_wait3A_798 : memref<1x8x128xf32, #tpu.memory_space<hbm>> -> memref<8x128xf32, #tpu.memory_space<hbm>>
        %dma_wait3A_800 = arith.constant 0 : i32
        %dma_wait3A_801 = arith.constant 0 : i32
        %dma_wait3A_802 = tpu.memref_slice %arg9[%dma_wait3A_800, %dma_wait3A_801] : memref<64x129xf32, #tpu.memory_space<vmem>> -> memref<8x128xf32, #tpu.memory_space<vmem>>
        tpu.wait_dma2 semaphore(%arg13 : memref<!tpu.dma_semaphore, #tpu.memory_space<semaphore_mem>>) src(%dma_wait3A_802 : memref<8x128xf32, #tpu.memory_space<vmem>>) dst(%dma_wait3A_799 : memref<8x128xf32, #tpu.memory_space<hbm>>)
        %dma_wait3A_803 = arith.constant 0 : i32
        %dma_wait3A_804 = arith.constant 0 : i32
        %dma_wait3A_805 = arith.constant 0 : i32
        %dma_wait3A_806 = tpu.memref_slice %arg9[%dma_wait3A_804, %dma_wait3A_805] : memref<64x129xf32, #tpu.memory_space<vmem>> -> memref<8x128xf32, #tpu.memory_space<vmem>>
        %dma_wait3A_807 = arith.constant 0 : i32
        %dma_wait3A_808 = arith.constant 0 : i32
        %dma_wait3A_809 = tpu.memref_slice %arg4[%dma_wait3A_803, %dma_wait3A_807, %dma_wait3A_808] : memref<51200x8x128xf32, #tpu.memory_space<hbm>> -> memref<1x8x128xf32, #tpu.memory_space<hbm>>
        %dma_wait3A_810 = tpu.memref_squeeze %dma_wait3A_809 : memref<1x8x128xf32, #tpu.memory_space<hbm>> -> memref<8x128xf32, #tpu.memory_space<hbm>>
        %dma_wait3A_811 = arith.constant 0 : i32
        %dma_wait3A_812 = arith.constant 0 : i32
        %dma_wait3A_813 = tpu.memref_slice %arg4[%dma_wait3A_803, %dma_wait3A_811, %dma_wait3A_812] : memref<51200x8x128xf32, #tpu.memory_space<hbm>> -> memref<1x8x128xf32, #tpu.memory_space<hbm>>
        %dma_wait3A_814 = tpu.memref_squeeze %dma_wait3A_813 : memref<1x8x128xf32, #tpu.memory_space<hbm>> -> memref<8x128xf32, #tpu.memory_space<hbm>>
        %dma_wait3A_815 = arith.constant 0 : i32
        %dma_wait3A_816 = arith.constant 0 : i32
        %dma_wait3A_817 = tpu.memref_slice %arg9[%dma_wait3A_815, %dma_wait3A_816] : memref<64x129xf32, #tpu.memory_space<vmem>> -> memref<8x128xf32, #tpu.memory_space<vmem>>
        tpu.wait_dma2 semaphore(%arg13 : memref<!tpu.dma_semaphore, #tpu.memory_space<semaphore_mem>>) src(%dma_wait3A_817 : memref<8x128xf32, #tpu.memory_space<vmem>>) dst(%dma_wait3A_814 : memref<8x128xf32, #tpu.memory_space<hbm>>)
        %dma_wait3A_818 = arith.constant 0 : i32
        %dma_wait3A_819 = arith.constant 0 : i32
        %dma_wait3A_820 = arith.constant 0 : i32
        %dma_wait3A_821 = tpu.memref_slice %arg9[%dma_wait3A_819, %dma_wait3A_820] : memref<64x129xf32, #tpu.memory_space<vmem>> -> memref<8x128xf32, #tpu.memory_space<vmem>>
        %dma_wait3A_822 = arith.constant 0 : i32
        %dma_wait3A_823 = arith.constant 0 : i32
        %dma_wait3A_824 = tpu.memref_slice %arg4[%dma_wait3A_818, %dma_wait3A_822, %dma_wait3A_823] : memref<51200x8x128xf32, #tpu.memory_space<hbm>> -> memref<1x8x128xf32, #tpu.memory_space<hbm>>
        %dma_wait3A_825 = tpu.memref_squeeze %dma_wait3A_824 : memref<1x8x128xf32, #tpu.memory_space<hbm>> -> memref<8x128xf32, #tpu.memory_space<hbm>>
        %dma_wait3A_826 = arith.constant 0 : i32
        %dma_wait3A_827 = arith.constant 0 : i32
        %dma_wait3A_828 = tpu.memref_slice %arg4[%dma_wait3A_818, %dma_wait3A_826, %dma_wait3A_827] : memref<51200x8x128xf32, #tpu.memory_space<hbm>> -> memref<1x8x128xf32, #tpu.memory_space<hbm>>
        %dma_wait3A_829 = tpu.memref_squeeze %dma_wait3A_828 : memref<1x8x128xf32, #tpu.memory_space<hbm>> -> memref<8x128xf32, #tpu.memory_space<hbm>>
        %dma_wait3A_830 = arith.constant 0 : i32
        %dma_wait3A_831 = arith.constant 0 : i32
        %dma_wait3A_832 = tpu.memref_slice %arg9[%dma_wait3A_830, %dma_wait3A_831] : memref<64x129xf32, #tpu.memory_space<vmem>> -> memref<8x128xf32, #tpu.memory_space<vmem>>
        tpu.wait_dma2 semaphore(%arg13 : memref<!tpu.dma_semaphore, #tpu.memory_space<semaphore_mem>>) src(%dma_wait3A_832 : memref<8x128xf32, #tpu.memory_space<vmem>>) dst(%dma_wait3A_829 : memref<8x128xf32, #tpu.memory_space<hbm>>)
        %dma_wait3A_833 = arith.constant 0 : i32
        %dma_wait3A_834 = arith.constant 0 : i32
        %dma_wait3A_835 = arith.constant 0 : i32
        %dma_wait3A_836 = tpu.memref_slice %arg9[%dma_wait3A_834, %dma_wait3A_835] : memref<64x129xf32, #tpu.memory_space<vmem>> -> memref<8x128xf32, #tpu.memory_space<vmem>>
        %dma_wait3A_837 = arith.constant 0 : i32
        %dma_wait3A_838 = arith.constant 0 : i32
        %dma_wait3A_839 = tpu.memref_slice %arg4[%dma_wait3A_833, %dma_wait3A_837, %dma_wait3A_838] : memref<51200x8x128xf32, #tpu.memory_space<hbm>> -> memref<1x8x128xf32, #tpu.memory_space<hbm>>
        %dma_wait3A_840 = tpu.memref_squeeze %dma_wait3A_839 : memref<1x8x128xf32, #tpu.memory_space<hbm>> -> memref<8x128xf32, #tpu.memory_space<hbm>>
        %dma_wait3A_841 = arith.constant 0 : i32
        %dma_wait3A_842 = arith.constant 0 : i32
        %dma_wait3A_843 = tpu.memref_slice %arg4[%dma_wait3A_833, %dma_wait3A_841, %dma_wait3A_842] : memref<51200x8x128xf32, #tpu.memory_space<hbm>> -> memref<1x8x128xf32, #tpu.memory_space<hbm>>
        %dma_wait3A_844 = tpu.memref_squeeze %dma_wait3A_843 : memref<1x8x128xf32, #tpu.memory_space<hbm>> -> memref<8x128xf32, #tpu.memory_space<hbm>>
        %dma_wait3A_845 = arith.constant 0 : i32
        %dma_wait3A_846 = arith.constant 0 : i32
        %dma_wait3A_847 = tpu.memref_slice %arg9[%dma_wait3A_845, %dma_wait3A_846] : memref<64x129xf32, #tpu.memory_space<vmem>> -> memref<8x128xf32, #tpu.memory_space<vmem>>
        tpu.wait_dma2 semaphore(%arg13 : memref<!tpu.dma_semaphore, #tpu.memory_space<semaphore_mem>>) src(%dma_wait3A_847 : memref<8x128xf32, #tpu.memory_space<vmem>>) dst(%dma_wait3A_844 : memref<8x128xf32, #tpu.memory_space<hbm>>)
        %dma_wait3A_848 = arith.constant 0 : i32
        %dma_wait3A_849 = arith.constant 0 : i32
        %dma_wait3A_850 = arith.constant 0 : i32
        %dma_wait3A_851 = tpu.memref_slice %arg9[%dma_wait3A_849, %dma_wait3A_850] : memref<64x129xf32, #tpu.memory_space<vmem>> -> memref<8x128xf32, #tpu.memory_space<vmem>>
        %dma_wait3A_852 = arith.constant 0 : i32
        %dma_wait3A_853 = arith.constant 0 : i32
        %dma_wait3A_854 = tpu.memref_slice %arg4[%dma_wait3A_848, %dma_wait3A_852, %dma_wait3A_853] : memref<51200x8x128xf32, #tpu.memory_space<hbm>> -> memref<1x8x128xf32, #tpu.memory_space<hbm>>
        %dma_wait3A_855 = tpu.memref_squeeze %dma_wait3A_854 : memref<1x8x128xf32, #tpu.memory_space<hbm>> -> memref<8x128xf32, #tpu.memory_space<hbm>>
        %dma_wait3A_856 = arith.constant 0 : i32
        %dma_wait3A_857 = arith.constant 0 : i32
        %dma_wait3A_858 = tpu.memref_slice %arg4[%dma_wait3A_848, %dma_wait3A_856, %dma_wait3A_857] : memref<51200x8x128xf32, #tpu.memory_space<hbm>> -> memref<1x8x128xf32, #tpu.memory_space<hbm>>
        %dma_wait3A_859 = tpu.memref_squeeze %dma_wait3A_858 : memref<1x8x128xf32, #tpu.memory_space<hbm>> -> memref<8x128xf32, #tpu.memory_space<hbm>>
        %dma_wait3A_860 = arith.constant 0 : i32
        %dma_wait3A_861 = arith.constant 0 : i32
        %dma_wait3A_862 = tpu.memref_slice %arg9[%dma_wait3A_860, %dma_wait3A_861] : memref<64x129xf32, #tpu.memory_space<vmem>> -> memref<8x128xf32, #tpu.memory_space<vmem>>
        tpu.wait_dma2 semaphore(%arg13 : memref<!tpu.dma_semaphore, #tpu.memory_space<semaphore_mem>>) src(%dma_wait3A_862 : memref<8x128xf32, #tpu.memory_space<vmem>>) dst(%dma_wait3A_859 : memref<8x128xf32, #tpu.memory_space<hbm>>)
        %dma_wait3A_863 = arith.constant 0 : i32
        %dma_wait3A_864 = arith.constant 0 : i32
        %dma_wait3A_865 = arith.constant 0 : i32
        %dma_wait3A_866 = tpu.memref_slice %arg9[%dma_wait3A_864, %dma_wait3A_865] : memref<64x129xf32, #tpu.memory_space<vmem>> -> memref<8x128xf32, #tpu.memory_space<vmem>>
        %dma_wait3A_867 = arith.constant 0 : i32
        %dma_wait3A_868 = arith.constant 0 : i32
        %dma_wait3A_869 = tpu.memref_slice %arg4[%dma_wait3A_863, %dma_wait3A_867, %dma_wait3A_868] : memref<51200x8x128xf32, #tpu.memory_space<hbm>> -> memref<1x8x128xf32, #tpu.memory_space<hbm>>
        %dma_wait3A_870 = tpu.memref_squeeze %dma_wait3A_869 : memref<1x8x128xf32, #tpu.memory_space<hbm>> -> memref<8x128xf32, #tpu.memory_space<hbm>>
        %dma_wait3A_871 = arith.constant 0 : i32
        %dma_wait3A_872 = arith.constant 0 : i32
        %dma_wait3A_873 = tpu.memref_slice %arg4[%dma_wait3A_863, %dma_wait3A_871, %dma_wait3A_872] : memref<51200x8x128xf32, #tpu.memory_space<hbm>> -> memref<1x8x128xf32, #tpu.memory_space<hbm>>
        %dma_wait3A_874 = tpu.memref_squeeze %dma_wait3A_873 : memref<1x8x128xf32, #tpu.memory_space<hbm>> -> memref<8x128xf32, #tpu.memory_space<hbm>>
        %dma_wait3A_875 = arith.constant 0 : i32
        %dma_wait3A_876 = arith.constant 0 : i32
        %dma_wait3A_877 = tpu.memref_slice %arg9[%dma_wait3A_875, %dma_wait3A_876] : memref<64x129xf32, #tpu.memory_space<vmem>> -> memref<8x128xf32, #tpu.memory_space<vmem>>
        tpu.wait_dma2 semaphore(%arg13 : memref<!tpu.dma_semaphore, #tpu.memory_space<semaphore_mem>>) src(%dma_wait3A_877 : memref<8x128xf32, #tpu.memory_space<vmem>>) dst(%dma_wait3A_874 : memref<8x128xf32, #tpu.memory_space<hbm>>)
        %dma_wait3A_878 = arith.constant 0 : i32
        %dma_wait3A_879 = arith.constant 0 : i32
        %dma_wait3A_880 = arith.constant 0 : i32
        %dma_wait3A_881 = tpu.memref_slice %arg9[%dma_wait3A_879, %dma_wait3A_880] : memref<64x129xf32, #tpu.memory_space<vmem>> -> memref<8x128xf32, #tpu.memory_space<vmem>>
        %dma_wait3A_882 = arith.constant 0 : i32
        %dma_wait3A_883 = arith.constant 0 : i32
        %dma_wait3A_884 = tpu.memref_slice %arg4[%dma_wait3A_878, %dma_wait3A_882, %dma_wait3A_883] : memref<51200x8x128xf32, #tpu.memory_space<hbm>> -> memref<1x8x128xf32, #tpu.memory_space<hbm>>
        %dma_wait3A_885 = tpu.memref_squeeze %dma_wait3A_884 : memref<1x8x128xf32, #tpu.memory_space<hbm>> -> memref<8x128xf32, #tpu.memory_space<hbm>>
        %dma_wait3A_886 = arith.constant 0 : i32
        %dma_wait3A_887 = arith.constant 0 : i32
        %dma_wait3A_888 = tpu.memref_slice %arg4[%dma_wait3A_878, %dma_wait3A_886, %dma_wait3A_887] : memref<51200x8x128xf32, #tpu.memory_space<hbm>> -> memref<1x8x128xf32, #tpu.memory_space<hbm>>
        %dma_wait3A_889 = tpu.memref_squeeze %dma_wait3A_888 : memref<1x8x128xf32, #tpu.memory_space<hbm>> -> memref<8x128xf32, #tpu.memory_space<hbm>>
        %dma_wait3A_890 = arith.constant 0 : i32
        %dma_wait3A_891 = arith.constant 0 : i32
        %dma_wait3A_892 = tpu.memref_slice %arg9[%dma_wait3A_890, %dma_wait3A_891] : memref<64x129xf32, #tpu.memory_space<vmem>> -> memref<8x128xf32, #tpu.memory_space<vmem>>
        tpu.wait_dma2 semaphore(%arg13 : memref<!tpu.dma_semaphore, #tpu.memory_space<semaphore_mem>>) src(%dma_wait3A_892 : memref<8x128xf32, #tpu.memory_space<vmem>>) dst(%dma_wait3A_889 : memref<8x128xf32, #tpu.memory_space<hbm>>)
        %dma_wait3A_893 = arith.constant 0 : i32
        %dma_wait3A_894 = arith.constant 0 : i32
        %dma_wait3A_895 = arith.constant 0 : i32
        %dma_wait3A_896 = tpu.memref_slice %arg9[%dma_wait3A_894, %dma_wait3A_895] : memref<64x129xf32, #tpu.memory_space<vmem>> -> memref<8x128xf32, #tpu.memory_space<vmem>>
        %dma_wait3A_897 = arith.constant 0 : i32
        %dma_wait3A_898 = arith.constant 0 : i32
        %dma_wait3A_899 = tpu.memref_slice %arg4[%dma_wait3A_893, %dma_wait3A_897, %dma_wait3A_898] : memref<51200x8x128xf32, #tpu.memory_space<hbm>> -> memref<1x8x128xf32, #tpu.memory_space<hbm>>
        %dma_wait3A_900 = tpu.memref_squeeze %dma_wait3A_899 : memref<1x8x128xf32, #tpu.memory_space<hbm>> -> memref<8x128xf32, #tpu.memory_space<hbm>>
        %dma_wait3A_901 = arith.constant 0 : i32
        %dma_wait3A_902 = arith.constant 0 : i32
        %dma_wait3A_903 = tpu.memref_slice %arg4[%dma_wait3A_893, %dma_wait3A_901, %dma_wait3A_902] : memref<51200x8x128xf32, #tpu.memory_space<hbm>> -> memref<1x8x128xf32, #tpu.memory_space<hbm>>
        %dma_wait3A_904 = tpu.memref_squeeze %dma_wait3A_903 : memref<1x8x128xf32, #tpu.memory_space<hbm>> -> memref<8x128xf32, #tpu.memory_space<hbm>>
        %dma_wait3A_905 = arith.constant 0 : i32
        %dma_wait3A_906 = arith.constant 0 : i32
        %dma_wait3A_907 = tpu.memref_slice %arg9[%dma_wait3A_905, %dma_wait3A_906] : memref<64x129xf32, #tpu.memory_space<vmem>> -> memref<8x128xf32, #tpu.memory_space<vmem>>
        tpu.wait_dma2 semaphore(%arg13 : memref<!tpu.dma_semaphore, #tpu.memory_space<semaphore_mem>>) src(%dma_wait3A_907 : memref<8x128xf32, #tpu.memory_space<vmem>>) dst(%dma_wait3A_904 : memref<8x128xf32, #tpu.memory_space<hbm>>)
      } else {
      }
      %parallel_loop3A = arith.constant 0 : i32
      %parallel_loop3A_417 = arith.constant 128 : i32
      %parallel_loop3A_418 = arith.constant 1 : i32
      scf.for %parallel_loop3A_788 = %parallel_loop3A to %parallel_loop3A_417 step %parallel_loop3A_418  : i32 {
        %parallel_loop3A_789 = vector.broadcast %parallel_loop3A_788 : i32 to vector<16xi32>
        %parallel_loop3A_790 = arith.index_cast %parallel_loop3A_788 : i32 to index
        %parallel_loop3A_791 = arith.constant 0 : index
        %parallel_loop3A_792 = tpu.vector_load %arg7[%parallel_loop3A_790, %parallel_loop3A_791] {strides = array<i32>} : memref<128x128xf32, #tpu.memory_space<vmem>>, vector<16xf32>,
        %parallel_loop3A_793 = arith.constant 8.000000e+00 : f32
        %parallel_loop3A_794 = vector.broadcast %parallel_loop3A_793 : f32 to vector<16xf32>
        %parallel_loop3A_795 = arith.mulf %parallel_loop3A_792, %parallel_loop3A_794 : vector<16xf32>
        %parallel_loop3A_796 = arith.constant 0 : i32
        %parallel_loop3A_797 = vector.broadcast %parallel_loop3A_796 : i32 to vector<16xi32>
        %parallel_loop3A_798 = arith.addi %iota3A, %parallel_loop3A_797 : vector<16xi32>
        tpu.vector_store_idx %arg9[%parallel_loop3A_798, %parallel_loop3A_789], %parallel_loop3A_795 : memref<64x129xf32, #tpu.memory_space<vmem>>[vector<16xi32>, vector<16xi32>], vector<16xf32>,
        %parallel_loop3A_799 = arith.index_cast %parallel_loop3A_788 : i32 to index
        %parallel_loop3A_800 = arith.constant 16 : index
        %parallel_loop3A_801 = tpu.vector_load %arg7[%parallel_loop3A_799, %parallel_loop3A_800] {strides = array<i32>} : memref<128x128xf32, #tpu.memory_space<vmem>>, vector<16xf32>,
        %parallel_loop3A_802 = arith.constant 8.000000e+00 : f32
        %parallel_loop3A_803 = vector.broadcast %parallel_loop3A_802 : f32 to vector<16xf32>
        %parallel_loop3A_804 = arith.mulf %parallel_loop3A_801, %parallel_loop3A_803 : vector<16xf32>
        %parallel_loop3A_805 = arith.constant 16 : i32
        %parallel_loop3A_806 = vector.broadcast %parallel_loop3A_805 : i32 to vector<16xi32>
        %parallel_loop3A_807 = arith.addi %iota3A, %parallel_loop3A_806 : vector<16xi32>
        tpu.vector_store_idx %arg9[%parallel_loop3A_807, %parallel_loop3A_789], %parallel_loop3A_804 : memref<64x129xf32, #tpu.memory_space<vmem>>[vector<16xi32>, vector<16xi32>], vector<16xf32>,
        %parallel_loop3A_808 = arith.index_cast %parallel_loop3A_788 : i32 to index
        %parallel_loop3A_809 = arith.constant 32 : index
        %parallel_loop3A_810 = tpu.vector_load %arg7[%parallel_loop3A_808, %parallel_loop3A_809] {strides = array<i32>} : memref<128x128xf32, #tpu.memory_space<vmem>>, vector<16xf32>,
        %parallel_loop3A_811 = arith.constant 8.000000e+00 : f32
        %parallel_loop3A_812 = vector.broadcast %parallel_loop3A_811 : f32 to vector<16xf32>
        %parallel_loop3A_813 = arith.mulf %parallel_loop3A_810, %parallel_loop3A_812 : vector<16xf32>
        %parallel_loop3A_814 = arith.constant 32 : i32
        %parallel_loop3A_815 = vector.broadcast %parallel_loop3A_814 : i32 to vector<16xi32>
        %parallel_loop3A_816 = arith.addi %iota3A, %parallel_loop3A_815 : vector<16xi32>
        tpu.vector_store_idx %arg9[%parallel_loop3A_816, %parallel_loop3A_789], %parallel_loop3A_813 : memref<64x129xf32, #tpu.memory_space<vmem>>[vector<16xi32>, vector<16xi32>], vector<16xf32>,
        %parallel_loop3A_817 = arith.index_cast %parallel_loop3A_788 : i32 to index
        %parallel_loop3A_818 = arith.constant 48 : index
        %parallel_loop3A_819 = tpu.vector_load %arg7[%parallel_loop3A_817, %parallel_loop3A_818] {strides = array<i32>} : memref<128x128xf32, #tpu.memory_space<vmem>>, vector<16xf32>,
        %parallel_loop3A_820 = arith.constant 8.000000e+00 : f32
        %parallel_loop3A_821 = vector.broadcast %parallel_loop3A_820 : f32 to vector<16xf32>
        %parallel_loop3A_822 = arith.mulf %parallel_loop3A_819, %parallel_loop3A_821 : vector<16xf32>
        %parallel_loop3A_823 = arith.constant 48 : i32
        %parallel_loop3A_824 = vector.broadcast %parallel_loop3A_823 : i32 to vector<16xi32>
        %parallel_loop3A_825 = arith.addi %iota3A, %parallel_loop3A_824 : vector<16xi32>
        tpu.vector_store_idx %arg9[%parallel_loop3A_825, %parallel_loop3A_789], %parallel_loop3A_822 : memref<64x129xf32, #tpu.memory_space<vmem>>[vector<16xi32>, vector<16xi32>], vector<16xf32>,
      } {sc.loop_unroll_factor = 8 : i64, sc.parallel_access}
      %jit3A_419 = arith.constant 32 : i32
      %div3A_420 = arith.divsi %add3A_323, %jit3A_419 : i32
      %sign3A_421 = arith.constant 0 : i32
      %sign3A_422 = arith.cmpi sgt, %add3A_323, %sign3A_421 : i32
      %sign3A_423 = arith.extui %sign3A_422 : i1 to i32
      %sign3A_424 = arith.constant 0 : i32
      %sign3A_425 = arith.cmpi slt, %add3A_323, %sign3A_424 : i32
      %sign3A_426 = arith.extui %sign3A_425 : i1 to i32
      %sign3A_427 = arith.subi %sign3A_423, %sign3A_426 : i32
      %sign3A_428 = arith.constant 0 : i32
      %sign3A_429 = arith.cmpi sgt, %jit3A_419, %sign3A_428 : i32
      %sign3A_430 = arith.extui %sign3A_429 : i1 to i32
      %sign3A_431 = arith.constant 0 : i32
      %sign3A_432 = arith.cmpi slt, %jit3A_419, %sign3A_431 : i32
      %sign3A_433 = arith.extui %sign3A_432 : i1 to i32
      %sign3A_434 = arith.subi %sign3A_430, %sign3A_433 : i32
      %ne3A_435 = arith.cmpi ne, %sign3A_427, %sign3A_434 : i32
      %rem3A_436 = arith.remsi %add3A_323, %jit3A_419 : i32
      %ne3A_437 = arith.constant 0 : i32
      %ne3A_438 = arith.cmpi ne, %rem3A_436, %ne3A_437 : i32
      %and3A_439 = arith.andi %ne3A_435, %ne3A_438 : i1
      %sub3A_440 = arith.constant 1 : i32
      %sub3A_441 = arith.subi %div3A_420, %sub3A_440 : i32
      %select_n3A_442 = arith.select %and3A_439, %sub3A_441, %div3A_420 : i32
      %jit3A_443 = arith.constant 32 : i32
      %eq3A_444 = arith.constant 0 : i32
      %eq3A_445 = arith.cmpi eq, %jit3A_443, %eq3A_444 : i32
      %jit3A_446 = arith.constant 1 : i32
      %select_n3A_447 = arith.select %eq3A_445, %jit3A_446, %jit3A_443 : i32
      %rem3A_448 = arith.remsi %add3A_323, %select_n3A_447 : i32
      %ne3A_449 = arith.constant 0 : i32
      %ne3A_450 = arith.cmpi ne, %rem3A_448, %ne3A_449 : i32
      %lt3A_451 = arith.constant 0 : i32
      %lt3A_452 = arith.cmpi slt, %rem3A_448, %lt3A_451 : i32
      %lt3A_453 = arith.constant 0 : i32
      %lt3A_454 = arith.cmpi slt, %select_n3A_447, %lt3A_453 : i32
      %ne3A_455 = arith.xori %lt3A_452, %lt3A_454 : i1
      %and3A_456 = arith.andi %ne3A_455, %ne3A_450 : i1
      %add3A_457 = arith.addi %rem3A_448, %select_n3A_447 : i32
      %select_n3A_458 = arith.select %and3A_456, %add3A_457, %rem3A_448 : i32
      %mul3A_459 = arith.constant 8 : i32
      %mul3A_460 = arith.muli %select_n3A_442, %mul3A_459 : i32
      %mul3A_461 = arith.constant 32 : i32
      %mul3A_462 = arith.muli %mul3A_460, %mul3A_461 : i32
      %add3A_463 = arith.addi %mul3A_462, %select_n3A_458 : i32
      %add3A_464 = arith.constant 0 : i32
      %add3A_465 = arith.addi %add3A_463, %add3A_464 : i32
      %dma_start3A_466 = arith.constant 0 : i32
      %dma_start3A_467 = arith.constant 0 : i32
      %dma_start3A_468 = tpu.memref_slice %arg9[%dma_start3A_466, %dma_start3A_467] : memref<64x129xf32, #tpu.memory_space<vmem>> -> memref<8x128xf32, #tpu.memory_space<vmem>>
      %dma_start3A_469 = arith.constant 0 : i32
      %dma_start3A_470 = arith.constant 0 : i32
      %dma_start3A_471 = tpu.memref_slice %arg4[%add3A_465, %dma_start3A_469, %dma_start3A_470] : memref<51200x8x128xf32, #tpu.memory_space<hbm>> -> memref<1x8x128xf32, #tpu.memory_space<hbm>>
      %dma_start3A_472 = tpu.memref_squeeze %dma_start3A_471 : memref<1x8x128xf32, #tpu.memory_space<hbm>> -> memref<8x128xf32, #tpu.memory_space<hbm>>
      %dma_start3A_473 = arith.constant 0 : i32
      %dma_start3A_474 = arith.constant 0 : i32
      %dma_start3A_475 = tpu.memref_slice %arg4[%add3A_465, %dma_start3A_473, %dma_start3A_474] : memref<51200x8x128xf32, #tpu.memory_space<hbm>> -> memref<1x8x128xf32, #tpu.memory_space<hbm>>
      %dma_start3A_476 = tpu.memref_squeeze %dma_start3A_475 : memref<1x8x128xf32, #tpu.memory_space<hbm>> -> memref<8x128xf32, #tpu.memory_space<hbm>>
      %dma_start3A_477 = arith.constant 0 : i32
      %dma_start3A_478 = arith.constant 0 : i32
      %dma_start3A_479 = tpu.memref_slice %arg9[%dma_start3A_477, %dma_start3A_478] : memref<64x129xf32, #tpu.memory_space<vmem>> -> memref<8x128xf32, #tpu.memory_space<vmem>>
      tpu.enqueue_dma source(%dma_start3A_479 : memref<8x128xf32, #tpu.memory_space<vmem>>) target(%dma_start3A_476 : memref<8x128xf32, #tpu.memory_space<hbm>>) target_semaphore(%arg13 : memref<!tpu.dma_semaphore, #tpu.memory_space<semaphore_mem>>)
      %add3A_480 = arith.constant 32 : i32
      %add3A_481 = arith.addi %add3A_463, %add3A_480 : i32
      %dma_start3A_482 = arith.constant 8 : i32
      %dma_start3A_483 = arith.constant 0 : i32
      %dma_start3A_484 = tpu.memref_slice %arg9[%dma_start3A_482, %dma_start3A_483] : memref<64x129xf32, #tpu.memory_space<vmem>> -> memref<8x128xf32, #tpu.memory_space<vmem>>
      %dma_start3A_485 = arith.constant 0 : i32
      %dma_start3A_486 = arith.constant 0 : i32
      %dma_start3A_487 = tpu.memref_slice %arg4[%add3A_481, %dma_start3A_485, %dma_start3A_486] : memref<51200x8x128xf32, #tpu.memory_space<hbm>> -> memref<1x8x128xf32, #tpu.memory_space<hbm>>
      %dma_start3A_488 = tpu.memref_squeeze %dma_start3A_487 : memref<1x8x128xf32, #tpu.memory_space<hbm>> -> memref<8x128xf32, #tpu.memory_space<hbm>>
      %dma_start3A_489 = arith.constant 0 : i32
      %dma_start3A_490 = arith.constant 0 : i32
      %dma_start3A_491 = tpu.memref_slice %arg4[%add3A_481, %dma_start3A_489, %dma_start3A_490] : memref<51200x8x128xf32, #tpu.memory_space<hbm>> -> memref<1x8x128xf32, #tpu.memory_space<hbm>>
      %dma_start3A_492 = tpu.memref_squeeze %dma_start3A_491 : memref<1x8x128xf32, #tpu.memory_space<hbm>> -> memref<8x128xf32, #tpu.memory_space<hbm>>
      %dma_start3A_493 = arith.constant 8 : i32
      %dma_start3A_494 = arith.constant 0 : i32
      %dma_start3A_495 = tpu.memref_slice %arg9[%dma_start3A_493, %dma_start3A_494] : memref<64x129xf32, #tpu.memory_space<vmem>> -> memref<8x128xf32, #tpu.memory_space<vmem>>
      tpu.enqueue_dma source(%dma_start3A_495 : memref<8x128xf32, #tpu.memory_space<vmem>>) target(%dma_start3A_492 : memref<8x128xf32, #tpu.memory_space<hbm>>) target_semaphore(%arg13 : memref<!tpu.dma_semaphore, #tpu.memory_space<semaphore_mem>>)
      %add3A_496 = arith.constant 64 : i32
      %add3A_497 = arith.addi %add3A_463, %add3A_496 : i32
      %dma_start3A_498 = arith.constant 16 : i32
      %dma_start3A_499 = arith.constant 0 : i32
      %dma_start3A_500 = tpu.memref_slice %arg9[%dma_start3A_498, %dma_start3A_499] : memref<64x129xf32, #tpu.memory_space<vmem>> -> memref<8x128xf32, #tpu.memory_space<vmem>>
      %dma_start3A_501 = arith.constant 0 : i32
      %dma_start3A_502 = arith.constant 0 : i32
      %dma_start3A_503 = tpu.memref_slice %arg4[%add3A_497, %dma_start3A_501, %dma_start3A_502] : memref<51200x8x128xf32, #tpu.memory_space<hbm>> -> memref<1x8x128xf32, #tpu.memory_space<hbm>>
      %dma_start3A_504 = tpu.memref_squeeze %dma_start3A_503 : memref<1x8x128xf32, #tpu.memory_space<hbm>> -> memref<8x128xf32, #tpu.memory_space<hbm>>
      %dma_start3A_505 = arith.constant 0 : i32
      %dma_start3A_506 = arith.constant 0 : i32
      %dma_start3A_507 = tpu.memref_slice %arg4[%add3A_497, %dma_start3A_505, %dma_start3A_506] : memref<51200x8x128xf32, #tpu.memory_space<hbm>> -> memref<1x8x128xf32, #tpu.memory_space<hbm>>
      %dma_start3A_508 = tpu.memref_squeeze %dma_start3A_507 : memref<1x8x128xf32, #tpu.memory_space<hbm>> -> memref<8x128xf32, #tpu.memory_space<hbm>>
      %dma_start3A_509 = arith.constant 16 : i32
      %dma_start3A_510 = arith.constant 0 : i32
      %dma_start3A_511 = tpu.memref_slice %arg9[%dma_start3A_509, %dma_start3A_510] : memref<64x129xf32, #tpu.memory_space<vmem>> -> memref<8x128xf32, #tpu.memory_space<vmem>>
      tpu.enqueue_dma source(%dma_start3A_511 : memref<8x128xf32, #tpu.memory_space<vmem>>) target(%dma_start3A_508 : memref<8x128xf32, #tpu.memory_space<hbm>>) target_semaphore(%arg13 : memref<!tpu.dma_semaphore, #tpu.memory_space<semaphore_mem>>)
      %add3A_512 = arith.constant 96 : i32
      %add3A_513 = arith.addi %add3A_463, %add3A_512 : i32
      %dma_start3A_514 = arith.constant 24 : i32
      %dma_start3A_515 = arith.constant 0 : i32
      %dma_start3A_516 = tpu.memref_slice %arg9[%dma_start3A_514, %dma_start3A_515] : memref<64x129xf32, #tpu.memory_space<vmem>> -> memref<8x128xf32, #tpu.memory_space<vmem>>
      %dma_start3A_517 = arith.constant 0 : i32
      %dma_start3A_518 = arith.constant 0 : i32
      %dma_start3A_519 = tpu.memref_slice %arg4[%add3A_513, %dma_start3A_517, %dma_start3A_518] : memref<51200x8x128xf32, #tpu.memory_space<hbm>> -> memref<1x8x128xf32, #tpu.memory_space<hbm>>
      %dma_start3A_520 = tpu.memref_squeeze %dma_start3A_519 : memref<1x8x128xf32, #tpu.memory_space<hbm>> -> memref<8x128xf32, #tpu.memory_space<hbm>>
      %dma_start3A_521 = arith.constant 0 : i32
      %dma_start3A_522 = arith.constant 0 : i32
      %dma_start3A_523 = tpu.memref_slice %arg4[%add3A_513, %dma_start3A_521, %dma_start3A_522] : memref<51200x8x128xf32, #tpu.memory_space<hbm>> -> memref<1x8x128xf32, #tpu.memory_space<hbm>>
      %dma_start3A_524 = tpu.memref_squeeze %dma_start3A_523 : memref<1x8x128xf32, #tpu.memory_space<hbm>> -> memref<8x128xf32, #tpu.memory_space<hbm>>
      %dma_start3A_525 = arith.constant 24 : i32
      %dma_start3A_526 = arith.constant 0 : i32
      %dma_start3A_527 = tpu.memref_slice %arg9[%dma_start3A_525, %dma_start3A_526] : memref<64x129xf32, #tpu.memory_space<vmem>> -> memref<8x128xf32, #tpu.memory_space<vmem>>
      tpu.enqueue_dma source(%dma_start3A_527 : memref<8x128xf32, #tpu.memory_space<vmem>>) target(%dma_start3A_524 : memref<8x128xf32, #tpu.memory_space<hbm>>) target_semaphore(%arg13 : memref<!tpu.dma_semaphore, #tpu.memory_space<semaphore_mem>>)
      %add3A_528 = arith.constant 128 : i32
      %add3A_529 = arith.addi %add3A_463, %add3A_528 : i32
      %dma_start3A_530 = arith.constant 32 : i32
      %dma_start3A_531 = arith.constant 0 : i32
      %dma_start3A_532 = tpu.memref_slice %arg9[%dma_start3A_530, %dma_start3A_531] : memref<64x129xf32, #tpu.memory_space<vmem>> -> memref<8x128xf32, #tpu.memory_space<vmem>>
      %dma_start3A_533 = arith.constant 0 : i32
      %dma_start3A_534 = arith.constant 0 : i32
      %dma_start3A_535 = tpu.memref_slice %arg4[%add3A_529, %dma_start3A_533, %dma_start3A_534] : memref<51200x8x128xf32, #tpu.memory_space<hbm>> -> memref<1x8x128xf32, #tpu.memory_space<hbm>>
      %dma_start3A_536 = tpu.memref_squeeze %dma_start3A_535 : memref<1x8x128xf32, #tpu.memory_space<hbm>> -> memref<8x128xf32, #tpu.memory_space<hbm>>
      %dma_start3A_537 = arith.constant 0 : i32
      %dma_start3A_538 = arith.constant 0 : i32
      %dma_start3A_539 = tpu.memref_slice %arg4[%add3A_529, %dma_start3A_537, %dma_start3A_538] : memref<51200x8x128xf32, #tpu.memory_space<hbm>> -> memref<1x8x128xf32, #tpu.memory_space<hbm>>
      %dma_start3A_540 = tpu.memref_squeeze %dma_start3A_539 : memref<1x8x128xf32, #tpu.memory_space<hbm>> -> memref<8x128xf32, #tpu.memory_space<hbm>>
      %dma_start3A_541 = arith.constant 32 : i32
      %dma_start3A_542 = arith.constant 0 : i32
      %dma_start3A_543 = tpu.memref_slice %arg9[%dma_start3A_541, %dma_start3A_542] : memref<64x129xf32, #tpu.memory_space<vmem>> -> memref<8x128xf32, #tpu.memory_space<vmem>>
      tpu.enqueue_dma source(%dma_start3A_543 : memref<8x128xf32, #tpu.memory_space<vmem>>) target(%dma_start3A_540 : memref<8x128xf32, #tpu.memory_space<hbm>>) target_semaphore(%arg13 : memref<!tpu.dma_semaphore, #tpu.memory_space<semaphore_mem>>)
      %add3A_544 = arith.constant 160 : i32
      %add3A_545 = arith.addi %add3A_463, %add3A_544 : i32
      %dma_start3A_546 = arith.constant 40 : i32
      %dma_start3A_547 = arith.constant 0 : i32
      %dma_start3A_548 = tpu.memref_slice %arg9[%dma_start3A_546, %dma_start3A_547] : memref<64x129xf32, #tpu.memory_space<vmem>> -> memref<8x128xf32, #tpu.memory_space<vmem>>
      %dma_start3A_549 = arith.constant 0 : i32
      %dma_start3A_550 = arith.constant 0 : i32
      %dma_start3A_551 = tpu.memref_slice %arg4[%add3A_545, %dma_start3A_549, %dma_start3A_550] : memref<51200x8x128xf32, #tpu.memory_space<hbm>> -> memref<1x8x128xf32, #tpu.memory_space<hbm>>
      %dma_start3A_552 = tpu.memref_squeeze %dma_start3A_551 : memref<1x8x128xf32, #tpu.memory_space<hbm>> -> memref<8x128xf32, #tpu.memory_space<hbm>>
      %dma_start3A_553 = arith.constant 0 : i32
      %dma_start3A_554 = arith.constant 0 : i32
      %dma_start3A_555 = tpu.memref_slice %arg4[%add3A_545, %dma_start3A_553, %dma_start3A_554] : memref<51200x8x128xf32, #tpu.memory_space<hbm>> -> memref<1x8x128xf32, #tpu.memory_space<hbm>>
      %dma_start3A_556 = tpu.memref_squeeze %dma_start3A_555 : memref<1x8x128xf32, #tpu.memory_space<hbm>> -> memref<8x128xf32, #tpu.memory_space<hbm>>
      %dma_start3A_557 = arith.constant 40 : i32
      %dma_start3A_558 = arith.constant 0 : i32
      %dma_start3A_559 = tpu.memref_slice %arg9[%dma_start3A_557, %dma_start3A_558] : memref<64x129xf32, #tpu.memory_space<vmem>> -> memref<8x128xf32, #tpu.memory_space<vmem>>
      tpu.enqueue_dma source(%dma_start3A_559 : memref<8x128xf32, #tpu.memory_space<vmem>>) target(%dma_start3A_556 : memref<8x128xf32, #tpu.memory_space<hbm>>) target_semaphore(%arg13 : memref<!tpu.dma_semaphore, #tpu.memory_space<semaphore_mem>>)
      %add3A_560 = arith.constant 192 : i32
      %add3A_561 = arith.addi %add3A_463, %add3A_560 : i32
      %dma_start3A_562 = arith.constant 48 : i32
      %dma_start3A_563 = arith.constant 0 : i32
      %dma_start3A_564 = tpu.memref_slice %arg9[%dma_start3A_562, %dma_start3A_563] : memref<64x129xf32, #tpu.memory_space<vmem>> -> memref<8x128xf32, #tpu.memory_space<vmem>>
      %dma_start3A_565 = arith.constant 0 : i32
      %dma_start3A_566 = arith.constant 0 : i32
      %dma_start3A_567 = tpu.memref_slice %arg4[%add3A_561, %dma_start3A_565, %dma_start3A_566] : memref<51200x8x128xf32, #tpu.memory_space<hbm>> -> memref<1x8x128xf32, #tpu.memory_space<hbm>>
      %dma_start3A_568 = tpu.memref_squeeze %dma_start3A_567 : memref<1x8x128xf32, #tpu.memory_space<hbm>> -> memref<8x128xf32, #tpu.memory_space<hbm>>
      %dma_start3A_569 = arith.constant 0 : i32
      %dma_start3A_570 = arith.constant 0 : i32
      %dma_start3A_571 = tpu.memref_slice %arg4[%add3A_561, %dma_start3A_569, %dma_start3A_570] : memref<51200x8x128xf32, #tpu.memory_space<hbm>> -> memref<1x8x128xf32, #tpu.memory_space<hbm>>
      %dma_start3A_572 = tpu.memref_squeeze %dma_start3A_571 : memref<1x8x128xf32, #tpu.memory_space<hbm>> -> memref<8x128xf32, #tpu.memory_space<hbm>>
      %dma_start3A_573 = arith.constant 48 : i32
      %dma_start3A_574 = arith.constant 0 : i32
      %dma_start3A_575 = tpu.memref_slice %arg9[%dma_start3A_573, %dma_start3A_574] : memref<64x129xf32, #tpu.memory_space<vmem>> -> memref<8x128xf32, #tpu.memory_space<vmem>>
      tpu.enqueue_dma source(%dma_start3A_575 : memref<8x128xf32, #tpu.memory_space<vmem>>) target(%dma_start3A_572 : memref<8x128xf32, #tpu.memory_space<hbm>>) target_semaphore(%arg13 : memref<!tpu.dma_semaphore, #tpu.memory_space<semaphore_mem>>)
      %add3A_576 = arith.constant 224 : i32
      %add3A_577 = arith.addi %add3A_463, %add3A_576 : i32
      %dma_start3A_578 = arith.constant 56 : i32
      %dma_start3A_579 = arith.constant 0 : i32
      %dma_start3A_580 = tpu.memref_slice %arg9[%dma_start3A_578, %dma_start3A_579] : memref<64x129xf32, #tpu.memory_space<vmem>> -> memref<8x128xf32, #tpu.memory_space<vmem>>
      %dma_start3A_581 = arith.constant 0 : i32
      %dma_start3A_582 = arith.constant 0 : i32
      %dma_start3A_583 = tpu.memref_slice %arg4[%add3A_577, %dma_start3A_581, %dma_start3A_582] : memref<51200x8x128xf32, #tpu.memory_space<hbm>> -> memref<1x8x128xf32, #tpu.memory_space<hbm>>
      %dma_start3A_584 = tpu.memref_squeeze %dma_start3A_583 : memref<1x8x128xf32, #tpu.memory_space<hbm>> -> memref<8x128xf32, #tpu.memory_space<hbm>>
      %dma_start3A_585 = arith.constant 0 : i32
      %dma_start3A_586 = arith.constant 0 : i32
      %dma_start3A_587 = tpu.memref_slice %arg4[%add3A_577, %dma_start3A_585, %dma_start3A_586] : memref<51200x8x128xf32, #tpu.memory_space<hbm>> -> memref<1x8x128xf32, #tpu.memory_space<hbm>>
      %dma_start3A_588 = tpu.memref_squeeze %dma_start3A_587 : memref<1x8x128xf32, #tpu.memory_space<hbm>> -> memref<8x128xf32, #tpu.memory_space<hbm>>
      %dma_start3A_589 = arith.constant 56 : i32
      %dma_start3A_590 = arith.constant 0 : i32
      %dma_start3A_591 = tpu.memref_slice %arg9[%dma_start3A_589, %dma_start3A_590] : memref<64x129xf32, #tpu.memory_space<vmem>> -> memref<8x128xf32, #tpu.memory_space<vmem>>
      tpu.enqueue_dma source(%dma_start3A_591 : memref<8x128xf32, #tpu.memory_space<vmem>>) target(%dma_start3A_588 : memref<8x128xf32, #tpu.memory_space<hbm>>) target_semaphore(%arg13 : memref<!tpu.dma_semaphore, #tpu.memory_space<semaphore_mem>>)
      %add3A_592 = arith.constant 2 : i32
      %add3A_593 = arith.addi %add3A_322, %add3A_592 : i32
      %lt3A_594 = arith.constant 200 : i32
      %lt3A_595 = arith.cmpi slt, %add3A_593, %lt3A_594 : i32
      %convert_element_type3A_596 = arith.extui %lt3A_595 : i1 to i32
      %cond3A_597 = arith.constant 0 : i32
      %cond3A_598 = arith.cmpi ne, %convert_element_type3A_596, %cond3A_597 : i32
      scf.if %cond3A_598 {
        %add3A_788 = arith.constant 2 : i32
        %add3A_789 = arith.addi %add3A_323, %add3A_788 : i32
        %jit3A_790 = arith.constant 32 : i32
        %div3A_791 = arith.divsi %add3A_789, %jit3A_790 : i32
        %sign3A_792 = arith.constant 0 : i32
        %sign3A_793 = arith.cmpi sgt, %add3A_789, %sign3A_792 : i32
        %sign3A_794 = arith.extui %sign3A_793 : i1 to i32
        %sign3A_795 = arith.constant 0 : i32
        %sign3A_796 = arith.cmpi slt, %add3A_789, %sign3A_795 : i32
        %sign3A_797 = arith.extui %sign3A_796 : i1 to i32
        %sign3A_798 = arith.subi %sign3A_794, %sign3A_797 : i32
        %sign3A_799 = arith.constant 0 : i32
        %sign3A_800 = arith.cmpi sgt, %jit3A_790, %sign3A_799 : i32
        %sign3A_801 = arith.extui %sign3A_800 : i1 to i32
        %sign3A_802 = arith.constant 0 : i32
        %sign3A_803 = arith.cmpi slt, %jit3A_790, %sign3A_802 : i32
        %sign3A_804 = arith.extui %sign3A_803 : i1 to i32
        %sign3A_805 = arith.subi %sign3A_801, %sign3A_804 : i32
        %ne3A_806 = arith.cmpi ne, %sign3A_798, %sign3A_805 : i32
        %rem3A_807 = arith.remsi %add3A_789, %jit3A_790 : i32
        %ne3A_808 = arith.constant 0 : i32
        %ne3A_809 = arith.cmpi ne, %rem3A_807, %ne3A_808 : i32
        %and3A_810 = arith.andi %ne3A_806, %ne3A_809 : i1
        %sub3A_811 = arith.constant 1 : i32
        %sub3A_812 = arith.subi %div3A_791, %sub3A_811 : i32
        %select_n3A_813 = arith.select %and3A_810, %sub3A_812, %div3A_791 : i32
        %jit3A_814 = arith.constant 32 : i32
        %eq3A_815 = arith.constant 0 : i32
        %eq3A_816 = arith.cmpi eq, %jit3A_814, %eq3A_815 : i32
        %jit3A_817 = arith.constant 1 : i32
        %select_n3A_818 = arith.select %eq3A_816, %jit3A_817, %jit3A_814 : i32
        %rem3A_819 = arith.remsi %add3A_789, %select_n3A_818 : i32
        %ne3A_820 = arith.constant 0 : i32
        %ne3A_821 = arith.cmpi ne, %rem3A_819, %ne3A_820 : i32
        %lt3A_822 = arith.constant 0 : i32
        %lt3A_823 = arith.cmpi slt, %rem3A_819, %lt3A_822 : i32
        %lt3A_824 = arith.constant 0 : i32
        %lt3A_825 = arith.cmpi slt, %select_n3A_818, %lt3A_824 : i32
        %ne3A_826 = arith.xori %lt3A_823, %lt3A_825 : i1
        %and3A_827 = arith.andi %ne3A_826, %ne3A_821 : i1
        %add3A_828 = arith.addi %rem3A_819, %select_n3A_818 : i32
        %select_n3A_829 = arith.select %and3A_827, %add3A_828, %rem3A_819 : i32
        %jit3A_830 = arith.constant 8 : i32
        %div3A_831 = arith.divsi %select_n3A_813, %jit3A_830 : i32
        %sign3A_832 = arith.constant 0 : i32
        %sign3A_833 = arith.cmpi sgt, %select_n3A_813, %sign3A_832 : i32
        %sign3A_834 = arith.extui %sign3A_833 : i1 to i32
        %sign3A_835 = arith.constant 0 : i32
        %sign3A_836 = arith.cmpi slt, %select_n3A_813, %sign3A_835 : i32
        %sign3A_837 = arith.extui %sign3A_836 : i1 to i32
        %sign3A_838 = arith.subi %sign3A_834, %sign3A_837 : i32
        %sign3A_839 = arith.constant 0 : i32
        %sign3A_840 = arith.cmpi sgt, %jit3A_830, %sign3A_839 : i32
        %sign3A_841 = arith.extui %sign3A_840 : i1 to i32
        %sign3A_842 = arith.constant 0 : i32
        %sign3A_843 = arith.cmpi slt, %jit3A_830, %sign3A_842 : i32
        %sign3A_844 = arith.extui %sign3A_843 : i1 to i32
        %sign3A_845 = arith.subi %sign3A_841, %sign3A_844 : i32
        %ne3A_846 = arith.cmpi ne, %sign3A_838, %sign3A_845 : i32
        %rem3A_847 = arith.remsi %select_n3A_813, %jit3A_830 : i32
        %ne3A_848 = arith.constant 0 : i32
        %ne3A_849 = arith.cmpi ne, %rem3A_847, %ne3A_848 : i32
        %and3A_850 = arith.andi %ne3A_846, %ne3A_849 : i1
        %sub3A_851 = arith.constant 1 : i32
        %sub3A_852 = arith.subi %div3A_831, %sub3A_851 : i32
        %select_n3A_853 = arith.select %and3A_850, %sub3A_852, %div3A_831 : i32
        %jit3A_854 = arith.constant 8 : i32
        %eq3A_855 = arith.constant 0 : i32
        %eq3A_856 = arith.cmpi eq, %jit3A_854, %eq3A_855 : i32
        %jit3A_857 = arith.constant 1 : i32
        %select_n3A_858 = arith.select %eq3A_856, %jit3A_857, %jit3A_854 : i32
        %rem3A_859 = arith.remsi %select_n3A_813, %select_n3A_858 : i32
        %ne3A_860 = arith.constant 0 : i32
        %ne3A_861 = arith.cmpi ne, %rem3A_859, %ne3A_860 : i32
        %lt3A_862 = arith.constant 0 : i32
        %lt3A_863 = arith.cmpi slt, %rem3A_859, %lt3A_862 : i32
        %lt3A_864 = arith.constant 0 : i32
        %lt3A_865 = arith.cmpi slt, %select_n3A_858, %lt3A_864 : i32
        %ne3A_866 = arith.xori %lt3A_863, %lt3A_865 : i1
        %and3A_867 = arith.andi %ne3A_866, %ne3A_861 : i1
        %add3A_868 = arith.addi %rem3A_859, %select_n3A_858 : i32
        %select_n3A_869 = arith.select %and3A_867, %add3A_868, %rem3A_859 : i32
        "tpu.region"() ({
          %run_scoped3A = tpu.sem_alloc : memref<!tpu.dma_semaphore, #tpu.memory_space<semaphore_mem>>
          %dma_start3A_873 = arith.constant 0 : i32
          %dma_start3A_874 = tpu.memref_slice %arg3[%select_n3A_853, %select_n3A_829, %select_n3A_869, %dma_start3A_873] : memref<25x32x8x128xi32, #tpu.memory_space<hbm>> -> memref<1x1x1x128xi32, #tpu.memory_space<hbm>>
          %dma_start3A_875 = tpu.memref_squeeze %dma_start3A_874 : memref<1x1x1x128xi32, #tpu.memory_space<hbm>> -> memref<128xi32, #tpu.memory_space<hbm>>
          %dma_start3A_876 = arith.constant 0 : i32
          %dma_start3A_877 = tpu.memref_slice %arg3[%select_n3A_853, %select_n3A_829, %select_n3A_869, %dma_start3A_876] : memref<25x32x8x128xi32, #tpu.memory_space<hbm>> -> memref<1x1x1x128xi32, #tpu.memory_space<hbm>>
          %dma_start3A_878 = tpu.memref_squeeze %dma_start3A_877 : memref<1x1x1x128xi32, #tpu.memory_space<hbm>> -> memref<128xi32, #tpu.memory_space<hbm>>
          tpu.enqueue_dma source(%dma_start3A_878 : memref<128xi32, #tpu.memory_space<hbm>>) target(%arg5 : memref<128xi32, #tpu.memory_space<vmem>>) target_semaphore(%run_scoped3A : memref<!tpu.dma_semaphore, #tpu.memory_space<semaphore_mem>>)
          %dma_wait3A_879 = arith.constant 0 : i32
          %dma_wait3A_880 = tpu.memref_slice %arg3[%select_n3A_853, %select_n3A_829, %select_n3A_869, %dma_wait3A_879] : memref<25x32x8x128xi32, #tpu.memory_space<hbm>> -> memref<1x1x1x128xi32, #tpu.memory_space<hbm>>
          %dma_wait3A_881 = tpu.memref_squeeze %dma_wait3A_880 : memref<1x1x1x128xi32, #tpu.memory_space<hbm>> -> memref<128xi32, #tpu.memory_space<hbm>>
          %dma_wait3A_882 = arith.constant 0 : i32
          %dma_wait3A_883 = tpu.memref_slice %arg3[%select_n3A_853, %select_n3A_829, %select_n3A_869, %dma_wait3A_882] : memref<25x32x8x128xi32, #tpu.memory_space<hbm>> -> memref<1x1x1x128xi32, #tpu.memory_space<hbm>>
          %dma_wait3A_884 = tpu.memref_squeeze %dma_wait3A_883 : memref<1x1x1x128xi32, #tpu.memory_space<hbm>> -> memref<128xi32, #tpu.memory_space<hbm>>
          tpu.wait_dma2 semaphore(%run_scoped3A : memref<!tpu.dma_semaphore, #tpu.memory_space<semaphore_mem>>) src(%dma_wait3A_884 : memref<128xi32, #tpu.memory_space<hbm>>) dst(%arg5 : memref<128xi32, #tpu.memory_space<vmem>>)
          tpu.yield
        }) : () -> ()
        %dma_start3A_870 = arith.constant 0 : i32
        %dma_start3A_871 = arith.constant 0 : i32
        %dma_start3A_872 = tpu.memref_slice %arg2[%dma_start3A_870, %dma_start3A_871] : memref<1000000x128xf32, #tpu.memory_space<hbm>> -> memref<1000000x128xf32, #tpu.memory_space<hbm>>
        tpu.enqueue_indirect_dma source(%dma_start3A_872 : memref<1000000x128xf32, #tpu.memory_space<hbm>>) target(%arg7 : memref<128x128xf32, #tpu.memory_space<vmem>>) offsets(%arg5 : memref<128xi32, #tpu.memory_space<vmem>>) semaphore(%arg11 : memref<!tpu.dma_semaphore, #tpu.memory_space<semaphore_mem>>)
      } else {
      }
      %dma_wait3A_599 = arith.constant 0 : i32
      %dma_wait3A_600 = arith.constant 0 : i32
      %dma_wait3A_601 = tpu.memref_slice %arg2[%dma_wait3A_599, %dma_wait3A_600] : memref<1000000x128xf32, #tpu.memory_space<hbm>> -> memref<128x128xf32, #tpu.memory_space<hbm>>
      %dma_wait3A_602 = arith.constant 0 : i32
      %dma_wait3A_603 = arith.constant 0 : i32
      %dma_wait3A_604 = tpu.memref_slice %arg2[%dma_wait3A_602, %dma_wait3A_603] : memref<1000000x128xf32, #tpu.memory_space<hbm>> -> memref<128x128xf32, #tpu.memory_space<hbm>>
      tpu.wait_dma2 semaphore(%arg12 : memref<!tpu.dma_semaphore, #tpu.memory_space<semaphore_mem>>) src(%dma_wait3A_604 : memref<128x128xf32, #tpu.memory_space<hbm>>) dst(%arg8 : memref<128x128xf32, #tpu.memory_space<vmem>>)
      %gt3A_605 = arith.constant 0 : i32
      %gt3A_606 = arith.cmpi sgt, %add3A_322, %gt3A_605 : i32
      %convert_element_type3A_607 = arith.extui %gt3A_606 : i1 to i32
      %cond3A_608 = arith.constant 0 : i32
      %cond3A_609 = arith.cmpi ne, %convert_element_type3A_607, %cond3A_608 : i32
      scf.if %cond3A_609 {
        %dma_wait3A_788 = arith.constant 0 : i32
        %dma_wait3A_789 = arith.constant 0 : i32
        %dma_wait3A_790 = arith.constant 0 : i32
        %dma_wait3A_791 = tpu.memref_slice %arg10[%dma_wait3A_789, %dma_wait3A_790] : memref<64x129xf32, #tpu.memory_space<vmem>> -> memref<8x128xf32, #tpu.memory_space<vmem>>
        %dma_wait3A_792 = arith.constant 0 : i32
        %dma_wait3A_793 = arith.constant 0 : i32
        %dma_wait3A_794 = tpu.memref_slice %arg4[%dma_wait3A_788, %dma_wait3A_792, %dma_wait3A_793] : memref<51200x8x128xf32, #tpu.memory_space<hbm>> -> memref<1x8x128xf32, #tpu.memory_space<hbm>>
        %dma_wait3A_795 = tpu.memref_squeeze %dma_wait3A_794 : memref<1x8x128xf32, #tpu.memory_space<hbm>> -> memref<8x128xf32, #tpu.memory_space<hbm>>
        %dma_wait3A_796 = arith.constant 0 : i32
        %dma_wait3A_797 = arith.constant 0 : i32
        %dma_wait3A_798 = tpu.memref_slice %arg4[%dma_wait3A_788, %dma_wait3A_796, %dma_wait3A_797] : memref<51200x8x128xf32, #tpu.memory_space<hbm>> -> memref<1x8x128xf32, #tpu.memory_space<hbm>>
        %dma_wait3A_799 = tpu.memref_squeeze %dma_wait3A_798 : memref<1x8x128xf32, #tpu.memory_space<hbm>> -> memref<8x128xf32, #tpu.memory_space<hbm>>
        %dma_wait3A_800 = arith.constant 0 : i32
        %dma_wait3A_801 = arith.constant 0 : i32
        %dma_wait3A_802 = tpu.memref_slice %arg10[%dma_wait3A_800, %dma_wait3A_801] : memref<64x129xf32, #tpu.memory_space<vmem>> -> memref<8x128xf32, #tpu.memory_space<vmem>>
        tpu.wait_dma2 semaphore(%arg14 : memref<!tpu.dma_semaphore, #tpu.memory_space<semaphore_mem>>) src(%dma_wait3A_802 : memref<8x128xf32, #tpu.memory_space<vmem>>) dst(%dma_wait3A_799 : memref<8x128xf32, #tpu.memory_space<hbm>>)
        %dma_wait3A_803 = arith.constant 0 : i32
        %dma_wait3A_804 = arith.constant 0 : i32
        %dma_wait3A_805 = arith.constant 0 : i32
        %dma_wait3A_806 = tpu.memref_slice %arg10[%dma_wait3A_804, %dma_wait3A_805] : memref<64x129xf32, #tpu.memory_space<vmem>> -> memref<8x128xf32, #tpu.memory_space<vmem>>
        %dma_wait3A_807 = arith.constant 0 : i32
        %dma_wait3A_808 = arith.constant 0 : i32
        %dma_wait3A_809 = tpu.memref_slice %arg4[%dma_wait3A_803, %dma_wait3A_807, %dma_wait3A_808] : memref<51200x8x128xf32, #tpu.memory_space<hbm>> -> memref<1x8x128xf32, #tpu.memory_space<hbm>>
        %dma_wait3A_810 = tpu.memref_squeeze %dma_wait3A_809 : memref<1x8x128xf32, #tpu.memory_space<hbm>> -> memref<8x128xf32, #tpu.memory_space<hbm>>
        %dma_wait3A_811 = arith.constant 0 : i32
        %dma_wait3A_812 = arith.constant 0 : i32
        %dma_wait3A_813 = tpu.memref_slice %arg4[%dma_wait3A_803, %dma_wait3A_811, %dma_wait3A_812] : memref<51200x8x128xf32, #tpu.memory_space<hbm>> -> memref<1x8x128xf32, #tpu.memory_space<hbm>>
        %dma_wait3A_814 = tpu.memref_squeeze %dma_wait3A_813 : memref<1x8x128xf32, #tpu.memory_space<hbm>> -> memref<8x128xf32, #tpu.memory_space<hbm>>
        %dma_wait3A_815 = arith.constant 0 : i32
        %dma_wait3A_816 = arith.constant 0 : i32
        %dma_wait3A_817 = tpu.memref_slice %arg10[%dma_wait3A_815, %dma_wait3A_816] : memref<64x129xf32, #tpu.memory_space<vmem>> -> memref<8x128xf32, #tpu.memory_space<vmem>>
        tpu.wait_dma2 semaphore(%arg14 : memref<!tpu.dma_semaphore, #tpu.memory_space<semaphore_mem>>) src(%dma_wait3A_817 : memref<8x128xf32, #tpu.memory_space<vmem>>) dst(%dma_wait3A_814 : memref<8x128xf32, #tpu.memory_space<hbm>>)
        %dma_wait3A_818 = arith.constant 0 : i32
        %dma_wait3A_819 = arith.constant 0 : i32
        %dma_wait3A_820 = arith.constant 0 : i32
        %dma_wait3A_821 = tpu.memref_slice %arg10[%dma_wait3A_819, %dma_wait3A_820] : memref<64x129xf32, #tpu.memory_space<vmem>> -> memref<8x128xf32, #tpu.memory_space<vmem>>
        %dma_wait3A_822 = arith.constant 0 : i32
        %dma_wait3A_823 = arith.constant 0 : i32
        %dma_wait3A_824 = tpu.memref_slice %arg4[%dma_wait3A_818, %dma_wait3A_822, %dma_wait3A_823] : memref<51200x8x128xf32, #tpu.memory_space<hbm>> -> memref<1x8x128xf32, #tpu.memory_space<hbm>>
        %dma_wait3A_825 = tpu.memref_squeeze %dma_wait3A_824 : memref<1x8x128xf32, #tpu.memory_space<hbm>> -> memref<8x128xf32, #tpu.memory_space<hbm>>
        %dma_wait3A_826 = arith.constant 0 : i32
        %dma_wait3A_827 = arith.constant 0 : i32
        %dma_wait3A_828 = tpu.memref_slice %arg4[%dma_wait3A_818, %dma_wait3A_826, %dma_wait3A_827] : memref<51200x8x128xf32, #tpu.memory_space<hbm>> -> memref<1x8x128xf32, #tpu.memory_space<hbm>>
        %dma_wait3A_829 = tpu.memref_squeeze %dma_wait3A_828 : memref<1x8x128xf32, #tpu.memory_space<hbm>> -> memref<8x128xf32, #tpu.memory_space<hbm>>
        %dma_wait3A_830 = arith.constant 0 : i32
        %dma_wait3A_831 = arith.constant 0 : i32
        %dma_wait3A_832 = tpu.memref_slice %arg10[%dma_wait3A_830, %dma_wait3A_831] : memref<64x129xf32, #tpu.memory_space<vmem>> -> memref<8x128xf32, #tpu.memory_space<vmem>>
        tpu.wait_dma2 semaphore(%arg14 : memref<!tpu.dma_semaphore, #tpu.memory_space<semaphore_mem>>) src(%dma_wait3A_832 : memref<8x128xf32, #tpu.memory_space<vmem>>) dst(%dma_wait3A_829 : memref<8x128xf32, #tpu.memory_space<hbm>>)
        %dma_wait3A_833 = arith.constant 0 : i32
        %dma_wait3A_834 = arith.constant 0 : i32
        %dma_wait3A_835 = arith.constant 0 : i32
        %dma_wait3A_836 = tpu.memref_slice %arg10[%dma_wait3A_834, %dma_wait3A_835] : memref<64x129xf32, #tpu.memory_space<vmem>> -> memref<8x128xf32, #tpu.memory_space<vmem>>
        %dma_wait3A_837 = arith.constant 0 : i32
        %dma_wait3A_838 = arith.constant 0 : i32
        %dma_wait3A_839 = tpu.memref_slice %arg4[%dma_wait3A_833, %dma_wait3A_837, %dma_wait3A_838] : memref<51200x8x128xf32, #tpu.memory_space<hbm>> -> memref<1x8x128xf32, #tpu.memory_space<hbm>>
        %dma_wait3A_840 = tpu.memref_squeeze %dma_wait3A_839 : memref<1x8x128xf32, #tpu.memory_space<hbm>> -> memref<8x128xf32, #tpu.memory_space<hbm>>
        %dma_wait3A_841 = arith.constant 0 : i32
        %dma_wait3A_842 = arith.constant 0 : i32
        %dma_wait3A_843 = tpu.memref_slice %arg4[%dma_wait3A_833, %dma_wait3A_841, %dma_wait3A_842] : memref<51200x8x128xf32, #tpu.memory_space<hbm>> -> memref<1x8x128xf32, #tpu.memory_space<hbm>>
        %dma_wait3A_844 = tpu.memref_squeeze %dma_wait3A_843 : memref<1x8x128xf32, #tpu.memory_space<hbm>> -> memref<8x128xf32, #tpu.memory_space<hbm>>
        %dma_wait3A_845 = arith.constant 0 : i32
        %dma_wait3A_846 = arith.constant 0 : i32
        %dma_wait3A_847 = tpu.memref_slice %arg10[%dma_wait3A_845, %dma_wait3A_846] : memref<64x129xf32, #tpu.memory_space<vmem>> -> memref<8x128xf32, #tpu.memory_space<vmem>>
        tpu.wait_dma2 semaphore(%arg14 : memref<!tpu.dma_semaphore, #tpu.memory_space<semaphore_mem>>) src(%dma_wait3A_847 : memref<8x128xf32, #tpu.memory_space<vmem>>) dst(%dma_wait3A_844 : memref<8x128xf32, #tpu.memory_space<hbm>>)
        %dma_wait3A_848 = arith.constant 0 : i32
        %dma_wait3A_849 = arith.constant 0 : i32
        %dma_wait3A_850 = arith.constant 0 : i32
        %dma_wait3A_851 = tpu.memref_slice %arg10[%dma_wait3A_849, %dma_wait3A_850] : memref<64x129xf32, #tpu.memory_space<vmem>> -> memref<8x128xf32, #tpu.memory_space<vmem>>
        %dma_wait3A_852 = arith.constant 0 : i32
        %dma_wait3A_853 = arith.constant 0 : i32
        %dma_wait3A_854 = tpu.memref_slice %arg4[%dma_wait3A_848, %dma_wait3A_852, %dma_wait3A_853] : memref<51200x8x128xf32, #tpu.memory_space<hbm>> -> memref<1x8x128xf32, #tpu.memory_space<hbm>>
        %dma_wait3A_855 = tpu.memref_squeeze %dma_wait3A_854 : memref<1x8x128xf32, #tpu.memory_space<hbm>> -> memref<8x128xf32, #tpu.memory_space<hbm>>
        %dma_wait3A_856 = arith.constant 0 : i32
        %dma_wait3A_857 = arith.constant 0 : i32
        %dma_wait3A_858 = tpu.memref_slice %arg4[%dma_wait3A_848, %dma_wait3A_856, %dma_wait3A_857] : memref<51200x8x128xf32, #tpu.memory_space<hbm>> -> memref<1x8x128xf32, #tpu.memory_space<hbm>>
        %dma_wait3A_859 = tpu.memref_squeeze %dma_wait3A_858 : memref<1x8x128xf32, #tpu.memory_space<hbm>> -> memref<8x128xf32, #tpu.memory_space<hbm>>
        %dma_wait3A_860 = arith.constant 0 : i32
        %dma_wait3A_861 = arith.constant 0 : i32
        %dma_wait3A_862 = tpu.memref_slice %arg10[%dma_wait3A_860, %dma_wait3A_861] : memref<64x129xf32, #tpu.memory_space<vmem>> -> memref<8x128xf32, #tpu.memory_space<vmem>>
        tpu.wait_dma2 semaphore(%arg14 : memref<!tpu.dma_semaphore, #tpu.memory_space<semaphore_mem>>) src(%dma_wait3A_862 : memref<8x128xf32, #tpu.memory_space<vmem>>) dst(%dma_wait3A_859 : memref<8x128xf32, #tpu.memory_space<hbm>>)
        %dma_wait3A_863 = arith.constant 0 : i32
        %dma_wait3A_864 = arith.constant 0 : i32
        %dma_wait3A_865 = arith.constant 0 : i32
        %dma_wait3A_866 = tpu.memref_slice %arg10[%dma_wait3A_864, %dma_wait3A_865] : memref<64x129xf32, #tpu.memory_space<vmem>> -> memref<8x128xf32, #tpu.memory_space<vmem>>
        %dma_wait3A_867 = arith.constant 0 : i32
        %dma_wait3A_868 = arith.constant 0 : i32
        %dma_wait3A_869 = tpu.memref_slice %arg4[%dma_wait3A_863, %dma_wait3A_867, %dma_wait3A_868] : memref<51200x8x128xf32, #tpu.memory_space<hbm>> -> memref<1x8x128xf32, #tpu.memory_space<hbm>>
        %dma_wait3A_870 = tpu.memref_squeeze %dma_wait3A_869 : memref<1x8x128xf32, #tpu.memory_space<hbm>> -> memref<8x128xf32, #tpu.memory_space<hbm>>
        %dma_wait3A_871 = arith.constant 0 : i32
        %dma_wait3A_872 = arith.constant 0 : i32
        %dma_wait3A_873 = tpu.memref_slice %arg4[%dma_wait3A_863, %dma_wait3A_871, %dma_wait3A_872] : memref<51200x8x128xf32, #tpu.memory_space<hbm>> -> memref<1x8x128xf32, #tpu.memory_space<hbm>>
        %dma_wait3A_874 = tpu.memref_squeeze %dma_wait3A_873 : memref<1x8x128xf32, #tpu.memory_space<hbm>> -> memref<8x128xf32, #tpu.memory_space<hbm>>
        %dma_wait3A_875 = arith.constant 0 : i32
        %dma_wait3A_876 = arith.constant 0 : i32
        %dma_wait3A_877 = tpu.memref_slice %arg10[%dma_wait3A_875, %dma_wait3A_876] : memref<64x129xf32, #tpu.memory_space<vmem>> -> memref<8x128xf32, #tpu.memory_space<vmem>>
        tpu.wait_dma2 semaphore(%arg14 : memref<!tpu.dma_semaphore, #tpu.memory_space<semaphore_mem>>) src(%dma_wait3A_877 : memref<8x128xf32, #tpu.memory_space<vmem>>) dst(%dma_wait3A_874 : memref<8x128xf32, #tpu.memory_space<hbm>>)
        %dma_wait3A_878 = arith.constant 0 : i32
        %dma_wait3A_879 = arith.constant 0 : i32
        %dma_wait3A_880 = arith.constant 0 : i32
        %dma_wait3A_881 = tpu.memref_slice %arg10[%dma_wait3A_879, %dma_wait3A_880] : memref<64x129xf32, #tpu.memory_space<vmem>> -> memref<8x128xf32, #tpu.memory_space<vmem>>
        %dma_wait3A_882 = arith.constant 0 : i32
        %dma_wait3A_883 = arith.constant 0 : i32
        %dma_wait3A_884 = tpu.memref_slice %arg4[%dma_wait3A_878, %dma_wait3A_882, %dma_wait3A_883] : memref<51200x8x128xf32, #tpu.memory_space<hbm>> -> memref<1x8x128xf32, #tpu.memory_space<hbm>>
        %dma_wait3A_885 = tpu.memref_squeeze %dma_wait3A_884 : memref<1x8x128xf32, #tpu.memory_space<hbm>> -> memref<8x128xf32, #tpu.memory_space<hbm>>
        %dma_wait3A_886 = arith.constant 0 : i32
        %dma_wait3A_887 = arith.constant 0 : i32
        %dma_wait3A_888 = tpu.memref_slice %arg4[%dma_wait3A_878, %dma_wait3A_886, %dma_wait3A_887] : memref<51200x8x128xf32, #tpu.memory_space<hbm>> -> memref<1x8x128xf32, #tpu.memory_space<hbm>>
        %dma_wait3A_889 = tpu.memref_squeeze %dma_wait3A_888 : memref<1x8x128xf32, #tpu.memory_space<hbm>> -> memref<8x128xf32, #tpu.memory_space<hbm>>
        %dma_wait3A_890 = arith.constant 0 : i32
        %dma_wait3A_891 = arith.constant 0 : i32
        %dma_wait3A_892 = tpu.memref_slice %arg10[%dma_wait3A_890, %dma_wait3A_891] : memref<64x129xf32, #tpu.memory_space<vmem>> -> memref<8x128xf32, #tpu.memory_space<vmem>>
        tpu.wait_dma2 semaphore(%arg14 : memref<!tpu.dma_semaphore, #tpu.memory_space<semaphore_mem>>) src(%dma_wait3A_892 : memref<8x128xf32, #tpu.memory_space<vmem>>) dst(%dma_wait3A_889 : memref<8x128xf32, #tpu.memory_space<hbm>>)
        %dma_wait3A_893 = arith.constant 0 : i32
        %dma_wait3A_894 = arith.constant 0 : i32
        %dma_wait3A_895 = arith.constant 0 : i32
        %dma_wait3A_896 = tpu.memref_slice %arg10[%dma_wait3A_894, %dma_wait3A_895] : memref<64x129xf32, #tpu.memory_space<vmem>> -> memref<8x128xf32, #tpu.memory_space<vmem>>
        %dma_wait3A_897 = arith.constant 0 : i32
        %dma_wait3A_898 = arith.constant 0 : i32
        %dma_wait3A_899 = tpu.memref_slice %arg4[%dma_wait3A_893, %dma_wait3A_897, %dma_wait3A_898] : memref<51200x8x128xf32, #tpu.memory_space<hbm>> -> memref<1x8x128xf32, #tpu.memory_space<hbm>>
        %dma_wait3A_900 = tpu.memref_squeeze %dma_wait3A_899 : memref<1x8x128xf32, #tpu.memory_space<hbm>> -> memref<8x128xf32, #tpu.memory_space<hbm>>
        %dma_wait3A_901 = arith.constant 0 : i32
        %dma_wait3A_902 = arith.constant 0 : i32
        %dma_wait3A_903 = tpu.memref_slice %arg4[%dma_wait3A_893, %dma_wait3A_901, %dma_wait3A_902] : memref<51200x8x128xf32, #tpu.memory_space<hbm>> -> memref<1x8x128xf32, #tpu.memory_space<hbm>>
        %dma_wait3A_904 = tpu.memref_squeeze %dma_wait3A_903 : memref<1x8x128xf32, #tpu.memory_space<hbm>> -> memref<8x128xf32, #tpu.memory_space<hbm>>
        %dma_wait3A_905 = arith.constant 0 : i32
        %dma_wait3A_906 = arith.constant 0 : i32
        %dma_wait3A_907 = tpu.memref_slice %arg10[%dma_wait3A_905, %dma_wait3A_906] : memref<64x129xf32, #tpu.memory_space<vmem>> -> memref<8x128xf32, #tpu.memory_space<vmem>>
        tpu.wait_dma2 semaphore(%arg14 : memref<!tpu.dma_semaphore, #tpu.memory_space<semaphore_mem>>) src(%dma_wait3A_907 : memref<8x128xf32, #tpu.memory_space<vmem>>) dst(%dma_wait3A_904 : memref<8x128xf32, #tpu.memory_space<hbm>>)
      } else {
      }
      %parallel_loop3A_610 = arith.constant 0 : i32
      %parallel_loop3A_611 = arith.constant 128 : i32
      %parallel_loop3A_612 = arith.constant 1 : i32
      scf.for %parallel_loop3A_788 = %parallel_loop3A_610 to %parallel_loop3A_611 step %parallel_loop3A_612  : i32 {
        %parallel_loop3A_789 = vector.broadcast %parallel_loop3A_788 : i32 to vector<16xi32>
        %parallel_loop3A_790 = arith.index_cast %parallel_loop3A_788 : i32 to index
        %parallel_loop3A_791 = arith.constant 0 : index
        %parallel_loop3A_792 = tpu.vector_load %arg8[%parallel_loop3A_790, %parallel_loop3A_791] {strides = array<i32>} : memref<128x128xf32, #tpu.memory_space<vmem>>, vector<16xf32>,
        %parallel_loop3A_793 = arith.constant 8.000000e+00 : f32
        %parallel_loop3A_794 = vector.broadcast %parallel_loop3A_793 : f32 to vector<16xf32>
        %parallel_loop3A_795 = arith.mulf %parallel_loop3A_792, %parallel_loop3A_794 : vector<16xf32>
        %parallel_loop3A_796 = arith.constant 0 : i32
        %parallel_loop3A_797 = vector.broadcast %parallel_loop3A_796 : i32 to vector<16xi32>
        %parallel_loop3A_798 = arith.addi %iota3A, %parallel_loop3A_797 : vector<16xi32>
        tpu.vector_store_idx %arg10[%parallel_loop3A_798, %parallel_loop3A_789], %parallel_loop3A_795 : memref<64x129xf32, #tpu.memory_space<vmem>>[vector<16xi32>, vector<16xi32>], vector<16xf32>,
        %parallel_loop3A_799 = arith.index_cast %parallel_loop3A_788 : i32 to index
        %parallel_loop3A_800 = arith.constant 16 : index
        %parallel_loop3A_801 = tpu.vector_load %arg8[%parallel_loop3A_799, %parallel_loop3A_800] {strides = array<i32>} : memref<128x128xf32, #tpu.memory_space<vmem>>, vector<16xf32>,
        %parallel_loop3A_802 = arith.constant 8.000000e+00 : f32
        %parallel_loop3A_803 = vector.broadcast %parallel_loop3A_802 : f32 to vector<16xf32>
        %parallel_loop3A_804 = arith.mulf %parallel_loop3A_801, %parallel_loop3A_803 : vector<16xf32>
        %parallel_loop3A_805 = arith.constant 16 : i32
        %parallel_loop3A_806 = vector.broadcast %parallel_loop3A_805 : i32 to vector<16xi32>
        %parallel_loop3A_807 = arith.addi %iota3A, %parallel_loop3A_806 : vector<16xi32>
        tpu.vector_store_idx %arg10[%parallel_loop3A_807, %parallel_loop3A_789], %parallel_loop3A_804 : memref<64x129xf32, #tpu.memory_space<vmem>>[vector<16xi32>, vector<16xi32>], vector<16xf32>,
        %parallel_loop3A_808 = arith.index_cast %parallel_loop3A_788 : i32 to index
        %parallel_loop3A_809 = arith.constant 32 : index
        %parallel_loop3A_810 = tpu.vector_load %arg8[%parallel_loop3A_808, %parallel_loop3A_809] {strides = array<i32>} : memref<128x128xf32, #tpu.memory_space<vmem>>, vector<16xf32>,
        %parallel_loop3A_811 = arith.constant 8.000000e+00 : f32
        %parallel_loop3A_812 = vector.broadcast %parallel_loop3A_811 : f32 to vector<16xf32>
        %parallel_loop3A_813 = arith.mulf %parallel_loop3A_810, %parallel_loop3A_812 : vector<16xf32>
        %parallel_loop3A_814 = arith.constant 32 : i32
        %parallel_loop3A_815 = vector.broadcast %parallel_loop3A_814 : i32 to vector<16xi32>
        %parallel_loop3A_816 = arith.addi %iota3A, %parallel_loop3A_815 : vector<16xi32>
        tpu.vector_store_idx %arg10[%parallel_loop3A_816, %parallel_loop3A_789], %parallel_loop3A_813 : memref<64x129xf32, #tpu.memory_space<vmem>>[vector<16xi32>, vector<16xi32>], vector<16xf32>,
        %parallel_loop3A_817 = arith.index_cast %parallel_loop3A_788 : i32 to index
        %parallel_loop3A_818 = arith.constant 48 : index
        %parallel_loop3A_819 = tpu.vector_load %arg8[%parallel_loop3A_817, %parallel_loop3A_818] {strides = array<i32>} : memref<128x128xf32, #tpu.memory_space<vmem>>, vector<16xf32>,
        %parallel_loop3A_820 = arith.constant 8.000000e+00 : f32
        %parallel_loop3A_821 = vector.broadcast %parallel_loop3A_820 : f32 to vector<16xf32>
        %parallel_loop3A_822 = arith.mulf %parallel_loop3A_819, %parallel_loop3A_821 : vector<16xf32>
        %parallel_loop3A_823 = arith.constant 48 : i32
        %parallel_loop3A_824 = vector.broadcast %parallel_loop3A_823 : i32 to vector<16xi32>
        %parallel_loop3A_825 = arith.addi %iota3A, %parallel_loop3A_824 : vector<16xi32>
        tpu.vector_store_idx %arg10[%parallel_loop3A_825, %parallel_loop3A_789], %parallel_loop3A_822 : memref<64x129xf32, #tpu.memory_space<vmem>>[vector<16xi32>, vector<16xi32>], vector<16xf32>,
      } {sc.loop_unroll_factor = 8 : i64, sc.parallel_access}
      %add3A_613 = arith.constant 1 : i32
      %add3A_614 = arith.addi %add3A_323, %add3A_613 : i32
      %jit3A_615 = arith.constant 32 : i32
      %div3A_616 = arith.divsi %add3A_614, %jit3A_615 : i32
      %sign3A_617 = arith.constant 0 : i32
      %sign3A_618 = arith.cmpi sgt, %add3A_614, %sign3A_617 : i32
      %sign3A_619 = arith.extui %sign3A_618 : i1 to i32
      %sign3A_620 = arith.constant 0 : i32
      %sign3A_621 = arith.cmpi slt, %add3A_614, %sign3A_620 : i32
      %sign3A_622 = arith.extui %sign3A_621 : i1 to i32
      %sign3A_623 = arith.subi %sign3A_619, %sign3A_622 : i32
      %sign3A_624 = arith.constant 0 : i32
      %sign3A_625 = arith.cmpi sgt, %jit3A_615, %sign3A_624 : i32
      %sign3A_626 = arith.extui %sign3A_625 : i1 to i32
      %sign3A_627 = arith.constant 0 : i32
      %sign3A_628 = arith.cmpi slt, %jit3A_615, %sign3A_627 : i32
      %sign3A_629 = arith.extui %sign3A_628 : i1 to i32
      %sign3A_630 = arith.subi %sign3A_626, %sign3A_629 : i32
      %ne3A_631 = arith.cmpi ne, %sign3A_623, %sign3A_630 : i32
      %rem3A_632 = arith.remsi %add3A_614, %jit3A_615 : i32
      %ne3A_633 = arith.constant 0 : i32
      %ne3A_634 = arith.cmpi ne, %rem3A_632, %ne3A_633 : i32
      %and3A_635 = arith.andi %ne3A_631, %ne3A_634 : i1
      %sub3A_636 = arith.constant 1 : i32
      %sub3A_637 = arith.subi %div3A_616, %sub3A_636 : i32
      %select_n3A_638 = arith.select %and3A_635, %sub3A_637, %div3A_616 : i32
      %jit3A_639 = arith.constant 32 : i32
      %eq3A_640 = arith.constant 0 : i32
      %eq3A_641 = arith.cmpi eq, %jit3A_639, %eq3A_640 : i32
      %jit3A_642 = arith.constant 1 : i32
      %select_n3A_643 = arith.select %eq3A_641, %jit3A_642, %jit3A_639 : i32
      %rem3A_644 = arith.remsi %add3A_614, %select_n3A_643 : i32
      %ne3A_645 = arith.constant 0 : i32
      %ne3A_646 = arith.cmpi ne, %rem3A_644, %ne3A_645 : i32
      %lt3A_647 = arith.constant 0 : i32
      %lt3A_648 = arith.cmpi slt, %rem3A_644, %lt3A_647 : i32
      %lt3A_649 = arith.constant 0 : i32
      %lt3A_650 = arith.cmpi slt, %select_n3A_643, %lt3A_649 : i32
      %ne3A_651 = arith.xori %lt3A_648, %lt3A_650 : i1
      %and3A_652 = arith.andi %ne3A_651, %ne3A_646 : i1
      %add3A_653 = arith.addi %rem3A_644, %select_n3A_643 : i32
      %select_n3A_654 = arith.select %and3A_652, %add3A_653, %rem3A_644 : i32
      %mul3A_655 = arith.constant 8 : i32
      %mul3A_656 = arith.muli %select_n3A_638, %mul3A_655 : i32
      %mul3A_657 = arith.constant 32 : i32
      %mul3A_658 = arith.muli %mul3A_656, %mul3A_657 : i32
      %add3A_659 = arith.addi %mul3A_658, %select_n3A_654 : i32
      %add3A_660 = arith.constant 0 : i32
      %add3A_661 = arith.addi %add3A_659, %add3A_660 : i32
      %dma_start3A_662 = arith.constant 0 : i32
      %dma_start3A_663 = arith.constant 0 : i32
      %dma_start3A_664 = tpu.memref_slice %arg10[%dma_start3A_662, %dma_start3A_663] : memref<64x129xf32, #tpu.memory_space<vmem>> -> memref<8x128xf32, #tpu.memory_space<vmem>>
      %dma_start3A_665 = arith.constant 0 : i32
      %dma_start3A_666 = arith.constant 0 : i32
      %dma_start3A_667 = tpu.memref_slice %arg4[%add3A_661, %dma_start3A_665, %dma_start3A_666] : memref<51200x8x128xf32, #tpu.memory_space<hbm>> -> memref<1x8x128xf32, #tpu.memory_space<hbm>>
      %dma_start3A_668 = tpu.memref_squeeze %dma_start3A_667 : memref<1x8x128xf32, #tpu.memory_space<hbm>> -> memref<8x128xf32, #tpu.memory_space<hbm>>
      %dma_start3A_669 = arith.constant 0 : i32
      %dma_start3A_670 = arith.constant 0 : i32
      %dma_start3A_671 = tpu.memref_slice %arg4[%add3A_661, %dma_start3A_669, %dma_start3A_670] : memref<51200x8x128xf32, #tpu.memory_space<hbm>> -> memref<1x8x128xf32, #tpu.memory_space<hbm>>
      %dma_start3A_672 = tpu.memref_squeeze %dma_start3A_671 : memref<1x8x128xf32, #tpu.memory_space<hbm>> -> memref<8x128xf32, #tpu.memory_space<hbm>>
      %dma_start3A_673 = arith.constant 0 : i32
      %dma_start3A_674 = arith.constant 0 : i32
      %dma_start3A_675 = tpu.memref_slice %arg10[%dma_start3A_673, %dma_start3A_674] : memref<64x129xf32, #tpu.memory_space<vmem>> -> memref<8x128xf32, #tpu.memory_space<vmem>>
      tpu.enqueue_dma source(%dma_start3A_675 : memref<8x128xf32, #tpu.memory_space<vmem>>) target(%dma_start3A_672 : memref<8x128xf32, #tpu.memory_space<hbm>>) target_semaphore(%arg14 : memref<!tpu.dma_semaphore, #tpu.memory_space<semaphore_mem>>)
      %add3A_676 = arith.constant 32 : i32
      %add3A_677 = arith.addi %add3A_659, %add3A_676 : i32
      %dma_start3A_678 = arith.constant 8 : i32
      %dma_start3A_679 = arith.constant 0 : i32
      %dma_start3A_680 = tpu.memref_slice %arg10[%dma_start3A_678, %dma_start3A_679] : memref<64x129xf32, #tpu.memory_space<vmem>> -> memref<8x128xf32, #tpu.memory_space<vmem>>
      %dma_start3A_681 = arith.constant 0 : i32
      %dma_start3A_682 = arith.constant 0 : i32
      %dma_start3A_683 = tpu.memref_slice %arg4[%add3A_677, %dma_start3A_681, %dma_start3A_682] : memref<51200x8x128xf32, #tpu.memory_space<hbm>> -> memref<1x8x128xf32, #tpu.memory_space<hbm>>
      %dma_start3A_684 = tpu.memref_squeeze %dma_start3A_683 : memref<1x8x128xf32, #tpu.memory_space<hbm>> -> memref<8x128xf32, #tpu.memory_space<hbm>>
      %dma_start3A_685 = arith.constant 0 : i32
      %dma_start3A_686 = arith.constant 0 : i32
      %dma_start3A_687 = tpu.memref_slice %arg4[%add3A_677, %dma_start3A_685, %dma_start3A_686] : memref<51200x8x128xf32, #tpu.memory_space<hbm>> -> memref<1x8x128xf32, #tpu.memory_space<hbm>>
      %dma_start3A_688 = tpu.memref_squeeze %dma_start3A_687 : memref<1x8x128xf32, #tpu.memory_space<hbm>> -> memref<8x128xf32, #tpu.memory_space<hbm>>
      %dma_start3A_689 = arith.constant 8 : i32
      %dma_start3A_690 = arith.constant 0 : i32
      %dma_start3A_691 = tpu.memref_slice %arg10[%dma_start3A_689, %dma_start3A_690] : memref<64x129xf32, #tpu.memory_space<vmem>> -> memref<8x128xf32, #tpu.memory_space<vmem>>
      tpu.enqueue_dma source(%dma_start3A_691 : memref<8x128xf32, #tpu.memory_space<vmem>>) target(%dma_start3A_688 : memref<8x128xf32, #tpu.memory_space<hbm>>) target_semaphore(%arg14 : memref<!tpu.dma_semaphore, #tpu.memory_space<semaphore_mem>>)
      %add3A_692 = arith.constant 64 : i32
      %add3A_693 = arith.addi %add3A_659, %add3A_692 : i32
      %dma_start3A_694 = arith.constant 16 : i32
      %dma_start3A_695 = arith.constant 0 : i32
      %dma_start3A_696 = tpu.memref_slice %arg10[%dma_start3A_694, %dma_start3A_695] : memref<64x129xf32, #tpu.memory_space<vmem>> -> memref<8x128xf32, #tpu.memory_space<vmem>>
      %dma_start3A_697 = arith.constant 0 : i32
      %dma_start3A_698 = arith.constant 0 : i32
      %dma_start3A_699 = tpu.memref_slice %arg4[%add3A_693, %dma_start3A_697, %dma_start3A_698] : memref<51200x8x128xf32, #tpu.memory_space<hbm>> -> memref<1x8x128xf32, #tpu.memory_space<hbm>>
      %dma_start3A_700 = tpu.memref_squeeze %dma_start3A_699 : memref<1x8x128xf32, #tpu.memory_space<hbm>> -> memref<8x128xf32, #tpu.memory_space<hbm>>
      %dma_start3A_701 = arith.constant 0 : i32
      %dma_start3A_702 = arith.constant 0 : i32
      %dma_start3A_703 = tpu.memref_slice %arg4[%add3A_693, %dma_start3A_701, %dma_start3A_702] : memref<51200x8x128xf32, #tpu.memory_space<hbm>> -> memref<1x8x128xf32, #tpu.memory_space<hbm>>
      %dma_start3A_704 = tpu.memref_squeeze %dma_start3A_703 : memref<1x8x128xf32, #tpu.memory_space<hbm>> -> memref<8x128xf32, #tpu.memory_space<hbm>>
      %dma_start3A_705 = arith.constant 16 : i32
      %dma_start3A_706 = arith.constant 0 : i32
      %dma_start3A_707 = tpu.memref_slice %arg10[%dma_start3A_705, %dma_start3A_706] : memref<64x129xf32, #tpu.memory_space<vmem>> -> memref<8x128xf32, #tpu.memory_space<vmem>>
      tpu.enqueue_dma source(%dma_start3A_707 : memref<8x128xf32, #tpu.memory_space<vmem>>) target(%dma_start3A_704 : memref<8x128xf32, #tpu.memory_space<hbm>>) target_semaphore(%arg14 : memref<!tpu.dma_semaphore, #tpu.memory_space<semaphore_mem>>)
      %add3A_708 = arith.constant 96 : i32
      %add3A_709 = arith.addi %add3A_659, %add3A_708 : i32
      %dma_start3A_710 = arith.constant 24 : i32
      %dma_start3A_711 = arith.constant 0 : i32
      %dma_start3A_712 = tpu.memref_slice %arg10[%dma_start3A_710, %dma_start3A_711] : memref<64x129xf32, #tpu.memory_space<vmem>> -> memref<8x128xf32, #tpu.memory_space<vmem>>
      %dma_start3A_713 = arith.constant 0 : i32
      %dma_start3A_714 = arith.constant 0 : i32
      %dma_start3A_715 = tpu.memref_slice %arg4[%add3A_709, %dma_start3A_713, %dma_start3A_714] : memref<51200x8x128xf32, #tpu.memory_space<hbm>> -> memref<1x8x128xf32, #tpu.memory_space<hbm>>
      %dma_start3A_716 = tpu.memref_squeeze %dma_start3A_715 : memref<1x8x128xf32, #tpu.memory_space<hbm>> -> memref<8x128xf32, #tpu.memory_space<hbm>>
      %dma_start3A_717 = arith.constant 0 : i32
      %dma_start3A_718 = arith.constant 0 : i32
      %dma_start3A_719 = tpu.memref_slice %arg4[%add3A_709, %dma_start3A_717, %dma_start3A_718] : memref<51200x8x128xf32, #tpu.memory_space<hbm>> -> memref<1x8x128xf32, #tpu.memory_space<hbm>>
      %dma_start3A_720 = tpu.memref_squeeze %dma_start3A_719 : memref<1x8x128xf32, #tpu.memory_space<hbm>> -> memref<8x128xf32, #tpu.memory_space<hbm>>
      %dma_start3A_721 = arith.constant 24 : i32
      %dma_start3A_722 = arith.constant 0 : i32
      %dma_start3A_723 = tpu.memref_slice %arg10[%dma_start3A_721, %dma_start3A_722] : memref<64x129xf32, #tpu.memory_space<vmem>> -> memref<8x128xf32, #tpu.memory_space<vmem>>
      tpu.enqueue_dma source(%dma_start3A_723 : memref<8x128xf32, #tpu.memory_space<vmem>>) target(%dma_start3A_720 : memref<8x128xf32, #tpu.memory_space<hbm>>) target_semaphore(%arg14 : memref<!tpu.dma_semaphore, #tpu.memory_space<semaphore_mem>>)
      %add3A_724 = arith.constant 128 : i32
      %add3A_725 = arith.addi %add3A_659, %add3A_724 : i32
      %dma_start3A_726 = arith.constant 32 : i32
      %dma_start3A_727 = arith.constant 0 : i32
      %dma_start3A_728 = tpu.memref_slice %arg10[%dma_start3A_726, %dma_start3A_727] : memref<64x129xf32, #tpu.memory_space<vmem>> -> memref<8x128xf32, #tpu.memory_space<vmem>>
      %dma_start3A_729 = arith.constant 0 : i32
      %dma_start3A_730 = arith.constant 0 : i32
      %dma_start3A_731 = tpu.memref_slice %arg4[%add3A_725, %dma_start3A_729, %dma_start3A_730] : memref<51200x8x128xf32, #tpu.memory_space<hbm>> -> memref<1x8x128xf32, #tpu.memory_space<hbm>>
      %dma_start3A_732 = tpu.memref_squeeze %dma_start3A_731 : memref<1x8x128xf32, #tpu.memory_space<hbm>> -> memref<8x128xf32, #tpu.memory_space<hbm>>
      %dma_start3A_733 = arith.constant 0 : i32
      %dma_start3A_734 = arith.constant 0 : i32
      %dma_start3A_735 = tpu.memref_slice %arg4[%add3A_725, %dma_start3A_733, %dma_start3A_734] : memref<51200x8x128xf32, #tpu.memory_space<hbm>> -> memref<1x8x128xf32, #tpu.memory_space<hbm>>
      %dma_start3A_736 = tpu.memref_squeeze %dma_start3A_735 : memref<1x8x128xf32, #tpu.memory_space<hbm>> -> memref<8x128xf32, #tpu.memory_space<hbm>>
      %dma_start3A_737 = arith.constant 32 : i32
      %dma_start3A_738 = arith.constant 0 : i32
      %dma_start3A_739 = tpu.memref_slice %arg10[%dma_start3A_737, %dma_start3A_738] : memref<64x129xf32, #tpu.memory_space<vmem>> -> memref<8x128xf32, #tpu.memory_space<vmem>>
      tpu.enqueue_dma source(%dma_start3A_739 : memref<8x128xf32, #tpu.memory_space<vmem>>) target(%dma_start3A_736 : memref<8x128xf32, #tpu.memory_space<hbm>>) target_semaphore(%arg14 : memref<!tpu.dma_semaphore, #tpu.memory_space<semaphore_mem>>)
      %add3A_740 = arith.constant 160 : i32
      %add3A_741 = arith.addi %add3A_659, %add3A_740 : i32
      %dma_start3A_742 = arith.constant 40 : i32
      %dma_start3A_743 = arith.constant 0 : i32
      %dma_start3A_744 = tpu.memref_slice %arg10[%dma_start3A_742, %dma_start3A_743] : memref<64x129xf32, #tpu.memory_space<vmem>> -> memref<8x128xf32, #tpu.memory_space<vmem>>
      %dma_start3A_745 = arith.constant 0 : i32
      %dma_start3A_746 = arith.constant 0 : i32
      %dma_start3A_747 = tpu.memref_slice %arg4[%add3A_741, %dma_start3A_745, %dma_start3A_746] : memref<51200x8x128xf32, #tpu.memory_space<hbm>> -> memref<1x8x128xf32, #tpu.memory_space<hbm>>
      %dma_start3A_748 = tpu.memref_squeeze %dma_start3A_747 : memref<1x8x128xf32, #tpu.memory_space<hbm>> -> memref<8x128xf32, #tpu.memory_space<hbm>>
      %dma_start3A_749 = arith.constant 0 : i32
      %dma_start3A_750 = arith.constant 0 : i32
      %dma_start3A_751 = tpu.memref_slice %arg4[%add3A_741, %dma_start3A_749, %dma_start3A_750] : memref<51200x8x128xf32, #tpu.memory_space<hbm>> -> memref<1x8x128xf32, #tpu.memory_space<hbm>>
      %dma_start3A_752 = tpu.memref_squeeze %dma_start3A_751 : memref<1x8x128xf32, #tpu.memory_space<hbm>> -> memref<8x128xf32, #tpu.memory_space<hbm>>
      %dma_start3A_753 = arith.constant 40 : i32
      %dma_start3A_754 = arith.constant 0 : i32
      %dma_start3A_755 = tpu.memref_slice %arg10[%dma_start3A_753, %dma_start3A_754] : memref<64x129xf32, #tpu.memory_space<vmem>> -> memref<8x128xf32, #tpu.memory_space<vmem>>
      tpu.enqueue_dma source(%dma_start3A_755 : memref<8x128xf32, #tpu.memory_space<vmem>>) target(%dma_start3A_752 : memref<8x128xf32, #tpu.memory_space<hbm>>) target_semaphore(%arg14 : memref<!tpu.dma_semaphore, #tpu.memory_space<semaphore_mem>>)
      %add3A_756 = arith.constant 192 : i32
      %add3A_757 = arith.addi %add3A_659, %add3A_756 : i32
      %dma_start3A_758 = arith.constant 48 : i32
      %dma_start3A_759 = arith.constant 0 : i32
      %dma_start3A_760 = tpu.memref_slice %arg10[%dma_start3A_758, %dma_start3A_759] : memref<64x129xf32, #tpu.memory_space<vmem>> -> memref<8x128xf32, #tpu.memory_space<vmem>>
      %dma_start3A_761 = arith.constant 0 : i32
      %dma_start3A_762 = arith.constant 0 : i32
      %dma_start3A_763 = tpu.memref_slice %arg4[%add3A_757, %dma_start3A_761, %dma_start3A_762] : memref<51200x8x128xf32, #tpu.memory_space<hbm>> -> memref<1x8x128xf32, #tpu.memory_space<hbm>>
      %dma_start3A_764 = tpu.memref_squeeze %dma_start3A_763 : memref<1x8x128xf32, #tpu.memory_space<hbm>> -> memref<8x128xf32, #tpu.memory_space<hbm>>
      %dma_start3A_765 = arith.constant 0 : i32
      %dma_start3A_766 = arith.constant 0 : i32
      %dma_start3A_767 = tpu.memref_slice %arg4[%add3A_757, %dma_start3A_765, %dma_start3A_766] : memref<51200x8x128xf32, #tpu.memory_space<hbm>> -> memref<1x8x128xf32, #tpu.memory_space<hbm>>
      %dma_start3A_768 = tpu.memref_squeeze %dma_start3A_767 : memref<1x8x128xf32, #tpu.memory_space<hbm>> -> memref<8x128xf32, #tpu.memory_space<hbm>>
      %dma_start3A_769 = arith.constant 48 : i32
      %dma_start3A_770 = arith.constant 0 : i32
      %dma_start3A_771 = tpu.memref_slice %arg10[%dma_start3A_769, %dma_start3A_770] : memref<64x129xf32, #tpu.memory_space<vmem>> -> memref<8x128xf32, #tpu.memory_space<vmem>>
      tpu.enqueue_dma source(%dma_start3A_771 : memref<8x128xf32, #tpu.memory_space<vmem>>) target(%dma_start3A_768 : memref<8x128xf32, #tpu.memory_space<hbm>>) target_semaphore(%arg14 : memref<!tpu.dma_semaphore, #tpu.memory_space<semaphore_mem>>)
      %add3A_772 = arith.constant 224 : i32
      %add3A_773 = arith.addi %add3A_659, %add3A_772 : i32
      %dma_start3A_774 = arith.constant 56 : i32
      %dma_start3A_775 = arith.constant 0 : i32
      %dma_start3A_776 = tpu.memref_slice %arg10[%dma_start3A_774, %dma_start3A_775] : memref<64x129xf32, #tpu.memory_space<vmem>> -> memref<8x128xf32, #tpu.memory_space<vmem>>
      %dma_start3A_777 = arith.constant 0 : i32
      %dma_start3A_778 = arith.constant 0 : i32
      %dma_start3A_779 = tpu.memref_slice %arg4[%add3A_773, %dma_start3A_777, %dma_start3A_778] : memref<51200x8x128xf32, #tpu.memory_space<hbm>> -> memref<1x8x128xf32, #tpu.memory_space<hbm>>
      %dma_start3A_780 = tpu.memref_squeeze %dma_start3A_779 : memref<1x8x128xf32, #tpu.memory_space<hbm>> -> memref<8x128xf32, #tpu.memory_space<hbm>>
      %dma_start3A_781 = arith.constant 0 : i32
      %dma_start3A_782 = arith.constant 0 : i32
      %dma_start3A_783 = tpu.memref_slice %arg4[%add3A_773, %dma_start3A_781, %dma_start3A_782] : memref<51200x8x128xf32, #tpu.memory_space<hbm>> -> memref<1x8x128xf32, #tpu.memory_space<hbm>>
      %dma_start3A_784 = tpu.memref_squeeze %dma_start3A_783 : memref<1x8x128xf32, #tpu.memory_space<hbm>> -> memref<8x128xf32, #tpu.memory_space<hbm>>
      %dma_start3A_785 = arith.constant 56 : i32
      %dma_start3A_786 = arith.constant 0 : i32
      %dma_start3A_787 = tpu.memref_slice %arg10[%dma_start3A_785, %dma_start3A_786] : memref<64x129xf32, #tpu.memory_space<vmem>> -> memref<8x128xf32, #tpu.memory_space<vmem>>
      tpu.enqueue_dma source(%dma_start3A_787 : memref<8x128xf32, #tpu.memory_space<vmem>>) target(%dma_start3A_784 : memref<8x128xf32, #tpu.memory_space<hbm>>) target_semaphore(%arg14 : memref<!tpu.dma_semaphore, #tpu.memory_space<semaphore_mem>>)
    }
    %scan3A_78 = arith.constant 100 : i32
    %dma_wait3A = arith.constant 0 : i32
    %dma_wait3A_79 = arith.constant 0 : i32
    %dma_wait3A_80 = arith.constant 0 : i32
    %dma_wait3A_81 = tpu.memref_slice %arg9[%dma_wait3A_79, %dma_wait3A_80] : memref<64x129xf32, #tpu.memory_space<vmem>> -> memref<8x128xf32, #tpu.memory_space<vmem>>
    %dma_wait3A_82 = arith.constant 0 : i32
    %dma_wait3A_83 = arith.constant 0 : i32
    %dma_wait3A_84 = tpu.memref_slice %arg4[%dma_wait3A, %dma_wait3A_82, %dma_wait3A_83] : memref<51200x8x128xf32, #tpu.memory_space<hbm>> -> memref<1x8x128xf32, #tpu.memory_space<hbm>>
    %dma_wait3A_85 = tpu.memref_squeeze %dma_wait3A_84 : memref<1x8x128xf32, #tpu.memory_space<hbm>> -> memref<8x128xf32, #tpu.memory_space<hbm>>
    %dma_wait3A_86 = arith.constant 0 : i32
    %dma_wait3A_87 = arith.constant 0 : i32
    %dma_wait3A_88 = tpu.memref_slice %arg4[%dma_wait3A, %dma_wait3A_86, %dma_wait3A_87] : memref<51200x8x128xf32, #tpu.memory_space<hbm>> -> memref<1x8x128xf32, #tpu.memory_space<hbm>>
    %dma_wait3A_89 = tpu.memref_squeeze %dma_wait3A_88 : memref<1x8x128xf32, #tpu.memory_space<hbm>> -> memref<8x128xf32, #tpu.memory_space<hbm>>
    %dma_wait3A_90 = arith.constant 0 : i32
    %dma_wait3A_91 = arith.constant 0 : i32
    %dma_wait3A_92 = tpu.memref_slice %arg9[%dma_wait3A_90, %dma_wait3A_91] : memref<64x129xf32, #tpu.memory_space<vmem>> -> memref<8x128xf32, #tpu.memory_space<vmem>>
    tpu.wait_dma2 semaphore(%arg13 : memref<!tpu.dma_semaphore, #tpu.memory_space<semaphore_mem>>) src(%dma_wait3A_92 : memref<8x128xf32, #tpu.memory_space<vmem>>) dst(%dma_wait3A_89 : memref<8x128xf32, #tpu.memory_space<hbm>>)
    %dma_wait3A_93 = arith.constant 0 : i32
    %dma_wait3A_94 = arith.constant 0 : i32
    %dma_wait3A_95 = arith.constant 0 : i32
    %dma_wait3A_96 = tpu.memref_slice %arg9[%dma_wait3A_94, %dma_wait3A_95] : memref<64x129xf32, #tpu.memory_space<vmem>> -> memref<8x128xf32, #tpu.memory_space<vmem>>
    %dma_wait3A_97 = arith.constant 0 : i32
    %dma_wait3A_98 = arith.constant 0 : i32
    %dma_wait3A_99 = tpu.memref_slice %arg4[%dma_wait3A_93, %dma_wait3A_97, %dma_wait3A_98] : memref<51200x8x128xf32, #tpu.memory_space<hbm>> -> memref<1x8x128xf32, #tpu.memory_space<hbm>>
    %dma_wait3A_100 = tpu.memref_squeeze %dma_wait3A_99 : memref<1x8x128xf32, #tpu.memory_space<hbm>> -> memref<8x128xf32, #tpu.memory_space<hbm>>
    %dma_wait3A_101 = arith.constant 0 : i32
    %dma_wait3A_102 = arith.constant 0 : i32
    %dma_wait3A_103 = tpu.memref_slice %arg4[%dma_wait3A_93, %dma_wait3A_101, %dma_wait3A_102] : memref<51200x8x128xf32, #tpu.memory_space<hbm>> -> memref<1x8x128xf32, #tpu.memory_space<hbm>>
    %dma_wait3A_104 = tpu.memref_squeeze %dma_wait3A_103 : memref<1x8x128xf32, #tpu.memory_space<hbm>> -> memref<8x128xf32, #tpu.memory_space<hbm>>
    %dma_wait3A_105 = arith.constant 0 : i32
    %dma_wait3A_106 = arith.constant 0 : i32
    %dma_wait3A_107 = tpu.memref_slice %arg9[%dma_wait3A_105, %dma_wait3A_106] : memref<64x129xf32, #tpu.memory_space<vmem>> -> memref<8x128xf32, #tpu.memory_space<vmem>>
    tpu.wait_dma2 semaphore(%arg13 : memref<!tpu.dma_semaphore, #tpu.memory_space<semaphore_mem>>) src(%dma_wait3A_107 : memref<8x128xf32, #tpu.memory_space<vmem>>) dst(%dma_wait3A_104 : memref<8x128xf32, #tpu.memory_space<hbm>>)
    %dma_wait3A_108 = arith.constant 0 : i32
    %dma_wait3A_109 = arith.constant 0 : i32
    %dma_wait3A_110 = arith.constant 0 : i32
    %dma_wait3A_111 = tpu.memref_slice %arg9[%dma_wait3A_109, %dma_wait3A_110] : memref<64x129xf32, #tpu.memory_space<vmem>> -> memref<8x128xf32, #tpu.memory_space<vmem>>
    %dma_wait3A_112 = arith.constant 0 : i32
    %dma_wait3A_113 = arith.constant 0 : i32
    %dma_wait3A_114 = tpu.memref_slice %arg4[%dma_wait3A_108, %dma_wait3A_112, %dma_wait3A_113] : memref<51200x8x128xf32, #tpu.memory_space<hbm>> -> memref<1x8x128xf32, #tpu.memory_space<hbm>>
    %dma_wait3A_115 = tpu.memref_squeeze %dma_wait3A_114 : memref<1x8x128xf32, #tpu.memory_space<hbm>> -> memref<8x128xf32, #tpu.memory_space<hbm>>
    %dma_wait3A_116 = arith.constant 0 : i32
    %dma_wait3A_117 = arith.constant 0 : i32
    %dma_wait3A_118 = tpu.memref_slice %arg4[%dma_wait3A_108, %dma_wait3A_116, %dma_wait3A_117] : memref<51200x8x128xf32, #tpu.memory_space<hbm>> -> memref<1x8x128xf32, #tpu.memory_space<hbm>>
    %dma_wait3A_119 = tpu.memref_squeeze %dma_wait3A_118 : memref<1x8x128xf32, #tpu.memory_space<hbm>> -> memref<8x128xf32, #tpu.memory_space<hbm>>
    %dma_wait3A_120 = arith.constant 0 : i32
    %dma_wait3A_121 = arith.constant 0 : i32
    %dma_wait3A_122 = tpu.memref_slice %arg9[%dma_wait3A_120, %dma_wait3A_121] : memref<64x129xf32, #tpu.memory_space<vmem>> -> memref<8x128xf32, #tpu.memory_space<vmem>>
    tpu.wait_dma2 semaphore(%arg13 : memref<!tpu.dma_semaphore, #tpu.memory_space<semaphore_mem>>) src(%dma_wait3A_122 : memref<8x128xf32, #tpu.memory_space<vmem>>) dst(%dma_wait3A_119 : memref<8x128xf32, #tpu.memory_space<hbm>>)
    %dma_wait3A_123 = arith.constant 0 : i32
    %dma_wait3A_124 = arith.constant 0 : i32
    %dma_wait3A_125 = arith.constant 0 : i32
    %dma_wait3A_126 = tpu.memref_slice %arg9[%dma_wait3A_124, %dma_wait3A_125] : memref<64x129xf32, #tpu.memory_space<vmem>> -> memref<8x128xf32, #tpu.memory_space<vmem>>
    %dma_wait3A_127 = arith.constant 0 : i32
    %dma_wait3A_128 = arith.constant 0 : i32
    %dma_wait3A_129 = tpu.memref_slice %arg4[%dma_wait3A_123, %dma_wait3A_127, %dma_wait3A_128] : memref<51200x8x128xf32, #tpu.memory_space<hbm>> -> memref<1x8x128xf32, #tpu.memory_space<hbm>>
    %dma_wait3A_130 = tpu.memref_squeeze %dma_wait3A_129 : memref<1x8x128xf32, #tpu.memory_space<hbm>> -> memref<8x128xf32, #tpu.memory_space<hbm>>
    %dma_wait3A_131 = arith.constant 0 : i32
    %dma_wait3A_132 = arith.constant 0 : i32
    %dma_wait3A_133 = tpu.memref_slice %arg4[%dma_wait3A_123, %dma_wait3A_131, %dma_wait3A_132] : memref<51200x8x128xf32, #tpu.memory_space<hbm>> -> memref<1x8x128xf32, #tpu.memory_space<hbm>>
    %dma_wait3A_134 = tpu.memref_squeeze %dma_wait3A_133 : memref<1x8x128xf32, #tpu.memory_space<hbm>> -> memref<8x128xf32, #tpu.memory_space<hbm>>
    %dma_wait3A_135 = arith.constant 0 : i32
    %dma_wait3A_136 = arith.constant 0 : i32
    %dma_wait3A_137 = tpu.memref_slice %arg9[%dma_wait3A_135, %dma_wait3A_136] : memref<64x129xf32, #tpu.memory_space<vmem>> -> memref<8x128xf32, #tpu.memory_space<vmem>>
    tpu.wait_dma2 semaphore(%arg13 : memref<!tpu.dma_semaphore, #tpu.memory_space<semaphore_mem>>) src(%dma_wait3A_137 : memref<8x128xf32, #tpu.memory_space<vmem>>) dst(%dma_wait3A_134 : memref<8x128xf32, #tpu.memory_space<hbm>>)
    %dma_wait3A_138 = arith.constant 0 : i32
    %dma_wait3A_139 = arith.constant 0 : i32
    %dma_wait3A_140 = arith.constant 0 : i32
    %dma_wait3A_141 = tpu.memref_slice %arg9[%dma_wait3A_139, %dma_wait3A_140] : memref<64x129xf32, #tpu.memory_space<vmem>> -> memref<8x128xf32, #tpu.memory_space<vmem>>
    %dma_wait3A_142 = arith.constant 0 : i32
    %dma_wait3A_143 = arith.constant 0 : i32
    %dma_wait3A_144 = tpu.memref_slice %arg4[%dma_wait3A_138, %dma_wait3A_142, %dma_wait3A_143] : memref<51200x8x128xf32, #tpu.memory_space<hbm>> -> memref<1x8x128xf32, #tpu.memory_space<hbm>>
    %dma_wait3A_145 = tpu.memref_squeeze %dma_wait3A_144 : memref<1x8x128xf32, #tpu.memory_space<hbm>> -> memref<8x128xf32, #tpu.memory_space<hbm>>
    %dma_wait3A_146 = arith.constant 0 : i32
    %dma_wait3A_147 = arith.constant 0 : i32
    %dma_wait3A_148 = tpu.memref_slice %arg4[%dma_wait3A_138, %dma_wait3A_146, %dma_wait3A_147] : memref<51200x8x128xf32, #tpu.memory_space<hbm>> -> memref<1x8x128xf32, #tpu.memory_space<hbm>>
    %dma_wait3A_149 = tpu.memref_squeeze %dma_wait3A_148 : memref<1x8x128xf32, #tpu.memory_space<hbm>> -> memref<8x128xf32, #tpu.memory_space<hbm>>
    %dma_wait3A_150 = arith.constant 0 : i32
    %dma_wait3A_151 = arith.constant 0 : i32
    %dma_wait3A_152 = tpu.memref_slice %arg9[%dma_wait3A_150, %dma_wait3A_151] : memref<64x129xf32, #tpu.memory_space<vmem>> -> memref<8x128xf32, #tpu.memory_space<vmem>>
    tpu.wait_dma2 semaphore(%arg13 : memref<!tpu.dma_semaphore, #tpu.memory_space<semaphore_mem>>) src(%dma_wait3A_152 : memref<8x128xf32, #tpu.memory_space<vmem>>) dst(%dma_wait3A_149 : memref<8x128xf32, #tpu.memory_space<hbm>>)
    %dma_wait3A_153 = arith.constant 0 : i32
    %dma_wait3A_154 = arith.constant 0 : i32
    %dma_wait3A_155 = arith.constant 0 : i32
    %dma_wait3A_156 = tpu.memref_slice %arg9[%dma_wait3A_154, %dma_wait3A_155] : memref<64x129xf32, #tpu.memory_space<vmem>> -> memref<8x128xf32, #tpu.memory_space<vmem>>
    %dma_wait3A_157 = arith.constant 0 : i32
    %dma_wait3A_158 = arith.constant 0 : i32
    %dma_wait3A_159 = tpu.memref_slice %arg4[%dma_wait3A_153, %dma_wait3A_157, %dma_wait3A_158] : memref<51200x8x128xf32, #tpu.memory_space<hbm>> -> memref<1x8x128xf32, #tpu.memory_space<hbm>>
    %dma_wait3A_160 = tpu.memref_squeeze %dma_wait3A_159 : memref<1x8x128xf32, #tpu.memory_space<hbm>> -> memref<8x128xf32, #tpu.memory_space<hbm>>
    %dma_wait3A_161 = arith.constant 0 : i32
    %dma_wait3A_162 = arith.constant 0 : i32
    %dma_wait3A_163 = tpu.memref_slice %arg4[%dma_wait3A_153, %dma_wait3A_161, %dma_wait3A_162] : memref<51200x8x128xf32, #tpu.memory_space<hbm>> -> memref<1x8x128xf32, #tpu.memory_space<hbm>>
    %dma_wait3A_164 = tpu.memref_squeeze %dma_wait3A_163 : memref<1x8x128xf32, #tpu.memory_space<hbm>> -> memref<8x128xf32, #tpu.memory_space<hbm>>
    %dma_wait3A_165 = arith.constant 0 : i32
    %dma_wait3A_166 = arith.constant 0 : i32
    %dma_wait3A_167 = tpu.memref_slice %arg9[%dma_wait3A_165, %dma_wait3A_166] : memref<64x129xf32, #tpu.memory_space<vmem>> -> memref<8x128xf32, #tpu.memory_space<vmem>>
    tpu.wait_dma2 semaphore(%arg13 : memref<!tpu.dma_semaphore, #tpu.memory_space<semaphore_mem>>) src(%dma_wait3A_167 : memref<8x128xf32, #tpu.memory_space<vmem>>) dst(%dma_wait3A_164 : memref<8x128xf32, #tpu.memory_space<hbm>>)
    %dma_wait3A_168 = arith.constant 0 : i32
    %dma_wait3A_169 = arith.constant 0 : i32
    %dma_wait3A_170 = arith.constant 0 : i32
    %dma_wait3A_171 = tpu.memref_slice %arg9[%dma_wait3A_169, %dma_wait3A_170] : memref<64x129xf32, #tpu.memory_space<vmem>> -> memref<8x128xf32, #tpu.memory_space<vmem>>
    %dma_wait3A_172 = arith.constant 0 : i32
    %dma_wait3A_173 = arith.constant 0 : i32
    %dma_wait3A_174 = tpu.memref_slice %arg4[%dma_wait3A_168, %dma_wait3A_172, %dma_wait3A_173] : memref<51200x8x128xf32, #tpu.memory_space<hbm>> -> memref<1x8x128xf32, #tpu.memory_space<hbm>>
    %dma_wait3A_175 = tpu.memref_squeeze %dma_wait3A_174 : memref<1x8x128xf32, #tpu.memory_space<hbm>> -> memref<8x128xf32, #tpu.memory_space<hbm>>
    %dma_wait3A_176 = arith.constant 0 : i32
    %dma_wait3A_177 = arith.constant 0 : i32
    %dma_wait3A_178 = tpu.memref_slice %arg4[%dma_wait3A_168, %dma_wait3A_176, %dma_wait3A_177] : memref<51200x8x128xf32, #tpu.memory_space<hbm>> -> memref<1x8x128xf32, #tpu.memory_space<hbm>>
    %dma_wait3A_179 = tpu.memref_squeeze %dma_wait3A_178 : memref<1x8x128xf32, #tpu.memory_space<hbm>> -> memref<8x128xf32, #tpu.memory_space<hbm>>
    %dma_wait3A_180 = arith.constant 0 : i32
    %dma_wait3A_181 = arith.constant 0 : i32
    %dma_wait3A_182 = tpu.memref_slice %arg9[%dma_wait3A_180, %dma_wait3A_181] : memref<64x129xf32, #tpu.memory_space<vmem>> -> memref<8x128xf32, #tpu.memory_space<vmem>>
    tpu.wait_dma2 semaphore(%arg13 : memref<!tpu.dma_semaphore, #tpu.memory_space<semaphore_mem>>) src(%dma_wait3A_182 : memref<8x128xf32, #tpu.memory_space<vmem>>) dst(%dma_wait3A_179 : memref<8x128xf32, #tpu.memory_space<hbm>>)
    %dma_wait3A_183 = arith.constant 0 : i32
    %dma_wait3A_184 = arith.constant 0 : i32
    %dma_wait3A_185 = arith.constant 0 : i32
    %dma_wait3A_186 = tpu.memref_slice %arg9[%dma_wait3A_184, %dma_wait3A_185] : memref<64x129xf32, #tpu.memory_space<vmem>> -> memref<8x128xf32, #tpu.memory_space<vmem>>
    %dma_wait3A_187 = arith.constant 0 : i32
    %dma_wait3A_188 = arith.constant 0 : i32
    %dma_wait3A_189 = tpu.memref_slice %arg4[%dma_wait3A_183, %dma_wait3A_187, %dma_wait3A_188] : memref<51200x8x128xf32, #tpu.memory_space<hbm>> -> memref<1x8x128xf32, #tpu.memory_space<hbm>>
    %dma_wait3A_190 = tpu.memref_squeeze %dma_wait3A_189 : memref<1x8x128xf32, #tpu.memory_space<hbm>> -> memref<8x128xf32, #tpu.memory_space<hbm>>
    %dma_wait3A_191 = arith.constant 0 : i32
    %dma_wait3A_192 = arith.constant 0 : i32
    %dma_wait3A_193 = tpu.memref_slice %arg4[%dma_wait3A_183, %dma_wait3A_191, %dma_wait3A_192] : memref<51200x8x128xf32, #tpu.memory_space<hbm>> -> memref<1x8x128xf32, #tpu.memory_space<hbm>>
    %dma_wait3A_194 = tpu.memref_squeeze %dma_wait3A_193 : memref<1x8x128xf32, #tpu.memory_space<hbm>> -> memref<8x128xf32, #tpu.memory_space<hbm>>
    %dma_wait3A_195 = arith.constant 0 : i32
    %dma_wait3A_196 = arith.constant 0 : i32
    %dma_wait3A_197 = tpu.memref_slice %arg9[%dma_wait3A_195, %dma_wait3A_196] : memref<64x129xf32, #tpu.memory_space<vmem>> -> memref<8x128xf32, #tpu.memory_space<vmem>>
    tpu.wait_dma2 semaphore(%arg13 : memref<!tpu.dma_semaphore, #tpu.memory_space<semaphore_mem>>) src(%dma_wait3A_197 : memref<8x128xf32, #tpu.memory_space<vmem>>) dst(%dma_wait3A_194 : memref<8x128xf32, #tpu.memory_space<hbm>>)
    %dma_wait3A_198 = arith.constant 0 : i32
    %dma_wait3A_199 = arith.constant 0 : i32
    %dma_wait3A_200 = arith.constant 0 : i32
    %dma_wait3A_201 = tpu.memref_slice %arg10[%dma_wait3A_199, %dma_wait3A_200] : memref<64x129xf32, #tpu.memory_space<vmem>> -> memref<8x128xf32, #tpu.memory_space<vmem>>
    %dma_wait3A_202 = arith.constant 0 : i32
    %dma_wait3A_203 = arith.constant 0 : i32
    %dma_wait3A_204 = tpu.memref_slice %arg4[%dma_wait3A_198, %dma_wait3A_202, %dma_wait3A_203] : memref<51200x8x128xf32, #tpu.memory_space<hbm>> -> memref<1x8x128xf32, #tpu.memory_space<hbm>>
    %dma_wait3A_205 = tpu.memref_squeeze %dma_wait3A_204 : memref<1x8x128xf32, #tpu.memory_space<hbm>> -> memref<8x128xf32, #tpu.memory_space<hbm>>
    %dma_wait3A_206 = arith.constant 0 : i32
    %dma_wait3A_207 = arith.constant 0 : i32
    %dma_wait3A_208 = tpu.memref_slice %arg4[%dma_wait3A_198, %dma_wait3A_206, %dma_wait3A_207] : memref<51200x8x128xf32, #tpu.memory_space<hbm>> -> memref<1x8x128xf32, #tpu.memory_space<hbm>>
    %dma_wait3A_209 = tpu.memref_squeeze %dma_wait3A_208 : memref<1x8x128xf32, #tpu.memory_space<hbm>> -> memref<8x128xf32, #tpu.memory_space<hbm>>
    %dma_wait3A_210 = arith.constant 0 : i32
    %dma_wait3A_211 = arith.constant 0 : i32
    %dma_wait3A_212 = tpu.memref_slice %arg10[%dma_wait3A_210, %dma_wait3A_211] : memref<64x129xf32, #tpu.memory_space<vmem>> -> memref<8x128xf32, #tpu.memory_space<vmem>>
    tpu.wait_dma2 semaphore(%arg14 : memref<!tpu.dma_semaphore, #tpu.memory_space<semaphore_mem>>) src(%dma_wait3A_212 : memref<8x128xf32, #tpu.memory_space<vmem>>) dst(%dma_wait3A_209 : memref<8x128xf32, #tpu.memory_space<hbm>>)
    %dma_wait3A_213 = arith.constant 0 : i32
    %dma_wait3A_214 = arith.constant 0 : i32
    %dma_wait3A_215 = arith.constant 0 : i32
    %dma_wait3A_216 = tpu.memref_slice %arg10[%dma_wait3A_214, %dma_wait3A_215] : memref<64x129xf32, #tpu.memory_space<vmem>> -> memref<8x128xf32, #tpu.memory_space<vmem>>
    %dma_wait3A_217 = arith.constant 0 : i32
    %dma_wait3A_218 = arith.constant 0 : i32
    %dma_wait3A_219 = tpu.memref_slice %arg4[%dma_wait3A_213, %dma_wait3A_217, %dma_wait3A_218] : memref<51200x8x128xf32, #tpu.memory_space<hbm>> -> memref<1x8x128xf32, #tpu.memory_space<hbm>>
    %dma_wait3A_220 = tpu.memref_squeeze %dma_wait3A_219 : memref<1x8x128xf32, #tpu.memory_space<hbm>> -> memref<8x128xf32, #tpu.memory_space<hbm>>
    %dma_wait3A_221 = arith.constant 0 : i32
    %dma_wait3A_222 = arith.constant 0 : i32
    %dma_wait3A_223 = tpu.memref_slice %arg4[%dma_wait3A_213, %dma_wait3A_221, %dma_wait3A_222] : memref<51200x8x128xf32, #tpu.memory_space<hbm>> -> memref<1x8x128xf32, #tpu.memory_space<hbm>>
    %dma_wait3A_224 = tpu.memref_squeeze %dma_wait3A_223 : memref<1x8x128xf32, #tpu.memory_space<hbm>> -> memref<8x128xf32, #tpu.memory_space<hbm>>
    %dma_wait3A_225 = arith.constant 0 : i32
    %dma_wait3A_226 = arith.constant 0 : i32
    %dma_wait3A_227 = tpu.memref_slice %arg10[%dma_wait3A_225, %dma_wait3A_226] : memref<64x129xf32, #tpu.memory_space<vmem>> -> memref<8x128xf32, #tpu.memory_space<vmem>>
    tpu.wait_dma2 semaphore(%arg14 : memref<!tpu.dma_semaphore, #tpu.memory_space<semaphore_mem>>) src(%dma_wait3A_227 : memref<8x128xf32, #tpu.memory_space<vmem>>) dst(%dma_wait3A_224 : memref<8x128xf32, #tpu.memory_space<hbm>>)
    %dma_wait3A_228 = arith.constant 0 : i32
    %dma_wait3A_229 = arith.constant 0 : i32
    %dma_wait3A_230 = arith.constant 0 : i32
    %dma_wait3A_231 = tpu.memref_slice %arg10[%dma_wait3A_229, %dma_wait3A_230] : memref<64x129xf32, #tpu.memory_space<vmem>> -> memref<8x128xf32, #tpu.memory_space<vmem>>
    %dma_wait3A_232 = arith.constant 0 : i32
    %dma_wait3A_233 = arith.constant 0 : i32
    %dma_wait3A_234 = tpu.memref_slice %arg4[%dma_wait3A_228, %dma_wait3A_232, %dma_wait3A_233] : memref<51200x8x128xf32, #tpu.memory_space<hbm>> -> memref<1x8x128xf32, #tpu.memory_space<hbm>>
    %dma_wait3A_235 = tpu.memref_squeeze %dma_wait3A_234 : memref<1x8x128xf32, #tpu.memory_space<hbm>> -> memref<8x128xf32, #tpu.memory_space<hbm>>
    %dma_wait3A_236 = arith.constant 0 : i32
    %dma_wait3A_237 = arith.constant 0 : i32
    %dma_wait3A_238 = tpu.memref_slice %arg4[%dma_wait3A_228, %dma_wait3A_236, %dma_wait3A_237] : memref<51200x8x128xf32, #tpu.memory_space<hbm>> -> memref<1x8x128xf32, #tpu.memory_space<hbm>>
    %dma_wait3A_239 = tpu.memref_squeeze %dma_wait3A_238 : memref<1x8x128xf32, #tpu.memory_space<hbm>> -> memref<8x128xf32, #tpu.memory_space<hbm>>
    %dma_wait3A_240 = arith.constant 0 : i32
    %dma_wait3A_241 = arith.constant 0 : i32
    %dma_wait3A_242 = tpu.memref_slice %arg10[%dma_wait3A_240, %dma_wait3A_241] : memref<64x129xf32, #tpu.memory_space<vmem>> -> memref<8x128xf32, #tpu.memory_space<vmem>>
    tpu.wait_dma2 semaphore(%arg14 : memref<!tpu.dma_semaphore, #tpu.memory_space<semaphore_mem>>) src(%dma_wait3A_242 : memref<8x128xf32, #tpu.memory_space<vmem>>) dst(%dma_wait3A_239 : memref<8x128xf32, #tpu.memory_space<hbm>>)
    %dma_wait3A_243 = arith.constant 0 : i32
    %dma_wait3A_244 = arith.constant 0 : i32
    %dma_wait3A_245 = arith.constant 0 : i32
    %dma_wait3A_246 = tpu.memref_slice %arg10[%dma_wait3A_244, %dma_wait3A_245] : memref<64x129xf32, #tpu.memory_space<vmem>> -> memref<8x128xf32, #tpu.memory_space<vmem>>
    %dma_wait3A_247 = arith.constant 0 : i32
    %dma_wait3A_248 = arith.constant 0 : i32
    %dma_wait3A_249 = tpu.memref_slice %arg4[%dma_wait3A_243, %dma_wait3A_247, %dma_wait3A_248] : memref<51200x8x128xf32, #tpu.memory_space<hbm>> -> memref<1x8x128xf32, #tpu.memory_space<hbm>>
    %dma_wait3A_250 = tpu.memref_squeeze %dma_wait3A_249 : memref<1x8x128xf32, #tpu.memory_space<hbm>> -> memref<8x128xf32, #tpu.memory_space<hbm>>
    %dma_wait3A_251 = arith.constant 0 : i32
    %dma_wait3A_252 = arith.constant 0 : i32
    %dma_wait3A_253 = tpu.memref_slice %arg4[%dma_wait3A_243, %dma_wait3A_251, %dma_wait3A_252] : memref<51200x8x128xf32, #tpu.memory_space<hbm>> -> memref<1x8x128xf32, #tpu.memory_space<hbm>>
    %dma_wait3A_254 = tpu.memref_squeeze %dma_wait3A_253 : memref<1x8x128xf32, #tpu.memory_space<hbm>> -> memref<8x128xf32, #tpu.memory_space<hbm>>
    %dma_wait3A_255 = arith.constant 0 : i32
    %dma_wait3A_256 = arith.constant 0 : i32
    %dma_wait3A_257 = tpu.memref_slice %arg10[%dma_wait3A_255, %dma_wait3A_256] : memref<64x129xf32, #tpu.memory_space<vmem>> -> memref<8x128xf32, #tpu.memory_space<vmem>>
    tpu.wait_dma2 semaphore(%arg14 : memref<!tpu.dma_semaphore, #tpu.memory_space<semaphore_mem>>) src(%dma_wait3A_257 : memref<8x128xf32, #tpu.memory_space<vmem>>) dst(%dma_wait3A_254 : memref<8x128xf32, #tpu.memory_space<hbm>>)
    %dma_wait3A_258 = arith.constant 0 : i32
    %dma_wait3A_259 = arith.constant 0 : i32
    %dma_wait3A_260 = arith.constant 0 : i32
    %dma_wait3A_261 = tpu.memref_slice %arg10[%dma_wait3A_259, %dma_wait3A_260] : memref<64x129xf32, #tpu.memory_space<vmem>> -> memref<8x128xf32, #tpu.memory_space<vmem>>
    %dma_wait3A_262 = arith.constant 0 : i32
    %dma_wait3A_263 = arith.constant 0 : i32
    %dma_wait3A_264 = tpu.memref_slice %arg4[%dma_wait3A_258, %dma_wait3A_262, %dma_wait3A_263] : memref<51200x8x128xf32, #tpu.memory_space<hbm>> -> memref<1x8x128xf32, #tpu.memory_space<hbm>>
    %dma_wait3A_265 = tpu.memref_squeeze %dma_wait3A_264 : memref<1x8x128xf32, #tpu.memory_space<hbm>> -> memref<8x128xf32, #tpu.memory_space<hbm>>
    %dma_wait3A_266 = arith.constant 0 : i32
    %dma_wait3A_267 = arith.constant 0 : i32
    %dma_wait3A_268 = tpu.memref_slice %arg4[%dma_wait3A_258, %dma_wait3A_266, %dma_wait3A_267] : memref<51200x8x128xf32, #tpu.memory_space<hbm>> -> memref<1x8x128xf32, #tpu.memory_space<hbm>>
    %dma_wait3A_269 = tpu.memref_squeeze %dma_wait3A_268 : memref<1x8x128xf32, #tpu.memory_space<hbm>> -> memref<8x128xf32, #tpu.memory_space<hbm>>
    %dma_wait3A_270 = arith.constant 0 : i32
    %dma_wait3A_271 = arith.constant 0 : i32
    %dma_wait3A_272 = tpu.memref_slice %arg10[%dma_wait3A_270, %dma_wait3A_271] : memref<64x129xf32, #tpu.memory_space<vmem>> -> memref<8x128xf32, #tpu.memory_space<vmem>>
    tpu.wait_dma2 semaphore(%arg14 : memref<!tpu.dma_semaphore, #tpu.memory_space<semaphore_mem>>) src(%dma_wait3A_272 : memref<8x128xf32, #tpu.memory_space<vmem>>) dst(%dma_wait3A_269 : memref<8x128xf32, #tpu.memory_space<hbm>>)
    %dma_wait3A_273 = arith.constant 0 : i32
    %dma_wait3A_274 = arith.constant 0 : i32
    %dma_wait3A_275 = arith.constant 0 : i32
    %dma_wait3A_276 = tpu.memref_slice %arg10[%dma_wait3A_274, %dma_wait3A_275] : memref<64x129xf32, #tpu.memory_space<vmem>> -> memref<8x128xf32, #tpu.memory_space<vmem>>
    %dma_wait3A_277 = arith.constant 0 : i32
    %dma_wait3A_278 = arith.constant 0 : i32
    %dma_wait3A_279 = tpu.memref_slice %arg4[%dma_wait3A_273, %dma_wait3A_277, %dma_wait3A_278] : memref<51200x8x128xf32, #tpu.memory_space<hbm>> -> memref<1x8x128xf32, #tpu.memory_space<hbm>>
    %dma_wait3A_280 = tpu.memref_squeeze %dma_wait3A_279 : memref<1x8x128xf32, #tpu.memory_space<hbm>> -> memref<8x128xf32, #tpu.memory_space<hbm>>
    %dma_wait3A_281 = arith.constant 0 : i32
    %dma_wait3A_282 = arith.constant 0 : i32
    %dma_wait3A_283 = tpu.memref_slice %arg4[%dma_wait3A_273, %dma_wait3A_281, %dma_wait3A_282] : memref<51200x8x128xf32, #tpu.memory_space<hbm>> -> memref<1x8x128xf32, #tpu.memory_space<hbm>>
    %dma_wait3A_284 = tpu.memref_squeeze %dma_wait3A_283 : memref<1x8x128xf32, #tpu.memory_space<hbm>> -> memref<8x128xf32, #tpu.memory_space<hbm>>
    %dma_wait3A_285 = arith.constant 0 : i32
    %dma_wait3A_286 = arith.constant 0 : i32
    %dma_wait3A_287 = tpu.memref_slice %arg10[%dma_wait3A_285, %dma_wait3A_286] : memref<64x129xf32, #tpu.memory_space<vmem>> -> memref<8x128xf32, #tpu.memory_space<vmem>>
    tpu.wait_dma2 semaphore(%arg14 : memref<!tpu.dma_semaphore, #tpu.memory_space<semaphore_mem>>) src(%dma_wait3A_287 : memref<8x128xf32, #tpu.memory_space<vmem>>) dst(%dma_wait3A_284 : memref<8x128xf32, #tpu.memory_space<hbm>>)
    %dma_wait3A_288 = arith.constant 0 : i32
    %dma_wait3A_289 = arith.constant 0 : i32
    %dma_wait3A_290 = arith.constant 0 : i32
    %dma_wait3A_291 = tpu.memref_slice %arg10[%dma_wait3A_289, %dma_wait3A_290] : memref<64x129xf32, #tpu.memory_space<vmem>> -> memref<8x128xf32, #tpu.memory_space<vmem>>
    %dma_wait3A_292 = arith.constant 0 : i32
    %dma_wait3A_293 = arith.constant 0 : i32
    %dma_wait3A_294 = tpu.memref_slice %arg4[%dma_wait3A_288, %dma_wait3A_292, %dma_wait3A_293] : memref<51200x8x128xf32, #tpu.memory_space<hbm>> -> memref<1x8x128xf32, #tpu.memory_space<hbm>>
    %dma_wait3A_295 = tpu.memref_squeeze %dma_wait3A_294 : memref<1x8x128xf32, #tpu.memory_space<hbm>> -> memref<8x128xf32, #tpu.memory_space<hbm>>
    %dma_wait3A_296 = arith.constant 0 : i32
    %dma_wait3A_297 = arith.constant 0 : i32
    %dma_wait3A_298 = tpu.memref_slice %arg4[%dma_wait3A_288, %dma_wait3A_296, %dma_wait3A_297] : memref<51200x8x128xf32, #tpu.memory_space<hbm>> -> memref<1x8x128xf32, #tpu.memory_space<hbm>>
    %dma_wait3A_299 = tpu.memref_squeeze %dma_wait3A_298 : memref<1x8x128xf32, #tpu.memory_space<hbm>> -> memref<8x128xf32, #tpu.memory_space<hbm>>
    %dma_wait3A_300 = arith.constant 0 : i32
    %dma_wait3A_301 = arith.constant 0 : i32
    %dma_wait3A_302 = tpu.memref_slice %arg10[%dma_wait3A_300, %dma_wait3A_301] : memref<64x129xf32, #tpu.memory_space<vmem>> -> memref<8x128xf32, #tpu.memory_space<vmem>>
    tpu.wait_dma2 semaphore(%arg14 : memref<!tpu.dma_semaphore, #tpu.memory_space<semaphore_mem>>) src(%dma_wait3A_302 : memref<8x128xf32, #tpu.memory_space<vmem>>) dst(%dma_wait3A_299 : memref<8x128xf32, #tpu.memory_space<hbm>>)
    %dma_wait3A_303 = arith.constant 0 : i32
    %dma_wait3A_304 = arith.constant 0 : i32
    %dma_wait3A_305 = arith.constant 0 : i32
    %dma_wait3A_306 = tpu.memref_slice %arg10[%dma_wait3A_304, %dma_wait3A_305] : memref<64x129xf32, #tpu.memory_space<vmem>> -> memref<8x128xf32, #tpu.memory_space<vmem>>
    %dma_wait3A_307 = arith.constant 0 : i32
    %dma_wait3A_308 = arith.constant 0 : i32
    %dma_wait3A_309 = tpu.memref_slice %arg4[%dma_wait3A_303, %dma_wait3A_307, %dma_wait3A_308] : memref<51200x8x128xf32, #tpu.memory_space<hbm>> -> memref<1x8x128xf32, #tpu.memory_space<hbm>>
    %dma_wait3A_310 = tpu.memref_squeeze %dma_wait3A_309 : memref<1x8x128xf32, #tpu.memory_space<hbm>> -> memref<8x128xf32, #tpu.memory_space<hbm>>
    %dma_wait3A_311 = arith.constant 0 : i32
    %dma_wait3A_312 = arith.constant 0 : i32
    %dma_wait3A_313 = tpu.memref_slice %arg4[%dma_wait3A_303, %dma_wait3A_311, %dma_wait3A_312] : memref<51200x8x128xf32, #tpu.memory_space<hbm>> -> memref<1x8x128xf32, #tpu.memory_space<hbm>>
    %dma_wait3A_314 = tpu.memref_squeeze %dma_wait3A_313 : memref<1x8x128xf32, #tpu.memory_space<hbm>> -> memref<8x128xf32, #tpu.memory_space<hbm>>
    %dma_wait3A_315 = arith.constant 0 : i32
    %dma_wait3A_316 = arith.constant 0 : i32
    %dma_wait3A_317 = tpu.memref_slice %arg10[%dma_wait3A_315, %dma_wait3A_316] : memref<64x129xf32, #tpu.memory_space<vmem>> -> memref<8x128xf32, #tpu.memory_space<vmem>>
    tpu.wait_dma2 semaphore(%arg14 : memref<!tpu.dma_semaphore, #tpu.memory_space<semaphore_mem>>) src(%dma_wait3A_317 : memref<8x128xf32, #tpu.memory_space<vmem>>) dst(%dma_wait3A_314 : memref<8x128xf32, #tpu.memory_space<hbm>>)
    return
  }
}

</mosaic_0001>

<sc_bundles>
// kernel: kernel.3.cloned.1.call-start
scs
__scs_entry_jumppad:
0x0: {  	(pc) =	sbr.rel $0x88, $3  }
0x1: {  	(tag) =	ssettag $0x0;
	lr =	simm.s32 $0x1  }
0x2: {  	[smem:$0x3F9F] =	sst lr;
	_ =	strace $0xD0000000  }
0x3: {  	_ = 	snop  }
0x4: {  	_ = 	snop  }
0x5: {  	_ = 	snop  }
0x6: {  	_ = 	snop  }
0x7: {  	_ = 	snop  }
__scs_overlays_trampoline_lowered:
0x8: {  	[smem:$0x3FAE] =	sst s0  }
0x9: {  	[smem:$0x3FAF] =	sst s1  }
0xa: {  	[smem:$0x3FB0] =	sst s2  }
0xb: {  	[smem:$0x3FB1] =	sst s3  }
0xc: {  	[smem:$0x3FB2] =	sst s4  }
0xd: {  	[smem:$0x3FB3] =	sst s5  }
0xe: {  	[smem:$0x3FB4] =	sst s6  }
0xf: {  	[smem:$0x3FB5] =	sst s7  }
0x10: {  	[smem:$0x3FB6] =	sst s8  }
0x11: {  	[smem:$0x3FB7] =	sst s9;
	s0 =	simm.s32 @!p0 $0x0  }
0x12: {  	s1 =	sld [smem:$0x3F9D];
	s0 =	simm.s32 @p0 $0x1  }
0x13: {  	[smem:$0x3FB8] =	sst s0;
	s0 =	simm.s32 @!p1 $0x0  }
0x14: {  	s2 =	sld [smem:$0x3F9C];
	s0 =	simm.s32 @p1 $0x1  }
0x15: {  	[smem:$0x3FB9] =	sst s0;
	s0 =	simm.s32 @!p2 $0x0  }
0x16: {  	s3 =	sld [smem:$0x3FDB];
	s0 =	simm.s32 @p2 $0x1  }
0x17: {  	s4 =	simm.s32 $0x1BF5;
	[smem:$0x3FBB] =	sst s0  }
0x18: {  	s0 =	sld [smem:$0x3F9E];
	_ =	swait.ge [sflag:s4], $0x0  }
0x19: {  	s7 =	sld [smem:$0x3F9F]  }
0x1a: {  	s8 =	sadd.s32 $0xFFFFE003, lr  }
0x1b: {  	s9 =	sadd.s32 $0xFFFFFEF7, lr;
	s5 =	simm.s32 $0xFFFFFFFF;
	p2 =	slt.u32 s8, $0xFFFFF086  }
0x1c: {  	p1 =	slt.u32 s9, $0xF7A;
	s5 =	simm.s32 @!p2 $0x0  }
0x1d: {  	s5 =	simm.s32 @p1 $0x1;
	p0 =	seq.s32 s7, s2  }
0x1e: {  	s7 =	smul.u32 @!p0 $0xF7A, s2;
	p2 =	seq.s32 @!p0 s5, $0x0  }
0x1f: {  	s9 =	smul.u32 $0xF7A, s1;
	s8 =	simm.s32 @!p0 $0x1BF5;
	p2 =	por !p2, p0  }
0x20: {  	[sflag:s8] =	ssyncset.s32 @!p0 $0xFFFFF086;
	s6 =	sadd.s32 @!p0 s3, s7;
	s7 =	simm.s32 @!p0 $0x108  }
0x21: {  	s3 =	sadd.s32 s3, s9;
	s6 =	sadd.s32 @!p0 $0x88, s6;
	s7 =	simm.s32 @p2 $0x1082  }
0x22: {  	[simem:s7], [sflag:s8] =	dma.local @!p0 [hbm:s6], $0xF7A  }
0x23: {  	s9 =	sor.u32 $0xD0000000, s2;
	s6 =	simm.s32 $0x108;
	_ =	swait.ge @!p0 [sflag:s8], $0x0  }
0x24: {  	s3 =	sadd.s32 $0x88, s3;
	s6 =	simm.s32 @!p1 $0x1082;
	[sflag:s4] =	ssyncset.s32 $0xFFFFF086  }
0x25: {  	[simem:s6], [sflag:s4] =	dma.local [hbm:s3], $0xF7A  }
0x26: {  	[smem:$0x3F9F] =	sst s1;
	(tag) =	ssettag s2;
	_ =	strace s9  }
0x27: {  	s1 =	sld [smem:$0x3FAF]  }
0x28: {  	s2 =	sld [smem:$0x3FB0]  }
0x29: {  	s4 =	sld [smem:$0x3FB2]  }
0x2a: {  	p0 =	seq.s32 s5, $0x0;
	s5 =	sld [smem:$0x3FB3]  }
0x2b: {  	s6 =	sld [smem:$0x3FB4]  }
0x2c: {  	s7 =	sld [smem:$0x3FB5]  }
0x2d: {  	s3 =	simm.s32 $0x108;
	s8 =	sld [smem:$0x3FB6]  }
0x2e: {  	s3 =	simm.s32 @!p0 $0x1082;
	s9 =	sld [smem:$0x3FB7]  }
0x2f: {  	lr =	sadd.s32 s0, s3;
	s0 =	sld [smem:$0x3FAE]  }
0x30: {  	s3 =	sld [smem:$0x3FB1]  }
0x31: {  	[smem:$0x3FBA] =	sst s10  }
0x32: {  	s10 =	sld [smem:$0x3FB8];
	_ =	sdelay $0x3  }
0x33: {  	p0 =	seq.s32 s10, $0x1;
	s10 =	sld [smem:$0x3FBA];
	_ =	sdelay $0x3  }
0x34: {  	[smem:$0x3FBA] =	sst s10  }
0x35: {  	s10 =	sld [smem:$0x3FB9];
	_ =	sdelay $0x3  }
0x36: {  	p1 =	seq.s32 s10, $0x1;
	s10 =	sld [smem:$0x3FBA];
	_ =	sdelay $0x3  }
0x37: {  	[smem:$0x3FBA] =	sst s10  }
0x38: {  	s10 =	sld [smem:$0x3FBB]  }
0x39: {  	_ = 	snop;
	(pc) =	sbr.ind lr, $3  }
0x3a: {  	_ = 	snop  }
0x3b: {  	_ = 	snop  }
0x3c: {  	p2 =	seq.s32 s10, $0x1;
	s10 =	sld [smem:$0x3FBA]  }
0x3d: {  	_ =	shalt  }
0x3e: {  	_ =	shalt  }
0x3f: {  	_ =	shalt  }
0x40: {  	_ =	shalt  }
0x41: {  	_ =	shalt  }
0x42: {  	_ =	shalt  }
0x43: {  	_ =	shalt  }
0x44: {  	_ =	shalt  }
0x45: {  	_ =	shalt  }
0x46: {  	_ =	shalt  }
0x47: {  	_ =	shalt  }
0x48: {  	_ =	shalt  }
0x49: {  	_ =	shalt  }
0x4a: {  	_ =	shalt  }
0x4b: {  	_ =	shalt  }
0x4c: {  	_ =	shalt  }
0x4d: {  	_ =	shalt  }
0x4e: {  	_ =	shalt  }
0x4f: {  	_ =	shalt  }
0x50: {  	_ =	shalt  }
0x51: {  	_ =	shalt  }
0x52: {  	_ =	shalt  }
0x53: {  	_ =	shalt  }
0x54: {  	_ =	shalt  }
0x55: {  	_ =	shalt  }
0x56: {  	_ =	shalt  }
0x57: {  	_ =	shalt  }
0x58: {  	_ =	shalt  }
0x59: {  	_ =	shalt  }
0x5a: {  	_ =	shalt  }
0x5b: {  	_ =	shalt  }
0x5c: {  	_ =	shalt  }
0x5d: {  	_ =	shalt  }
0x5e: {  	_ =	shalt  }
0x5f: {  	_ =	shalt  }
0x60: {  	_ =	shalt  }
0x61: {  	_ =	shalt  }
0x62: {  	_ =	shalt  }
0x63: {  	_ =	shalt  }
0x64: {  	_ =	shalt  }
0x65: {  	_ =	shalt  }
0x66: {  	_ =	shalt  }
0x67: {  	_ =	shalt  }
0x68: {  	_ =	shalt  }
0x69: {  	_ =	shalt  }
0x6a: {  	_ =	shalt  }
0x6b: {  	_ =	shalt  }
0x6c: {  	_ =	shalt  }
0x6d: {  	_ =	shalt  }
0x6e: {  	_ =	shalt  }
0x6f: {  	_ =	shalt  }
0x70: {  	_ =	shalt  }
0x71: {  	_ =	shalt  }
0x72: {  	_ =	shalt  }
0x73: {  	_ =	shalt  }
0x74: {  	_ =	shalt  }
0x75: {  	_ =	shalt  }
0x76: {  	_ =	shalt  }
0x77: {  	_ =	shalt  }
0x78: {  	_ =	shalt  }
0x79: {  	_ =	shalt  }
0x7a: {  	_ =	shalt  }
0x7b: {  	_ =	shalt  }
0x7c: {  	_ =	shalt  }
0x7d: {  	_ =	shalt  }
0x7e: {  	_ =	shalt  }
0x7f: {  	_ =	shalt  }
0x80: {  	_ =	shalt  }
0x81: {  	_ =	shalt  }
0x82: {  	_ =	shalt  }
0x83: {  	_ =	shalt  }
0x84: {  	_ =	shalt  }
0x85: {  	_ =	shalt  }
0x86: {  	_ =	shalt  }
0x87: {  	_ =	shalt  }
.Lfunc_end0:
.L_simem_size_0:
called_computation_lowered:
.L_overlay_start_0:
0x88: {  	s2 =	sld [smem:$0x3FD9]  }
0x89: {  	s3 =	sld [smem:$0x3FFE];
	_ =	sdelay $0x1  }
0x8a: {  	s1 =	srdreg.scid  }
0x8b: {  	s0 =	sand.u32 $0x1, s1  }
0x8c: {  	s17 =	sshll.u32 s0, $0xA;
	s2 =	sadd.s32 s3, s2  }
0x8d: {  	s2 =	sadd.s32 s2, s17  }
0x8e: {  	[smem:$0x3FC6] =	sst s2  }
0x8f: {  	_ = 	snop  }
0x90: {  	s2 =	sld [smem:$0x3FC9]  }
0x91: {  	s18 =	sld [smem:$0x3FD0];
	(tm) =	ssettm $0x1  }
0x92: {  	s4 =	sld [smem:$0x3FFB];
	_ =	sdelay $0x3  }
0x93: {  	_ =	strace s4  }
0x94: {  	s4 =	sld [smem:$0x3FFC];
	_ =	sdelay $0x3  }
0x95: {  	_ =	strace s4  }
0x96: {  	s4 =	sld [smem:$0x3FFD];
	_ =	sdelay $0x3  }
0x97: {  	_ =	strace s4  }
0x98: {  	_ =	strace $0x8FFFFFFF  }
0x99: {  	s19 =	sld [smem:$0x3FDB];
	_ =	sdelay $0x1  }
0x9a: {  	s5 =	simm.s32 $_scs_section_size  }
0x9b: {  	s6 =	simm.s32 $_size__tile_overlayer_lowered;
	s7 =	simm.s32 $_tile_overlayer_lowered  }
0x9c: {  	s22 =	simm.s32 $0x1BFF;
	s21 =	sshll.u32 s7, $0x1;
	s4 =	sadd.s32 s5, s19  }
0x9d: {  	s8 =	simm.s32 $0x0;
	s20 =	sshll.u32 s6, $0x1;
	s6 =	sadd.s32 s21, s4  }
0x9e: {  	[timem:s8], [sflag:s22] =	dma.local [hbm:s6], s20  }
0x9f: {  	_ =	swait.ge [sflag:s22], s20  }
0xa0: {  	s5 =	ssub.s32 $0x0, s20;
	[sflag:s22] =	ssyncset.done $0x0  }
0xa1: {  	[sflag:s22] =	ssyncadd.s32 s5;
	_ =	sdelay $0x1  }
0xa2: {  	s23 =	simm.s32 $0x1B8B  }
0xa3: {  	_ =	swait.ge [sflag:s23], $0x1  }
0xa4: {  	[sflag:s23] =	ssyncset.done $0x0  }
0xa5: {  	s25 =	simm.s32 $0x1B8E;
	s24 =	sld [smem:$0x3FFE];
	[sflag:s23] =	ssyncadd.s32 $0xFFFFFFFF  }
0xa6: {  	s26 =	simm.s32 $execute0_lowered;
	[smem:$0x3FD2] =	sst s25  }
0xa7: {  	s6 =	sshll.u32 s26, $0x1;
	_ =	strace $0x80000046;
	[dreg:$0x1] =	wrdreg $0xFFFFFFFF  }
0xa8: {  	s28 =	simm.s32 $_size_execute0_lowered;
	s4 =	sadd.s32 s4, s6;
	[dreg:$0x0] =	wrdreg $0x0  }
0xa9: {  	s6 =	sshll.u32 s28, $0x1;
	[dreg:$0x2] =	wrdreg s4  }
0xaa: {  	[dreg:$0x3] =	wrdreg s6  }
0xab: {  	[dreg:$0x4] =	wrdreg $0xC0  }
0xac: {  	_ =	task [dreg:s8], $0x5FFFF  }
0xad: {  	[dreg:$0x1] =	wrdreg $0xFFFFFFFF  }
0xae: {  	[dreg:$0x0] =	wrdreg $0x60  }
0xaf: {  	[dreg:$0x2] =	wrdreg s24  }
0xb0: {  	[dreg:$0x3] =	wrdreg s2  }
0xb1: {  	[dreg:$0x4] =	wrdreg s18  }
0xb2: {  	[dreg:$0x5] =	wrdreg $0x9  }
0xb3: {  	_ =	task.clear_ibuf [dreg:s8], $0x6FFFF;
	_ =	strace $0x90000046  }
0xb4: {  	s29 =	simm.s32 $0x9;
	_ =	strace $0x80000048  }
0xb5: {  	_ =	swait.ge [sflag:s29], $0x1  }
0xb6: {  	[sflag:s29] =	ssyncadd.s32 $0xFFFFFFFF  }
0xb7: {  	_ =	strace $0x90000048  }
0xb8: {  	_ =	sfence  }
0xb9: {  	s30 =	sld [smem:$0x0];
	_ =	sdelay $0x2  }
0xba: {  	s31 =	sshll.u32 s1, $0xD;
	s1 =	sshrl.u32 s1, $0x2  }
0xbb: {  	s3 =	sand.u32 $0x4000, s31;
	s1 =	sadd.s32 s1, s30  }
0xbc: {  	s0 =	sor.u32 s3, s0;
	s1 =	sshll.u32 s1, $0x11  }
0xbd: {  	s0 =	sor.u32 s1, s0  }
0xbe: {  	s0 =	sadd.s32 $0x8F2B, s0  }
0xbf: {  	[sflag:s0] =	ssyncadd.remote.s32 $0x1  }
0xc0: {  	_ =	sfence.sel $0xFFFF  }
0xc1: {  	[dreg:$0x0] =	wrdreg $0xFFFFFFFF;
	(pc) =	sbr.abs _section_cstart, $3  }
0xc2: {  	[dreg:$0x1] =	wrdreg $0xFFFFFFFF  }
0xc3: {  	_ =	task.clear_ibuf [dreg:s8], $0x2FFFF;
	_ =	strace $0x9FFFFFFF  }
0xc4: {  	(tm) =	ssettm $0x7FFFFFFF  }
0xc5: {  	_ =	shalt  }
tec
execute0_lowered:
.L_overlay_start_1:
0x0: {  	(tag) =	ssettag $0x1  }
0x1: {  	s0 =	rddreg [dreg:$0x0]  }
0x2: {  	s1 =	srdreg.scid;
	s3 =	stileid.u32  }
0x3: {  	s2 =	rddreg [dreg:$0x1];
	s16 =	simm.s32 $0x5;
	s17 =	simm.s32 $0x80  }
0x4: {  	s21 =	simm.s32 $0x8100;
	s28 =	simm.s32 $0xA300;
	v0 =	vlaneseq.u32;
	s29 =	simm.s32 $0xC368  }
0x5: {  	s30 =	simm.s32 $0xC3F0;
	s1 =	sand.u32 $0x1, s1;
	s4 =	sshll.u32 s3, $0x1;
	v61 =	vmul.u32 $0x88, v0  }
0x6: {  	v1 =	vimm.s32 $0x0;
	vm0 =	vcmask $0x300;
	s31 =	simm.s32 $0xC478;
	s3 =	rddreg [dreg:$0x2];
	s6 =	sor.u32 s1, s4  }
0x7: {  	v1 =	vsel vm0, $0x3, v1;
	s4 =	simm.s32 $0x0;
	s9 =	sadd.s32 $0x2000, s3;
	s10 =	sadd.s32 $0x3000, s3;
	v21 =	vadd.s32 $0x880, v61  }
0x8: {  	s11 =	sadd.s32 $0x4000, s3;
	s12 =	sadd.s32 $0x5000, s3;
	[smem:$0x7FF] =	sst s4;
	v7 =	vadd.s32 $0x1100, v61;
	v2 =	vadd.s32 $0x1980, v61;
	v14 =	vadd.s32 $0x1982, v61  }
0x9: {  	s20 =	simm.s32 $0x1;
	s13 =	sadd.s32 $0x6000, s3;
	v8 =	vor.u32 $0x1, v61;
	v9 =	vadd.s32 $0x881, v61;
	v18 =	vadd.s32 $0x1983, v61;
	_ =	strace $0x80000047;
	[tilespmem:$0x1FF70] =	vst v14  }
0xa: {  	s1 =	ssub.s32 $0x2, s1;
	s14 =	sadd.s32 $0x7000, s3;
	s5 =	smul.u32 $0x6400, s6;
	v63 =	vadd.s32 $0x1101, v61;
	v33 =	vadd.s32 $0x1981, v61;
	v22 =	vadd.s32 $0x1984, v61;
	[tilespmem:$0x1FF80] =	vst v18  }
0xb: {  	s7 =	sshll.u32 s6, $0xD;
	s8 =	smul.u32 $0x320, s6;
	s24 =	sshrl.u32 s1, $0x1;
	v12 =	vor.u32 $0x2, v61;
	v13 =	vadd.s32 $0x882, v61;
	v26 =	vadd.s32 $0x1985, v61;
	[tilespmem:$0x1FF90] =	vst v22  }
0xc: {  	s6 =	smul.u32 $0xC8, s6;
	v11 =	vadd.s32 $0x1102, v61;
	v6 =	vor.u32 $0x3, v61;
	v30 =	vadd.s32 $0x1986, v61;
	s7 =	sand.u32 $0x6000, s7;
	[tilespmem:$0x1FFA0] =	vst v26;
	s5 =	sand.u32 $0xF8000, s5  }
0xd: {  	v10 =	vadd.s32 $0x883, v61;
	v19 =	vadd.s32 $0x1103, v61;
	v57 =	vadd.s32 $0x1987, v61;
	s25 =	ssub.s32 s1, s24;
	[tilespmem:$0x1FFB0] =	vst v30;
	s23 =	sand.u32 $0x380, s8;
	s5 =	sor.u32 s7, s5  }
0xe: {  	v20 =	vor.u32 $0x4, v61;
	v41 =	vadd.s32 $0x884, v61;
	v23 =	vadd.s32 $0x1104, v61;
	s24 =	simm.s32 $0xC2E0;
	[tilespmem:$0x1FFC0] =	vst v57;
	s8 =	sadd.s32 $0x1000, s3;
	s7 =	sor.u32 s23, s5  }
0xf: {  	v24 =	vor.u32 $0x5, v61;
	v25 =	vadd.s32 $0x885, v61;
	v27 =	vadd.s32 $0x1105, v61;
	[tilespmem:$0x1FFD0] =	vst v33;
	s5 =	sadd.s32 $0xF42800, s0;
	s0 =	smax.u32 s25, $0x1;
	s26 =	sshrl.u32 s7, $0x3  }
0x10: {  	v28 =	vor.u32 $0x6, v61;
	v29 =	vadd.s32 $0x886, v61;
	v3 =	vadd.s32 $0x1107, v61;
	[tilespmem:$0x1FFE0] =	vst v2;
	s25 =	simm.s32 $0x2;
	[dreg:$0x5] =	wrdreg s0;
	s1 =	sadd.s32 s2, s26  }
0x11: {  	v31 =	vadd.s32 $0x1106, v61;
	v32 =	vor.u32 $0x7, v61;
	v15 =	vadd.s32 $0x887, v61;
	[tilespmem:$0x1FFF0] =	vst v3;
	s26 =	simm.s32 $0x4;
	[dreg:$0x4] =	wrdreg s1;
	s1 =	simm.s32 $0x0  }
.LBB2_1:
0x12: {  	[dreg:$0x6] =	wrdreg s1  }
0x13: {  	s0 =	rddreg [dreg:$0x4]  }
0x14: {  	[tilespmem:s4], [sflag:$0x5] =	stream.linear.gather [hbm4b:s0+s4], $0x80, $0x38;
	[tilespmem:$0xC500] =	vst v63  }
0x15: {  	_ =	swait.ge [sflag:s16], $0x80  }
0x16: {  	[sflag:s16] =	ssyncset.done $0x0  }
0x17: {  	s23 =	simm.s32 $0x100;
	s1 =	simm.s32 $0x0;
	[sflag:s16] =	ssyncadd.s32 $0xFFFFFF80  }
0x18: {  	[tilespmem:s23], [sflag:$0x1] =	stream.indirect.gather [hbm4b:s5+s17], $0x80, s4, s17, $0xb8;
	[tilespmem:$0xC500] =	vst v63  }
.LBB2_2:
0x19: {  	s0 =	sshll.u32 s1, $0x1  }
0x1a: {  	s15 =	sadd.s32 s6, s0  }
0x1b: {  	s18 =	sand.u32 $0x1E, s15;
	s0 =	sshll.u32 s15, $0x4  }
0x1c: {  	s7 =	sand.u32 $0xFFFF000, s0;
	s19 =	sshll.u32 s18, $0x7  }
0x1d: {  	s0 =	sor.u32 $0x80, s19;
	s19 =	sshrl.u32 s15, $0x1;
	s7 =	sadd.s32 s2, s7  }
0x1e: {  	s19 =	sand.u32 $0x70, s19;
	s7 =	sadd.s32 s0, s7  }
0x1f: {  	s7 =	sadd.s32 s19, s7  }
0x20: {  	[tilespmem:s17], [sflag:$0x5] =	stream.linear.gather [hbm4b:s7+s4], $0x80, $0x38;
	[tilespmem:$0xC500] =	vst v63  }
0x21: {  	_ =	swait.ge [sflag:s16], $0x80  }
0x22: {  	[sflag:s16] =	ssyncset.done $0x0  }
0x23: {  	s22 =	simm.s32 $0x4100;
	[sflag:s16] =	ssyncadd.s32 $0xFFFFFF80  }
0x24: {  	[tilespmem:s22], [sflag:$0x2] =	stream.indirect.gather [hbm4b:s5+s17], $0x80, s17, s17, $0xb8;
	[tilespmem:$0xC500] =	vst v63  }
0x25: {  	_ =	swait.ge [sflag:s20], $0x4000  }
0x26: {  	p0 =	seq.s32 s1, $0x0;
	[sflag:s20] =	ssyncset.done $0x0  }
0x27: {  	s7 =	simm.s32 @!p0 $0x3;
	[sflag:s20] =	ssyncadd.s32 $0xFFFFC000  }
0x28: {  	_ =	swait.ge @!p0 [sflag:s7], $0x400  }
0x29: {  	[sflag:s7] =	ssyncset.done @!p0 $0x0  }
0x2a: {  	[sflag:s7] =	ssyncadd.s32 @!p0 $0xFFFFFC00  }
0x2b: {  	_ =	swait.ge @!p0 [sflag:s7], $0x400  }
0x2c: {  	[sflag:s7] =	ssyncset.done @!p0 $0x0  }
0x2d: {  	[sflag:s7] =	ssyncadd.s32 @!p0 $0xFFFFFC00  }
0x2e: {  	_ =	swait.ge @!p0 [sflag:s7], $0x400  }
0x2f: {  	[sflag:s7] =	ssyncset.done @!p0 $0x0  }
0x30: {  	[sflag:s7] =	ssyncadd.s32 @!p0 $0xFFFFFC00  }
0x31: {  	_ =	swait.ge @!p0 [sflag:s7], $0x400  }
0x32: {  	[sflag:s7] =	ssyncset.done @!p0 $0x0  }
0x33: {  	[sflag:s7] =	ssyncadd.s32 @!p0 $0xFFFFFC00  }
0x34: {  	_ =	swait.ge @!p0 [sflag:s7], $0x400  }
0x35: {  	[sflag:s7] =	ssyncset.done @!p0 $0x0  }
0x36: {  	[sflag:s7] =	ssyncadd.s32 @!p0 $0xFFFFFC00  }
0x37: {  	_ =	swait.ge @!p0 [sflag:s7], $0x400  }
0x38: {  	[sflag:s7] =	ssyncset.done @!p0 $0x0  }
0x39: {  	s23 =	simm.s32 $0x0;
	[sflag:s7] =	ssyncadd.s32 @!p0 $0xFFFFFC00  }
0x3a: {  	v33 =	vmov s23;
	s23 =	simm.s32 $0x3;
	s22 =	simm.s32 $0x2;
	_ =	swait.ge @!p0 [sflag:s7], $0x400  }
0x3b: {  	v36 =	vmov s23;
	s23 =	simm.s32 $0x6;
	v35 =	vmov s22;
	s22 =	simm.s32 $0x5;
	[sflag:s7] =	ssyncset.done @!p0 $0x0  }
0x3c: {  	v33 =	vshrl.u32 v33, $0x3;
	v39 =	vmov s23;
	v38 =	vmov s22;
	s22 =	simm.s32 $0x7;
	[sflag:s7] =	ssyncadd.s32 @!p0 $0xFFFFFC00  }
0x3d: {  	v33 =	vshll.u32 v33, v1;
	v36 =	vshrl.u32 v36, $0x3;
	s19 =	simm.s32 $0x1;
	v40 =	vmov s22;
	_ =	swait.ge @!p0 [sflag:s7], $0x400  }
0x3e: {  	v2 =	vbroadcast v33, $0x0;
	v34 =	vmov s19;
	s19 =	simm.s32 $0x4;
	v40 =	vshrl.u32 v40, $0x3;
	[sflag:s7] =	ssyncset.done @!p0 $0x0  }
0x3f: {  	v36 =	vshll.u32 v36, v1;
	v37 =	vmov s19;
	s19 =	simm.s32 $0x300;
	v40 =	vshll.u32 v40, v1;
	[sflag:s7] =	ssyncadd.s32 @!p0 $0xFFFFFC00  }
0x40: {  	v36 =	vbroadcast v36, $0x0;
	v34 =	vshrl.u32 v34, $0x3;
	v0 =	vbroadcast v40, $0x0;
	v55 =	vld [tilespmem:s19+$0x180]  }
0x41: {  	v37 =	vshrl.u32 v37, $0x3;
	v34 =	vshll.u32 v34, v1;
	v35 =	vshrl.u32 v35, $0x3;
	v43 =	vld [tilespmem:s19+$0xFFFFFE00]  }
0x42: {  	v16 =	vbroadcast v34, $0x0;
	v35 =	vshll.u32 v35, v1;
	v46 =	vadd.s32 v32, v0;
	v45 =	vld [tilespmem:s19+$0xFFFFFE80]  }
0x43: {  	v58 =	vadd.s32 v61, v2;
	v44 =	vshll.u32 v37, v1;
	v37 =	vbroadcast v35, $0x0;
	v47 =	vld [tilespmem:s19+$0xFFFFFF00]  }
0x44: {  	v42 =	vshrl.u32 v39, $0x3;
	v52 =	vadd.s32 v6, v36;
	v48 =	vadd.s32 v8, v16;
	v49 =	vld [tilespmem:s19+$0xFFFFFF80]  }
0x45: {  	v38 =	vshrl.u32 v38, $0x3;
	v50 =	vadd.s32 v12, v37;
	v59 =	vmul.f32 $8.000000000e+00, v55  }
0x46: {  	v56 =	vshll.u32 v38, v1;
	v35 =	vbroadcast v44, $0x0;
	v51 =	vld [tilespmem:s19+$0x0];
	v43 =	vmul.f32 $8.000000000e+00, v43  }
0x47: {  	v42 =	vshll.u32 v42, v1;
	v33 =	vbroadcast v56, $0x0;
	v53 =	vld [tilespmem:s19+$0x80];
	v45 =	vmul.f32 $8.000000000e+00, v45;
	[tilespmem:v46+s21+$0x0] =	vst.idx.msk $0xffff, v59  }
0x48: {  	v5 =	vmovc v61;
	v34 =	vbroadcast v42, $0x0;
	v54 =	vadd.s32 v20, v35;
	v55 =	vld [tilespmem:s19+$0x100];
	v61 =	vmul.f32 $8.000000000e+00, v47;
	[tilespmem:v58+s21+$0x0] =	vst.idx.msk $0xffff, v43  }
0x49: {  	s23 =	simm.s32 $0x8;
	v40 =	vmul.f32 $8.000000000e+00, v49;
	v43 =	vadd.s32 v24, v33;
	[tilespmem:v48+s21+$0x0] =	vst.idx.msk $0xffff, v45;
	v44 =	vld [tilespmem:s19+$0x190]  }
0x4a: {  	v60 =	vmov s23;
	v47 =	vadd.s32 v28, v34;
	[tilespmem:v50+s21+$0x0] =	vst.idx.msk $0xffff, v61;
	v62 =	vld [tilespmem:s19+$0xFFFFFE10]  }
0x4b: {  	v42 =	vshrl.u32 v60, $0x3;
	v60 =	vmul.f32 $8.000000000e+00, v51;
	v50 =	vadd.s32 v15, v0;
	[tilespmem:v52+s21+$0x0] =	vst.idx.msk $0xffff, v40;
	v49 =	vld [tilespmem:s19+$0xFFFFFE90]  }
0x4c: {  	v4 =	vmov v57;
	v56 =	vadd.s32 v21, v2;
	v61 =	vmul.f32 $8.000000000e+00, v53;
	v57 =	vld [tilespmem:s19+$0xFFFFFF10];
	[tilespmem:$0x1FF60] =	vst v16  }
0x4d: {  	v53 =	vadd.s32 v9, v16;
	v58 =	vld [tilespmem:s19+$0xFFFFFF90];
	[tilespmem:v54+s21+$0x0] =	vst.idx.msk $0xffff, v60;
	v38 =	vmul.f32 $8.000000000e+00, v55  }
0x4e: {  	v55 =	vadd.s32 v13, v37;
	v59 =	vld [tilespmem:s19+$0x10];
	[tilespmem:v43+s21+$0x0] =	vst.idx.msk $0xffff, v61;
	v43 =	vmul.f32 $8.000000000e+00, v44  }
0x4f: {  	s23 =	simm.s32 $0xA;
	v46 =	vadd.s32 v10, v36;
	[tilespmem:v47+s21+$0x0] =	vst.idx.msk $0xffff, v38;
	v45 =	vmul.f32 $8.000000000e+00, v62;
	v60 =	vld [tilespmem:s19+$0x90]  }
0x50: {  	v51 =	vmov s23;
	v47 =	vmul.f32 $8.000000000e+00, v49;
	v49 =	vadd.s32 v41, v35;
	v61 =	vld [tilespmem:s19+$0x110];
	[tilespmem:v50+s21+$0x0] =	vst.idx.msk $0xffff, v43  }
0x51: {  	s22 =	simm.s32 $0x9;
	v43 =	vshll.u32 v42, v1;
	[tilespmem:v56+s21+$0x0] =	vst.idx.msk $0xffff, v45;
	v42 =	vmul.f32 $8.000000000e+00, v57;
	v45 =	vadd.s32 v25, v33;
	v50 =	vld [tilespmem:s19+$0x1A0]  }
0x52: {  	v48 =	vmov s22;
	s22 =	simm.s32 $0xB;
	v62 =	vmul.f32 $8.000000000e+00, v58;
	[tilespmem:v53+s21+$0x0] =	vst.idx.msk $0xffff, v47;
	v53 =	vadd.s32 v29, v34;
	v56 =	vld [tilespmem:s19+$0xFFFFFE20]  }
0x53: {  	s23 =	simm.s32 $0xC;
	v52 =	vmov s22;
	v57 =	vld [tilespmem:s19+$0xFFFFFEA0];
	[tilespmem:v55+s21+$0x0] =	vst.idx.msk $0xffff, v42;
	v42 =	vmul.f32 $8.000000000e+00, v59;
	v55 =	vadd.s32 v3, v0  }
0x54: {  	v39 =	vmovc v16;
	s22 =	simm.s32 $0xD;
	v54 =	vmov s23;
	v58 =	vadd.s32 v7, v2;
	[tilespmem:v46+s21+$0x0] =	vst.idx.msk $0xffff, v62;
	v59 =	vld [tilespmem:s19+$0xFFFFFF20];
	v46 =	vmul.f32 $8.000000000e+00, v60  }
0x55: {  	v16 =	vmovc v11;
	v44 =	vmov s22;
	v62 =	vadd.s32 v63, v39;
	v47 =	vmul.f32 $8.000000000e+00, v61;
	[tilespmem:v49+s21+$0x0] =	vst.idx.msk $0xffff, v42  }
0x56: {  	s23 =	simm.s32 $0xE;
	v61 =	vshrl.u32 v44, $0x3;
	v49 =	vadd.s32 v16, v37;
	[tilespmem:v45+s21+$0x0] =	vst.idx.msk $0xffff, v46;
	v44 =	vmul.f32 $8.000000000e+00, v50  }
0x57: {  	v38 =	vmov s23;
	[tilespmem:v53+s21+$0x0] =	vst.idx.msk $0xffff, v47;
	v50 =	vmul.f32 $8.000000000e+00, v56  }
0x58: {  	v42 =	vshrl.u32 v38, $0x3;
	v38 =	vbroadcast v43, $0x0;
	v43 =	vmul.f32 $8.000000000e+00, v57;
	[tilespmem:v55+s21+$0x0] =	vst.idx.msk $0xffff, v44  }
0x59: {  	v11 =	vmov v63;
	v63 =	vld [tilespmem:s19+$0xFFFFFFA0];
	[tilespmem:v58+s21+$0x0] =	vst.idx.msk $0xffff, v50;
	v59 =	vmul.f32 $8.000000000e+00, v59  }
0x5a: {  	[tilespmem:v62+s21+$0x0] =	vst.idx.msk $0xffff, v43  }
0x5b: {  	v56 =	vadd.s32 v19, v36;
	[tilespmem:v49+s21+$0x0] =	vst.idx.msk $0xffff, v59  }
0x5c: {  	v53 =	vadd.s32 v4, v0;
	v0 =	vld [tilespmem:$0x1FFE0];
	_ =	sdelay $0x1  }
0x5d: {  	v39 =	vld [tilespmem:s19+$0x20];
	v62 =	vmul.f32 $8.000000000e+00, v63  }
0x5e: {  	v40 =	vld [tilespmem:s19+$0xA0]  }
0x5f: {  	v48 =	vshrl.u32 v48, $0x3;
	v60 =	vld [tilespmem:s19+$0x120];
	[tilespmem:v56+s21+$0x0] =	vst.idx.msk $0xffff, v62  }
0x60: {  	v47 =	vshll.u32 v48, v1;
	v48 =	vadd.s32 v0, v2;
	v0 =	vld [tilespmem:$0x1FFD0]  }
0x61: {  	v57 =	vadd.s32 v23, v35;
	v2 =	vld [tilespmem:$0x1FF60]  }
0x62: {  	v17 =	vmov v6;
	v51 =	vshrl.u32 v51, $0x3;
	v52 =	vshrl.u32 v52, $0x3;
	v55 =	vld [tilespmem:s19+$0x1B0]  }
0x63: {  	v6 =	vmovc v21;
	v21 =	vmovc v41;
	v41 =	vshrl.u32 v54, $0x3;
	v54 =	vadd.s32 v27, v33;
	v45 =	vshll.u32 v52, v1;
	v50 =	vld [tilespmem:s19+$0xFFFFFE30]  }
0x64: {  	v44 =	vshll.u32 v51, v1;
	v51 =	vadd.s32 v31, v34;
	v52 =	vld [tilespmem:s19+$0xFFFFFEB0];
	v63 =	vmul.f32 $8.000000000e+00, v39  }
0x65: {  	v46 =	vshll.u32 v41, v1;
	v43 =	vshll.u32 v61, v1;
	v49 =	vld [tilespmem:s19+$0xFFFFFF30]  }
0x66: {  	s7 =	sshrl.u32 s15, $0x5;
	s23 =	simm.s32 $0xF;
	s22 =	simm.s32 $0x10;
	v39 =	vmul.f32 $8.000000000e+00, v40;
	v40 =	vmul.f32 $8.000000000e+00, v60;
	v56 =	vld [tilespmem:s19+$0xFFFFFFB0];
	[tilespmem:v57+s21+$0x0] =	vst.idx.msk $0xffff, v63;
	v41 =	vadd.s32 v0, v2  }
.LBB2_3:
0x67: {  	v57 =	vmov s23  }
0x68: {  	v37 =	vadd.s32 v14, v37;
	v58 =	vld [tilespmem:s19+$0x30];
	v36 =	vadd.s32 v18, v36;
	[tilespmem:v54+s21+$0x0] =	vst.idx.msk $0xffff, v39;
	v61 =	vmul.f32 $8.000000000e+00, v55  }
0x69: {  	v35 =	vadd.s32 v22, v35;
	v62 =	vshrl.u32 v57, $0x3;
	[tilespmem:v51+s21+$0x0] =	vst.idx.msk $0xffff, v40;
	v50 =	vmul.f32 $8.000000000e+00, v50;
	v55 =	vld [tilespmem:s19+$0xB0]  }
0x6a: {  	v39 =	vmov v38;
	v38 =	vshll.u32 v62, v1;
	v63 =	vmul.f32 $8.000000000e+00, v52;
	v52 =	vld [tilespmem:s19+$0x130];
	s19 =	sadd.s32 $0x400, s19;
	[tilespmem:v53+s21+$0x0] =	vst.idx.msk $0xffff, v61  }
0x6b: {  	v33 =	vadd.s32 v26, v33;
	v40 =	vbroadcast v38, $0x0;
	v57 =	vmul.f32 $8.000000000e+00, v49;
	[tilespmem:v48+s21+$0x0] =	vst.idx.msk $0xffff, v50;
	v53 =	vld [tilespmem:s19+$0x180]  }
0x6c: {  	v34 =	vadd.s32 v30, v34;
	v59 =	vmul.f32 $8.000000000e+00, v56;
	[tilespmem:v41+s21+$0x0] =	vst.idx.msk $0xffff, v63;
	v48 =	vld [tilespmem:s19+$0xFFFFFE00]  }
0x6d: {  	v41 =	vbroadcast v47, $0x0;
	v47 =	vadd.s32 v32, v40;
	[tilespmem:v37+s21+$0x0] =	vst.idx.msk $0xffff, v57;
	v61 =	vmul.f32 $8.000000000e+00, v58;
	v60 =	vld [tilespmem:s19+$0xFFFFFE80]  }
0x6e: {  	v51 =	vadd.s32 v5, v39;
	[tilespmem:v36+s21+$0x0] =	vst.idx.msk $0xffff, v59;
	v62 =	vld [tilespmem:s19+$0xFFFFFF00];
	v63 =	vmul.f32 $8.000000000e+00, v55  }
0x6f: {  	v36 =	vbroadcast v45, $0x0;
	v49 =	vadd.s32 v8, v41;
	[tilespmem:v35+s21+$0x0] =	vst.idx.msk $0xffff, v61;
	v55 =	vld [tilespmem:s19+$0xFFFFFF80];
	v56 =	vmul.f32 $8.000000000e+00, v52  }
0x70: {  	v42 =	vshll.u32 v42, v1;
	v37 =	vbroadcast v44, $0x0;
	v57 =	vld [tilespmem:s19+$0x0];
	[tilespmem:v33+s21+$0x0] =	vst.idx.msk $0xffff, v63;
	v58 =	vmul.f32 $8.000000000e+00, v53  }
0x71: {  	v35 =	vbroadcast v46, $0x0;
	[tilespmem:v34+s21+$0x0] =	vst.idx.msk $0xffff, v56;
	v59 =	vmul.f32 $8.000000000e+00, v48;
	v48 =	vadd.s32 v17, v36;
	v53 =	vld [tilespmem:s19+$0x80]  }
0x72: {  	v45 =	vadd.s32 v12, v37;
	v33 =	vbroadcast v43, $0x0;
	v60 =	vmul.f32 $8.000000000e+00, v60;
	v50 =	vld [tilespmem:s19+$0x100];
	[tilespmem:v47+s21+$0x0] =	vst.idx.msk $0xffff, v58  }
0x73: {  	v43 =	vadd.s32 v20, v35;
	v34 =	vbroadcast v42, $0x0;
	[tilespmem:v51+s21+$0x0] =	vst.idx.msk $0xffff, v59;
	v47 =	vld [tilespmem:s19+$0x190]  }
0x74: {  	v63 =	vadd.s32 v24, v33;
	[tilespmem:v49+s21+$0x0] =	vst.idx.msk $0xffff, v60;
	v60 =	vmul.f32 $8.000000000e+00, v55;
	v51 =	vld [tilespmem:s19+$0xFFFFFE10]  }
0x75: {  	v61 =	vmov s22;
	v62 =	vmul.f32 $8.000000000e+00, v62;
	v49 =	vadd.s32 v28, v34  }
0x76: {  	v42 =	vshrl.u32 v61, $0x3;
	v56 =	vadd.s32 v6, v39;
	v61 =	vmul.f32 $8.000000000e+00, v57;
	v55 =	vld [tilespmem:s19+$0xFFFFFE90];
	[tilespmem:v48+s21+$0x0] =	vst.idx.msk $0xffff, v60  }
0x77: {  	s23 =	sadd.s32 $0x1, s22;
	[tilespmem:v45+s21+$0x0] =	vst.idx.msk $0xffff, v62;
	v45 =	vadd.s32 v15, v40;
	v62 =	vmul.f32 $8.000000000e+00, v53;
	v58 =	vld [tilespmem:s19+$0xFFFFFF90]  }
0x78: {  	v54 =	vmov s23;
	v57 =	vld [tilespmem:s19+$0xFFFFFF10];
	[tilespmem:v43+s21+$0x0] =	vst.idx.msk $0xffff, v61;
	v53 =	vadd.s32 v9, v41;
	v43 =	vmul.f32 $8.000000000e+00, v50  }
0x79: {  	s23 =	sadd.s32 $0x2, s22;
	v59 =	vld [tilespmem:s19+$0x10];
	[tilespmem:v63+s21+$0x0] =	vst.idx.msk $0xffff, v62;
	v38 =	vmul.f32 $8.000000000e+00, v47;
	v47 =	vmul.f32 $8.000000000e+00, v51;
	v51 =	vadd.s32 v10, v36  }
0x7a: {  	v52 =	vmov s23;
	s23 =	sadd.s32 $0x3, s22;
	v50 =	vadd.s32 v13, v37;
	[tilespmem:v49+s21+$0x0] =	vst.idx.msk $0xffff, v43;
	v60 =	vld [tilespmem:s19+$0x90]  }
0x7b: {  	v48 =	vmov s23;
	s23 =	sadd.s32 $0x4, s22;
	v49 =	vmul.f32 $8.000000000e+00, v55;
	v61 =	vld [tilespmem:s19+$0x110];
	[tilespmem:v56+s21+$0x0] =	vst.idx.msk $0xffff, v47  }
0x7c: {  	v44 =	vmov s23;
	s23 =	sadd.s32 $0x5, s22;
	v55 =	vadd.s32 v21, v35;
	[tilespmem:v45+s21+$0x0] =	vst.idx.msk $0xffff, v38;
	v56 =	vld [tilespmem:s19+$0xFFFFFE20];
	v62 =	vmul.f32 $8.000000000e+00, v58  }
0x7d: {  	v46 =	vmov s23;
	s23 =	sadd.s32 $0x6, s22;
	v63 =	vmul.f32 $8.000000000e+00, v57;
	v45 =	vadd.s32 v25, v33;
	[tilespmem:v53+s21+$0x0] =	vst.idx.msk $0xffff, v49  }
0x7e: {  	v43 =	vmov s23;
	v38 =	vshll.u32 v42, v1;
	v53 =	vadd.s32 v29, v34;
	v47 =	vld [tilespmem:s19+$0x1A0];
	[tilespmem:v51+s21+$0x0] =	vst.idx.msk $0xffff, v62  }
0x7f: {  	[tilespmem:v50+s21+$0x0] =	vst.idx.msk $0xffff, v63;
	v42 =	vmul.f32 $8.000000000e+00, v59;
	v50 =	vadd.s32 v3, v40;
	v58 =	vadd.s32 v7, v39;
	v62 =	vld [tilespmem:s19+$0xFFFFFFA0]  }
0x80: {  	v57 =	vld [tilespmem:s19+$0xFFFFFEA0];
	v49 =	vmul.f32 $8.000000000e+00, v60;
	v60 =	vshrl.u32 v44, $0x3;
	v44 =	vmul.f32 $8.000000000e+00, v61  }
0x81: {  	v59 =	vld [tilespmem:s19+$0xFFFFFF20];
	[tilespmem:v55+s21+$0x0] =	vst.idx.msk $0xffff, v42;
	v42 =	vshrl.u32 v43, $0x3;
	v43 =	vmul.f32 $8.000000000e+00, v56;
	v56 =	vadd.s32 v19, v36  }
0x82: {  	v63 =	vld [tilespmem:s19+$0x20];
	[tilespmem:v45+s21+$0x0] =	vst.idx.msk $0xffff, v49  }
0x83: {  	v51 =	vadd.s32 v11, v41;
	[tilespmem:v53+s21+$0x0] =	vst.idx.msk $0xffff, v44;
	v45 =	vmul.f32 $8.000000000e+00, v47;
	v0 =	vld [tilespmem:s19+$0xA0]  }
0x84: {  	v61 =	vshrl.u32 v46, $0x3;
	v46 =	vadd.s32 v16, v37;
	v2 =	vld [tilespmem:s19+$0x120];
	[tilespmem:v58+s21+$0x0] =	vst.idx.msk $0xffff, v43;
	v58 =	vmul.f32 $8.000000000e+00, v62  }
0x85: {  	v54 =	vshrl.u32 v54, $0x3;
	v52 =	vshrl.u32 v52, $0x3;
	[tilespmem:v50+s21+$0x0] =	vst.idx.msk $0xffff, v45;
	v62 =	vld [tilespmem:$0x1FFE0]  }
0x86: {  	p1 =	slt.u32 s22, $0x78;
	v48 =	vshrl.u32 v48, $0x3;
	v49 =	vmul.f32 $8.000000000e+00, v57;
	v57 =	vadd.s32 v23, v35;
	[tilespmem:v56+s21+$0x0] =	vst.idx.msk $0xffff, v58;
	v58 =	vld [tilespmem:$0x1FFD0]  }
.Ltmp0:
0x87: {  	v44 =	vshll.u32 v52, v1;
	v53 =	vadd.s32 v4, v40;
	v43 =	vmul.f32 $8.000000000e+00, v59;
	v55 =	vld [tilespmem:s19+$0x1B0];
	(pc) =	sbr.rel @p1 .LBB2_3-.Ltmp0, $4  }
0x88: {  	v38 =	vbroadcast v38, $0x0;
	v47 =	vshll.u32 v54, v1;
	v54 =	vadd.s32 v27, v33;
	[tilespmem:v51+s21+$0x0] =	vst.idx.msk $0xffff, v49;
	v50 =	vld [tilespmem:s19+$0xFFFFFE30]  }
0x89: {  	v51 =	vadd.s32 v31, v34;
	v45 =	vshll.u32 v48, v1;
	v52 =	vld [tilespmem:s19+$0xFFFFFEB0];
	v63 =	vmul.f32 $8.000000000e+00, v63;
	[tilespmem:v46+s21+$0x0] =	vst.idx.msk $0xffff, v43  }
0x8a: {  	v46 =	vshll.u32 v60, v1;
	v43 =	vshll.u32 v61, v1;
	v49 =	vld [tilespmem:s19+$0xFFFFFF30];
	v40 =	vmul.f32 $8.000000000e+00, v2  }
0x8b: {  	s23 =	sadd.s32 $0x7, s22;
	s22 =	sadd.s32 $0x8, s22;
	[tilespmem:v57+s21+$0x0] =	vst.idx.msk $0xffff, v63;
	v56 =	vld [tilespmem:s19+$0xFFFFFFB0];
	v48 =	vadd.s32 v62, v39;
	v39 =	vmul.f32 $8.000000000e+00, v0;
	v41 =	vadd.s32 v58, v41  }
0x8c: {  	_ =	sdelay $0x3  }
0x8d: {  	v0 =	vmov s23;
	v2 =	vadd.s32 v14, v37;
	v60 =	vld [tilespmem:s19+$0x30];
	v61 =	vmul.f32 $8.000000000e+00, v55;
	[tilespmem:v51+s21+$0x0] =	vst.idx.msk $0xffff, v40;
	s23 =	sadd.s32 $0x400, s19  }
0x8e: {  	v36 =	vadd.s32 v18, v36;
	v35 =	vadd.s32 v22, v35;
	[tilespmem:v54+s21+$0x0] =	vst.idx.msk $0xffff, v39;
	v50 =	vmul.f32 $8.000000000e+00, v50;
	v57 =	vld [tilespmem:s23+$0xFFFFFE00]  }
0x8f: {  	v33 =	vadd.s32 v26, v33;
	v0 =	vshrl.u32 v0, $0x3;
	v54 =	vld [tilespmem:s19+$0xB0];
	v63 =	vmul.f32 $8.000000000e+00, v52;
	[tilespmem:v53+s21+$0x0] =	vst.idx.msk $0xffff, v61  }
0x90: {  	v37 =	vadd.s32 v5, v38;
	v51 =	vld [tilespmem:s19+$0x130];
	v0 =	vshll.u32 v0, v1;
	[tilespmem:v48+s21+$0x0] =	vst.idx.msk $0xffff, v50;
	v53 =	vmul.f32 $8.000000000e+00, v49  }
0x91: {  	v42 =	vshll.u32 v42, v1;
	v39 =	vld [tilespmem:s23+$0x180];
	v0 =	vbroadcast v0, $0x0;
	[tilespmem:v41+s21+$0x0] =	vst.idx.msk $0xffff, v63;
	v55 =	vmul.f32 $8.000000000e+00, v56  }
0x92: {  	v34 =	vadd.s32 v30, v34;
	v47 =	vbroadcast v47, $0x0;
	v41 =	vld [tilespmem:s23+$0xFFFFFE80];
	[tilespmem:v2+s21+$0x0] =	vst.idx.msk $0xffff, v53;
	v2 =	vmul.f32 $8.000000000e+00, v60  }
0x93: {  	v44 =	vbroadcast v44, $0x0;
	v56 =	vld [tilespmem:s23+$0xFFFFFF00];
	v50 =	vadd.s32 v32, v0;
	[tilespmem:v36+s21+$0x0] =	vst.idx.msk $0xffff, v55;
	v57 =	vmul.f32 $8.000000000e+00, v57  }
0x94: {  	v45 =	vbroadcast v45, $0x0;
	v61 =	vld [tilespmem:s23+$0xFFFFFF80];
	v60 =	vadd.s32 v8, v47;
	v59 =	vmul.f32 $8.000000000e+00, v54;
	[tilespmem:v35+s21+$0x0] =	vst.idx.msk $0xffff, v2  }
0x95: {  	v46 =	vbroadcast v46, $0x0;
	v63 =	vadd.s32 v12, v44;
	v2 =	vmul.f32 $8.000000000e+00, v51;
	v54 =	vld [tilespmem:s23+$0x0];
	[tilespmem:v37+s21+$0x0] =	vst.idx.msk $0xffff, v57  }
0x96: {  	v43 =	vbroadcast v43, $0x0;
	v39 =	vmul.f32 $8.000000000e+00, v39;
	v36 =	vadd.s32 v17, v45;
	[tilespmem:v33+s21+$0x0] =	vst.idx.msk $0xffff, v59;
	v59 =	vld [tilespmem:s23+$0x80]  }
0x97: {  	v42 =	vbroadcast v42, $0x0;
	[tilespmem:v34+s21+$0x0] =	vst.idx.msk $0xffff, v2;
	v2 =	vmul.f32 $8.000000000e+00, v41;
	v34 =	vadd.s32 v20, v46;
	v41 =	vld [tilespmem:s23+$0x100]  }
0x98: {  	v37 =	vadd.s32 v24, v43;
	v55 =	vmul.f32 $8.000000000e+00, v56;
	v48 =	vld [tilespmem:s23+$0xFFFFFE10];
	[tilespmem:v50+s21+$0x0] =	vst.idx.msk $0xffff, v39  }
0x99: {  	v40 =	vadd.s32 v28, v42;
	v39 =	vld [tilespmem:s23+$0x190];
	[tilespmem:v60+s21+$0x0] =	vst.idx.msk $0xffff, v2;
	v2 =	vmul.f32 $8.000000000e+00, v61  }
0x9a: {  	[tilespmem:v63+s21+$0x0] =	vst.idx.msk $0xffff, v55;
	v63 =	vadd.s32 v6, v38;
	v56 =	vld [tilespmem:s23+$0xFFFFFE90];
	v60 =	vmul.f32 $8.000000000e+00, v54  }
0x9b: {  	v61 =	vadd.s32 v15, v0;
	v57 =	vld [tilespmem:s23+$0xFFFFFF10];
	[tilespmem:v36+s21+$0x0] =	vst.idx.msk $0xffff, v2;
	v2 =	vmul.f32 $8.000000000e+00, v59  }
0x9c: {  	v36 =	vadd.s32 v9, v47;
	v59 =	vld [tilespmem:s23+$0xFFFFFF90];
	[tilespmem:v34+s21+$0x0] =	vst.idx.msk $0xffff, v60;
	v53 =	vmul.f32 $8.000000000e+00, v41  }
0x9d: {  	v34 =	vadd.s32 v13, v44;
	v55 =	vmul.f32 $8.000000000e+00, v48;
	v54 =	vld [tilespmem:s23+$0x10];
	[tilespmem:v37+s21+$0x0] =	vst.idx.msk $0xffff, v2  }
0x9e: {  	v2 =	vmul.f32 $8.000000000e+00, v39;
	v39 =	vadd.s32 v10, v45;
	[tilespmem:v40+s21+$0x0] =	vst.idx.msk $0xffff, v53;
	v48 =	vld [tilespmem:s23+$0x90]  }
0x9f: {  	v40 =	vadd.s32 v21, v46;
	[tilespmem:v63+s21+$0x0] =	vst.idx.msk $0xffff, v55;
	v56 =	vmul.f32 $8.000000000e+00, v56;
	v50 =	vld [tilespmem:s23+$0x110]  }
0xa0: {  	v35 =	vadd.s32 v25, v43;
	v51 =	vld [tilespmem:s23+$0xFFFFFE20];
	[tilespmem:v61+s21+$0x0] =	vst.idx.msk $0xffff, v2;
	v2 =	vmul.f32 $8.000000000e+00, v57  }
0xa1: {  	v57 =	vld [tilespmem:s23+$0x1A0];
	[tilespmem:v36+s21+$0x0] =	vst.idx.msk $0xffff, v56;
	v59 =	vmul.f32 $8.000000000e+00, v59;
	v36 =	vadd.s32 v29, v42  }
0xa2: {  	v41 =	vadd.s32 v7, v38;
	v49 =	vld [tilespmem:s23+$0xFFFFFEA0];
	[tilespmem:v34+s21+$0x0] =	vst.idx.msk $0xffff, v2;
	v2 =	vmul.f32 $8.000000000e+00, v54  }
0xa3: {  	v34 =	vadd.s32 v3, v0;
	v52 =	vld [tilespmem:s23+$0xFFFFFF20];
	[tilespmem:v39+s21+$0x0] =	vst.idx.msk $0xffff, v59;
	v55 =	vmul.f32 $8.000000000e+00, v48  }
0xa4: {  	v39 =	vadd.s32 v11, v47;
	v56 =	vld [tilespmem:s23+$0xFFFFFFA0];
	[tilespmem:v40+s21+$0x0] =	vst.idx.msk $0xffff, v2;
	v2 =	vmul.f32 $8.000000000e+00, v50  }
0xa5: {  	v40 =	vadd.s32 v16, v44;
	v59 =	vmul.f32 $8.000000000e+00, v51;
	v50 =	vld [tilespmem:s23+$0x20];
	[tilespmem:v35+s21+$0x0] =	vst.idx.msk $0xffff, v55  }
0xa6: {  	v37 =	vadd.s32 v19, v45;
	v57 =	vmul.f32 $8.000000000e+00, v57;
	[tilespmem:v36+s21+$0x0] =	vst.idx.msk $0xffff, v2;
	v63 =	vld [tilespmem:s23+$0xA0]  }
0xa7: {  	v36 =	vadd.s32 v23, v46;
	[tilespmem:v41+s21+$0x0] =	vst.idx.msk $0xffff, v59;
	v2 =	vmul.f32 $8.000000000e+00, v49;
	v49 =	vld [tilespmem:s23+$0x120]  }
0xa8: {  	v54 =	vadd.s32 v27, v43;
	v41 =	vld [tilespmem:s23+$0xFFFFFE30];
	[tilespmem:v34+s21+$0x0] =	vst.idx.msk $0xffff, v57;
	v53 =	vmul.f32 $8.000000000e+00, v52  }
0xa9: {  	v55 =	vld [tilespmem:s23+$0x1B0];
	[tilespmem:v39+s21+$0x0] =	vst.idx.msk $0xffff, v2;
	v2 =	vmul.f32 $8.000000000e+00, v56;
	v39 =	vadd.s32 v31, v42  }
0xaa: {  	v59 =	vadd.s32 v62, v38;
	v56 =	vld [tilespmem:s23+$0xFFFFFEB0];
	[tilespmem:v40+s21+$0x0] =	vst.idx.msk $0xffff, v53;
	v57 =	vmul.f32 $8.000000000e+00, v50  }
0xab: {  	v0 =	vadd.s32 v4, v0;
	v40 =	vld [tilespmem:s23+$0xFFFFFF30];
	[tilespmem:v37+s21+$0x0] =	vst.idx.msk $0xffff, v2;
	v2 =	vmul.f32 $8.000000000e+00, v63  }
0xac: {  	v62 =	vadd.s32 v58, v47;
	v63 =	vld [tilespmem:s23+$0xFFFFFFB0];
	[tilespmem:v36+s21+$0x0] =	vst.idx.msk $0xffff, v57;
	v50 =	vmul.f32 $8.000000000e+00, v49  }
0xad: {  	v51 =	vadd.s32 v14, v44;
	v53 =	vmul.f32 $8.000000000e+00, v41;
	v52 =	vld [tilespmem:s23+$0x30];
	[tilespmem:v54+s21+$0x0] =	vst.idx.msk $0xffff, v2  }
0xae: {  	v2 =	vmul.f32 $8.000000000e+00, v55;
	v54 =	vadd.s32 v18, v45;
	[tilespmem:v39+s21+$0x0] =	vst.idx.msk $0xffff, v50;
	v55 =	vld [tilespmem:s23+$0xB0]  }
0xaf: {  	v57 =	vadd.s32 v22, v46;
	[tilespmem:v59+s21+$0x0] =	vst.idx.msk $0xffff, v53;
	v56 =	vmul.f32 $8.000000000e+00, v56;
	v58 =	vld [tilespmem:s23+$0x130]  }
0xb0: {  	[tilespmem:v0+s21+$0x0] =	vst.idx.msk $0xffff, v2;
	v0 =	vmul.f32 $8.000000000e+00, v40;
	v2 =	vadd.s32 v26, v43  }
0xb1: {  	[tilespmem:v62+s21+$0x0] =	vst.idx.msk $0xffff, v56;
	v59 =	vmul.f32 $8.000000000e+00, v63;
	v62 =	vadd.s32 v30, v42  }
0xb2: {  	s22 =	sshll.u32 s15, $0x3;
	[tilespmem:v51+s21+$0x0] =	vst.idx.msk $0xffff, v0;
	v0 =	vmul.f32 $8.000000000e+00, v52  }
0xb3: {  	s19 =	sand.u32 $0x3FFF00, s22;
	[tilespmem:v54+s21+$0x0] =	vst.idx.msk $0xffff, v59;
	v63 =	vmul.f32 $8.000000000e+00, v55  }
0xb4: {  	s18 =	sor.u32 s18, s19;
	[tilespmem:v57+s21+$0x0] =	vst.idx.msk $0xffff, v0;
	v0 =	vmul.f32 $8.000000000e+00, v58  }
0xb5: {  	s18 =	sshll.u32 s18, $0x7;
	[tilespmem:v2+s21+$0x0] =	vst.idx.msk $0xffff, v63  }
0xb6: {  	s19 =	sadd.s32 s3, s18;
	[tilespmem:v62+s21+$0x0] =	vst.idx.msk $0xffff, v0  }
0xb7: {  	[hbm4b:s19+s4] =	stream.linear.scatter [tilespmem:s21], [sflag:$0x3], $0x80, $0x38;
	[tilespmem:$0xC500] =	vst v63  }
0xb8: {  	s22 =	sadd.s32 $0x10, s19;
	s23 =	simm.s32 $0x8188  }
0xb9: {  	[hbm4b:s22+s4] =	stream.linear.scatter [tilespmem:s23], [sflag:$0x3], $0x80, $0x38;
	[tilespmem:$0xC500] =	vst v63  }
0xba: {  	s22 =	sadd.s32 $0x20, s19;
	s23 =	simm.s32 $0x8210  }
0xbb: {  	[hbm4b:s22+s4] =	stream.linear.scatter [tilespmem:s23], [sflag:$0x3], $0x80, $0x38;
	[tilespmem:$0xC500] =	vst v63  }
0xbc: {  	s22 =	sadd.s32 $0x30, s19;
	s23 =	simm.s32 $0x8298  }
0xbd: {  	[hbm4b:s22+s4] =	stream.linear.scatter [tilespmem:s23], [sflag:$0x3], $0x80, $0x38;
	[tilespmem:$0xC500] =	vst v63  }
0xbe: {  	s22 =	sadd.s32 $0x40, s19;
	s23 =	simm.s32 $0x8320  }
0xbf: {  	[hbm4b:s22+s4] =	stream.linear.scatter [tilespmem:s23], [sflag:$0x3], $0x80, $0x38;
	[tilespmem:$0xC500] =	vst v63  }
0xc0: {  	s22 =	sadd.s32 $0x50, s19;
	s23 =	simm.s32 $0x83A8  }
0xc1: {  	[hbm4b:s22+s4] =	stream.linear.scatter [tilespmem:s23], [sflag:$0x3], $0x80, $0x38;
	[tilespmem:$0xC500] =	vst v63  }
0xc2: {  	s22 =	sadd.s32 $0x60, s19;
	s23 =	simm.s32 $0x8430  }
0xc3: {  	[hbm4b:s22+s4] =	stream.linear.scatter [tilespmem:s23], [sflag:$0x3], $0x80, $0x38;
	[tilespmem:$0xC500] =	vst v63  }
0xc4: {  	s19 =	sadd.s32 $0x70, s19;
	s23 =	simm.s32 $0x84B8  }
0xc5: {  	[hbm4b:s19+s4] =	stream.linear.scatter [tilespmem:s23], [sflag:$0x3], $0x80, $0x38;
	[tilespmem:$0xC500] =	vst v63  }
0xc6: {  	s19 =	sadd.s32 s18, s8;
	s23 =	simm.s32 $0x8540  }
0xc7: {  	[hbm4b:s19+s4] =	stream.linear.scatter [tilespmem:s23], [sflag:$0x3], $0x80, $0x38;
	[tilespmem:$0xC500] =	vst v63  }
0xc8: {  	s22 =	sadd.s32 $0x10, s19;
	s23 =	simm.s32 $0x85C8  }
0xc9: {  	[hbm4b:s22+s4] =	stream.linear.scatter [tilespmem:s23], [sflag:$0x3], $0x80, $0x38;
	[tilespmem:$0xC500] =	vst v63  }
0xca: {  	s22 =	sadd.s32 $0x20, s19;
	s23 =	simm.s32 $0x8650  }
0xcb: {  	[hbm4b:s22+s4] =	stream.linear.scatter [tilespmem:s23], [sflag:$0x3], $0x80, $0x38;
	[tilespmem:$0xC500] =	vst v63  }
0xcc: {  	s22 =	sadd.s32 $0x30, s19;
	s23 =	simm.s32 $0x86D8  }
0xcd: {  	[hbm4b:s22+s4] =	stream.linear.scatter [tilespmem:s23], [sflag:$0x3], $0x80, $0x38;
	[tilespmem:$0xC500] =	vst v63  }
0xce: {  	s22 =	sadd.s32 $0x40, s19;
	s23 =	simm.s32 $0x8760  }
0xcf: {  	[hbm4b:s22+s4] =	stream.linear.scatter [tilespmem:s23], [sflag:$0x3], $0x80, $0x38;
	[tilespmem:$0xC500] =	vst v63  }
0xd0: {  	s22 =	sadd.s32 $0x50, s19;
	s23 =	simm.s32 $0x87E8  }
0xd1: {  	[hbm4b:s22+s4] =	stream.linear.scatter [tilespmem:s23], [sflag:$0x3], $0x80, $0x38;
	[tilespmem:$0xC500] =	vst v63  }
0xd2: {  	s22 =	sadd.s32 $0x60, s19;
	s23 =	simm.s32 $0x8870  }
0xd3: {  	[hbm4b:s22+s4] =	stream.linear.scatter [tilespmem:s23], [sflag:$0x3], $0x80, $0x38;
	[tilespmem:$0xC500] =	vst v63  }
0xd4: {  	s19 =	sadd.s32 $0x70, s19;
	s23 =	simm.s32 $0x88F8  }
0xd5: {  	[hbm4b:s19+s4] =	stream.linear.scatter [tilespmem:s23], [sflag:$0x3], $0x80, $0x38;
	[tilespmem:$0xC500] =	vst v63  }
0xd6: {  	s19 =	sadd.s32 s18, s9;
	s23 =	simm.s32 $0x8980  }
0xd7: {  	[hbm4b:s19+s4] =	stream.linear.scatter [tilespmem:s23], [sflag:$0x3], $0x80, $0x38;
	[tilespmem:$0xC500] =	vst v63  }
0xd8: {  	s22 =	sadd.s32 $0x10, s19;
	s23 =	simm.s32 $0x8A08  }
0xd9: {  	[hbm4b:s22+s4] =	stream.linear.scatter [tilespmem:s23], [sflag:$0x3], $0x80, $0x38;
	[tilespmem:$0xC500] =	vst v63  }
0xda: {  	s22 =	sadd.s32 $0x20, s19;
	s23 =	simm.s32 $0x8A90  }
0xdb: {  	[hbm4b:s22+s4] =	stream.linear.scatter [tilespmem:s23], [sflag:$0x3], $0x80, $0x38;
	[tilespmem:$0xC500] =	vst v63  }
0xdc: {  	s22 =	sadd.s32 $0x30, s19;
	s23 =	simm.s32 $0x8B18  }
0xdd: {  	[hbm4b:s22+s4] =	stream.linear.scatter [tilespmem:s23], [sflag:$0x3], $0x80, $0x38;
	[tilespmem:$0xC500] =	vst v63  }
0xde: {  	s22 =	sadd.s32 $0x40, s19;
	s23 =	simm.s32 $0x8BA0  }
0xdf: {  	[hbm4b:s22+s4] =	stream.linear.scatter [tilespmem:s23], [sflag:$0x3], $0x80, $0x38;
	[tilespmem:$0xC500] =	vst v63  }
0xe0: {  	s22 =	sadd.s32 $0x50, s19;
	s23 =	simm.s32 $0x8C28  }
0xe1: {  	[hbm4b:s22+s4] =	stream.linear.scatter [tilespmem:s23], [sflag:$0x3], $0x80, $0x38;
	[tilespmem:$0xC500] =	vst v63  }
0xe2: {  	s22 =	sadd.s32 $0x60, s19;
	s23 =	simm.s32 $0x8CB0  }
0xe3: {  	[hbm4b:s22+s4] =	stream.linear.scatter [tilespmem:s23], [sflag:$0x3], $0x80, $0x38;
	[tilespmem:$0xC500] =	vst v63  }
0xe4: {  	s19 =	sadd.s32 $0x70, s19;
	s23 =	simm.s32 $0x8D38  }
0xe5: {  	[hbm4b:s19+s4] =	stream.linear.scatter [tilespmem:s23], [sflag:$0x3], $0x80, $0x38;
	[tilespmem:$0xC500] =	vst v63  }
0xe6: {  	s19 =	sadd.s32 s18, s10;
	s23 =	simm.s32 $0x8DC0  }
0xe7: {  	[hbm4b:s19+s4] =	stream.linear.scatter [tilespmem:s23], [sflag:$0x3], $0x80, $0x38;
	[tilespmem:$0xC500] =	vst v63  }
0xe8: {  	s22 =	sadd.s32 $0x10, s19;
	s23 =	simm.s32 $0x8E48  }
0xe9: {  	[hbm4b:s22+s4] =	stream.linear.scatter [tilespmem:s23], [sflag:$0x3], $0x80, $0x38;
	[tilespmem:$0xC500] =	vst v63  }
0xea: {  	s22 =	sadd.s32 $0x20, s19;
	s23 =	simm.s32 $0x8ED0  }
0xeb: {  	[hbm4b:s22+s4] =	stream.linear.scatter [tilespmem:s23], [sflag:$0x3], $0x80, $0x38;
	[tilespmem:$0xC500] =	vst v63  }
0xec: {  	s22 =	sadd.s32 $0x30, s19;
	s23 =	simm.s32 $0x8F58  }
0xed: {  	[hbm4b:s22+s4] =	stream.linear.scatter [tilespmem:s23], [sflag:$0x3], $0x80, $0x38;
	[tilespmem:$0xC500] =	vst v63  }
0xee: {  	s22 =	sadd.s32 $0x40, s19;
	s23 =	simm.s32 $0x8FE0  }
0xef: {  	[hbm4b:s22+s4] =	stream.linear.scatter [tilespmem:s23], [sflag:$0x3], $0x80, $0x38;
	[tilespmem:$0xC500] =	vst v63  }
0xf0: {  	s22 =	sadd.s32 $0x50, s19;
	s23 =	simm.s32 $0x9068  }
0xf1: {  	[hbm4b:s22+s4] =	stream.linear.scatter [tilespmem:s23], [sflag:$0x3], $0x80, $0x38;
	[tilespmem:$0xC500] =	vst v63  }
0xf2: {  	s22 =	sadd.s32 $0x60, s19;
	s23 =	simm.s32 $0x90F0  }
0xf3: {  	[hbm4b:s22+s4] =	stream.linear.scatter [tilespmem:s23], [sflag:$0x3], $0x80, $0x38;
	[tilespmem:$0xC500] =	vst v63  }
0xf4: {  	s19 =	sadd.s32 $0x70, s19;
	s23 =	simm.s32 $0x9178  }
0xf5: {  	[hbm4b:s19+s4] =	stream.linear.scatter [tilespmem:s23], [sflag:$0x3], $0x80, $0x38;
	[tilespmem:$0xC500] =	vst v63  }
0xf6: {  	s19 =	sadd.s32 s18, s11;
	s23 =	simm.s32 $0x9200  }
0xf7: {  	[hbm4b:s19+s4] =	stream.linear.scatter [tilespmem:s23], [sflag:$0x3], $0x80, $0x38;
	[tilespmem:$0xC500] =	vst v63  }
0xf8: {  	s22 =	sadd.s32 $0x10, s19;
	s23 =	simm.s32 $0x9288  }
0xf9: {  	[hbm4b:s22+s4] =	stream.linear.scatter [tilespmem:s23], [sflag:$0x3], $0x80, $0x38;
	[tilespmem:$0xC500] =	vst v63  }
0xfa: {  	s22 =	sadd.s32 $0x20, s19;
	s23 =	simm.s32 $0x9310  }
0xfb: {  	[hbm4b:s22+s4] =	stream.linear.scatter [tilespmem:s23], [sflag:$0x3], $0x80, $0x38;
	[tilespmem:$0xC500] =	vst v63  }
0xfc: {  	s22 =	sadd.s32 $0x30, s19;
	s23 =	simm.s32 $0x9398  }
0xfd: {  	[hbm4b:s22+s4] =	stream.linear.scatter [tilespmem:s23], [sflag:$0x3], $0x80, $0x38;
	[tilespmem:$0xC500] =	vst v63  }
0xfe: {  	s22 =	sadd.s32 $0x40, s19;
	s23 =	simm.s32 $0x9420  }
0xff: {  	[hbm4b:s22+s4] =	stream.linear.scatter [tilespmem:s23], [sflag:$0x3], $0x80, $0x38;
	[tilespmem:$0xC500] =	vst v63  }
0x100: {  	s22 =	sadd.s32 $0x50, s19;
	s23 =	simm.s32 $0x94A8  }
0x101: {  	[hbm4b:s22+s4] =	stream.linear.scatter [tilespmem:s23], [sflag:$0x3], $0x80, $0x38;
	[tilespmem:$0xC500] =	vst v63  }
0x102: {  	s22 =	sadd.s32 $0x60, s19;
	s23 =	simm.s32 $0x9530  }
0x103: {  	[hbm4b:s22+s4] =	stream.linear.scatter [tilespmem:s23], [sflag:$0x3], $0x80, $0x38;
	[tilespmem:$0xC500] =	vst v63  }
0x104: {  	s19 =	sadd.s32 $0x70, s19;
	s23 =	simm.s32 $0x95B8  }
0x105: {  	[hbm4b:s19+s4] =	stream.linear.scatter [tilespmem:s23], [sflag:$0x3], $0x80, $0x38;
	[tilespmem:$0xC500] =	vst v63  }
0x106: {  	s19 =	sadd.s32 s18, s12;
	s23 =	simm.s32 $0x9640  }
0x107: {  	[hbm4b:s19+s4] =	stream.linear.scatter [tilespmem:s23], [sflag:$0x3], $0x80, $0x38;
	[tilespmem:$0xC500] =	vst v63  }
0x108: {  	s22 =	sadd.s32 $0x10, s19;
	s23 =	simm.s32 $0x96C8  }
0x109: {  	[hbm4b:s22+s4] =	stream.linear.scatter [tilespmem:s23], [sflag:$0x3], $0x80, $0x38;
	[tilespmem:$0xC500] =	vst v63  }
0x10a: {  	s22 =	sadd.s32 $0x20, s19;
	s23 =	simm.s32 $0x9750  }
0x10b: {  	[hbm4b:s22+s4] =	stream.linear.scatter [tilespmem:s23], [sflag:$0x3], $0x80, $0x38;
	[tilespmem:$0xC500] =	vst v63  }
0x10c: {  	s22 =	sadd.s32 $0x30, s19;
	s23 =	simm.s32 $0x97D8  }
0x10d: {  	[hbm4b:s22+s4] =	stream.linear.scatter [tilespmem:s23], [sflag:$0x3], $0x80, $0x38;
	[tilespmem:$0xC500] =	vst v63  }
0x10e: {  	s22 =	sadd.s32 $0x40, s19;
	s23 =	simm.s32 $0x9860  }
0x10f: {  	[hbm4b:s22+s4] =	stream.linear.scatter [tilespmem:s23], [sflag:$0x3], $0x80, $0x38;
	[tilespmem:$0xC500] =	vst v63  }
0x110: {  	s22 =	sadd.s32 $0x50, s19;
	s23 =	simm.s32 $0x98E8  }
0x111: {  	[hbm4b:s22+s4] =	stream.linear.scatter [tilespmem:s23], [sflag:$0x3], $0x80, $0x38;
	[tilespmem:$0xC500] =	vst v63  }
0x112: {  	s22 =	sadd.s32 $0x60, s19;
	s23 =	simm.s32 $0x9970  }
0x113: {  	[hbm4b:s22+s4] =	stream.linear.scatter [tilespmem:s23], [sflag:$0x3], $0x80, $0x38;
	[tilespmem:$0xC500] =	vst v63  }
0x114: {  	s19 =	sadd.s32 $0x70, s19;
	s23 =	simm.s32 $0x99F8  }
0x115: {  	[hbm4b:s19+s4] =	stream.linear.scatter [tilespmem:s23], [sflag:$0x3], $0x80, $0x38;
	[tilespmem:$0xC500] =	vst v63  }
0x116: {  	s19 =	sadd.s32 s18, s13;
	s23 =	simm.s32 $0x9A80  }
0x117: {  	[hbm4b:s19+s4] =	stream.linear.scatter [tilespmem:s23], [sflag:$0x3], $0x80, $0x38;
	[tilespmem:$0xC500] =	vst v63  }
0x118: {  	s22 =	sadd.s32 $0x10, s19;
	s23 =	simm.s32 $0x9B08  }
0x119: {  	[hbm4b:s22+s4] =	stream.linear.scatter [tilespmem:s23], [sflag:$0x3], $0x80, $0x38;
	[tilespmem:$0xC500] =	vst v63  }
0x11a: {  	s22 =	sadd.s32 $0x20, s19;
	s23 =	simm.s32 $0x9B90  }
0x11b: {  	[hbm4b:s22+s4] =	stream.linear.scatter [tilespmem:s23], [sflag:$0x3], $0x80, $0x38;
	[tilespmem:$0xC500] =	vst v63  }
0x11c: {  	s22 =	sadd.s32 $0x30, s19;
	s23 =	simm.s32 $0x9C18  }
0x11d: {  	[hbm4b:s22+s4] =	stream.linear.scatter [tilespmem:s23], [sflag:$0x3], $0x80, $0x38;
	[tilespmem:$0xC500] =	vst v63  }
0x11e: {  	s22 =	sadd.s32 $0x40, s19;
	s23 =	simm.s32 $0x9CA0  }
0x11f: {  	[hbm4b:s22+s4] =	stream.linear.scatter [tilespmem:s23], [sflag:$0x3], $0x80, $0x38;
	[tilespmem:$0xC500] =	vst v63  }
0x120: {  	s22 =	sadd.s32 $0x50, s19;
	s23 =	simm.s32 $0x9D28  }
0x121: {  	[hbm4b:s22+s4] =	stream.linear.scatter [tilespmem:s23], [sflag:$0x3], $0x80, $0x38;
	[tilespmem:$0xC500] =	vst v63  }
0x122: {  	s22 =	sadd.s32 $0x60, s19;
	s23 =	simm.s32 $0x9DB0  }
0x123: {  	[hbm4b:s22+s4] =	stream.linear.scatter [tilespmem:s23], [sflag:$0x3], $0x80, $0x38;
	[tilespmem:$0xC500] =	vst v63  }
0x124: {  	s19 =	sadd.s32 $0x70, s19;
	s23 =	simm.s32 $0x9E38  }
0x125: {  	[hbm4b:s19+s4] =	stream.linear.scatter [tilespmem:s23], [sflag:$0x3], $0x80, $0x38;
	[tilespmem:$0xC500] =	vst v63  }
0x126: {  	s18 =	sadd.s32 s18, s14;
	s23 =	simm.s32 $0x9EC0  }
0x127: {  	[hbm4b:s18+s4] =	stream.linear.scatter [tilespmem:s23], [sflag:$0x3], $0x80, $0x38;
	[tilespmem:$0xC500] =	vst v63  }
0x128: {  	s22 =	sadd.s32 $0x10, s18;
	s23 =	simm.s32 $0x9F48  }
0x129: {  	[hbm4b:s22+s4] =	stream.linear.scatter [tilespmem:s23], [sflag:$0x3], $0x80, $0x38;
	[tilespmem:$0xC500] =	vst v63  }
0x12a: {  	s22 =	sadd.s32 $0x20, s18;
	s23 =	simm.s32 $0x9FD0  }
0x12b: {  	[hbm4b:s22+s4] =	stream.linear.scatter [tilespmem:s23], [sflag:$0x3], $0x80, $0x38;
	[tilespmem:$0xC500] =	vst v63  }
0x12c: {  	s22 =	sadd.s32 $0x30, s18;
	s23 =	simm.s32 $0xA058  }
0x12d: {  	[hbm4b:s22+s4] =	stream.linear.scatter [tilespmem:s23], [sflag:$0x3], $0x80, $0x38;
	[tilespmem:$0xC500] =	vst v63  }
0x12e: {  	s22 =	sadd.s32 $0x40, s18;
	s23 =	simm.s32 $0xA0E0  }
0x12f: {  	[hbm4b:s22+s4] =	stream.linear.scatter [tilespmem:s23], [sflag:$0x3], $0x80, $0x38;
	[tilespmem:$0xC500] =	vst v63  }
0x130: {  	p1 =	sne.s32 s1, $0x63;
	s22 =	sadd.s32 $0x50, s18;
	s23 =	simm.s32 $0xA168  }
0x131: {  	[hbm4b:s22+s4] =	stream.linear.scatter [tilespmem:s23], [sflag:$0x3], $0x80, $0x38;
	[tilespmem:$0xC500] =	vst v63  }
.Ltmp1:
0x132: {  	_ = 	snop;
	(pc) =	sbr.rel @p1 .LBB2_6-.Ltmp1, $4  }
0x133: {  	s22 =	sadd.s32 $0x60, s18;
	s23 =	simm.s32 $0xA1F0  }
0x134: {  	[hbm4b:s22+s4] =	stream.linear.scatter [tilespmem:s23], [sflag:$0x3], $0x80, $0x38;
	[tilespmem:$0xC500] =	vst v63  }
0x135: {  	v60 =	vmov v25;
	v25 =	vmov v28;
	v61 =	vmov v29;
	s18 =	sadd.s32 $0x70, s18;
	s23 =	simm.s32 $0xA278  }
0x136: {  	v29 =	vmovc v32;
	v14 =	vmovc v8;
	v22 =	vmov v17;
	v18 =	vmov v12;
	v26 =	vmov v20;
	[hbm4b:s18+s4] =	stream.linear.scatter [tilespmem:s23], [sflag:$0x3], $0x80, $0x38;
	[tilespmem:$0xC500] =	vst v63  }
.Ltmp2:
0x137: {  	(pc) =	sbr.rel .LBB2_7-.Ltmp2, $4  }
0x138: {  	_ = 	snop  }
0x139: {  	_ =	swait.ge [sflag:s25], $0x4000  }
0x13a: {  	[sflag:s25] =	ssyncset.done $0x0  }
0x13b: {  	[sflag:s25] =	ssyncadd.s32 $0xFFFFC000  }
.LBB2_6:
0x13c: {  	s15 =	sadd.s32 $0x2, s15  }
0x13d: {  	s18 =	sshll.u32 s15, $0x7;
	s19 =	sshll.u32 s15, $0xA  }
0x13e: {  	s15 =	sshll.u32 s15, $0x2;
	s18 =	sand.u32 $0x7FFF8000, s18;
	s19 =	sand.u32 $0x7800, s19  }
0x13f: {  	s15 =	sand.u32 $0x380, s15;
	s18 =	sor.u32 s19, s18  }
0x140: {  	s15 =	sor.u32 s15, s18  }
0x141: {  	s15 =	sshrl.u32 s15, $0x3  }
0x142: {  	s15 =	sadd.s32 s2, s15  }
0x143: {  	[tilespmem:s4], [sflag:$0x5] =	stream.linear.gather [hbm4b:s15+s4], $0x80, $0x38;
	[tilespmem:$0xC500] =	vst v63  }
0x144: {  	_ =	swait.ge [sflag:s16], $0x80  }
0x145: {  	[sflag:s16] =	ssyncset.done $0x0  }
.Ltmp3:
0x146: {  	s23 =	simm.s32 $0x100;
	[sflag:s16] =	ssyncadd.s32 $0xFFFFFF80;
	(pc) =	sbr.rel @p0 .LBB2_8-.Ltmp3, $4  }
0x147: {  	[tilespmem:s23], [sflag:$0x1] =	stream.indirect.gather [hbm4b:s5+s17], $0x80, s4, s17, $0xb8;
	[tilespmem:$0xC500] =	vst v63  }
0x148: {  	_ =	swait.ge [sflag:s25], $0x4000  }
0x149: {  	[sflag:s25] =	ssyncset.done $0x0  }
0x14a: {  	[sflag:s25] =	ssyncadd.s32 $0xFFFFC000  }
.LBB2_7:
0x14b: {  	_ =	swait.ge [sflag:s26], $0x400  }
0x14c: {  	[sflag:s26] =	ssyncset.done $0x0  }
0x14d: {  	[sflag:s26] =	ssyncadd.s32 $0xFFFFFC00  }
0x14e: {  	_ =	swait.ge [sflag:s26], $0x400  }
0x14f: {  	[sflag:s26] =	ssyncset.done $0x0  }
0x150: {  	[sflag:s26] =	ssyncadd.s32 $0xFFFFFC00  }
0x151: {  	_ =	swait.ge [sflag:s26], $0x400  }
0x152: {  	[sflag:s26] =	ssyncset.done $0x0  }
0x153: {  	[sflag:s26] =	ssyncadd.s32 $0xFFFFFC00  }
0x154: {  	_ =	swait.ge [sflag:s26], $0x400  }
0x155: {  	[sflag:s26] =	ssyncset.done $0x0  }
0x156: {  	[sflag:s26] =	ssyncadd.s32 $0xFFFFFC00  }
0x157: {  	_ =	swait.ge [sflag:s26], $0x400  }
0x158: {  	[sflag:s26] =	ssyncset.done $0x0  }
0x159: {  	[sflag:s26] =	ssyncadd.s32 $0xFFFFFC00  }
0x15a: {  	_ =	swait.ge [sflag:s26], $0x400  }
0x15b: {  	[sflag:s26] =	ssyncset.done $0x0  }
0x15c: {  	[sflag:s26] =	ssyncadd.s32 $0xFFFFFC00  }
0x15d: {  	_ =	swait.ge [sflag:s26], $0x400  }
0x15e: {  	[sflag:s26] =	ssyncset.done $0x0  }
0x15f: {  	[sflag:s26] =	ssyncadd.s32 $0xFFFFFC00  }
0x160: {  	_ =	swait.ge [sflag:s26], $0x400  }
0x161: {  	[sflag:s26] =	ssyncset.done $0x0  }
0x162: {  	[sflag:s26] =	ssyncadd.s32 $0xFFFFFC00  }
.LBB2_8:
0x163: {  	s15 =	simm.s32 $0x0;
	s23 =	simm.s32 $0x1  }
0x164: {  	s18 =	simm.s32 $0x2;
	s19 =	simm.s32 $0x3;
	s22 =	simm.s32 $0x5;
	v0 =	vmov s15;
	v2 =	vmov s23  }
0x165: {  	v33 =	vmov s18;
	v34 =	vmov s19;
	s19 =	simm.s32 $0x4;
	s23 =	simm.s32 $0x6;
	v36 =	vmov s22  }
0x166: {  	s22 =	simm.s32 $0x7;
	v0 =	vshrl.u32 v0, $0x3;
	v35 =	vmov s19;
	v37 =	vmov s23  }
0x167: {  	v2 =	vshrl.u32 v2, $0x3;
	v38 =	vmov s22;
	v33 =	vshrl.u32 v33, $0x3  }
0x168: {  	v34 =	vshrl.u32 v34, $0x3;
	v36 =	vshrl.u32 v36, $0x3;
	v0 =	vshll.u32 v0, v1  }
0x169: {  	s15 =	simm.s32 $0x4300;
	v38 =	vshrl.u32 v38, $0x3;
	v35 =	vshrl.u32 v35, $0x3;
	v42 =	vshrl.u32 v37, $0x3  }
0x16a: {  	v59 =	vld [tilespmem:s15+$0xFFFFFE00];
	v2 =	vshll.u32 v2, v1;
	v38 =	vshll.u32 v38, v1;
	v39 =	vbroadcast v0, $0x0  }
0x16b: {  	v33 =	vshll.u32 v33, v1;
	v34 =	vshll.u32 v34, v1;
	v0 =	vld [tilespmem:s15+$0x180];
	v41 =	vbroadcast v38, $0x0  }
0x16c: {  	v43 =	vld [tilespmem:s15+$0xFFFFFE80];
	v44 =	vshll.u32 v36, v1;
	v30 =	vbroadcast v2, $0x0;
	v45 =	vadd.s32 v5, v39  }
0x16d: {  	v46 =	vld [tilespmem:s15+$0xFFFFFF00];
	v35 =	vshll.u32 v35, v1;
	v37 =	vbroadcast v33, $0x0;
	v2 =	vadd.s32 v29, v41  }
0x16e: {  	v48 =	vld [tilespmem:s15+$0xFFFFFF80];
	v42 =	vshll.u32 v42, v1;
	v36 =	vbroadcast v34, $0x0;
	v47 =	vadd.s32 v14, v30  }
0x16f: {  	v50 =	vld [tilespmem:s15+$0x0];
	v35 =	vbroadcast v35, $0x0;
	v49 =	vadd.s32 v18, v37;
	v38 =	vmul.f32 $8.000000000e+00, v59  }
0x170: {  	v52 =	vld [tilespmem:s15+$0x80];
	v33 =	vbroadcast v44, $0x0;
	v51 =	vadd.s32 v22, v36;
	v0 =	vmul.f32 $8.000000000e+00, v0  }
0x171: {  	v53 =	vld [tilespmem:s15+$0x100];
	v34 =	vbroadcast v42, $0x0;
	v43 =	vmul.f32 $8.000000000e+00, v43;
	v44 =	vadd.s32 v26, v35;
	[tilespmem:v45+s28+$0x0] =	vst.idx.msk $0xffff, v38  }
0x172: {  	v38 =	vadd.s32 v24, v33;
	[tilespmem:v2+s28+$0x0] =	vst.idx.msk $0xffff, v0;
	v2 =	vmul.f32 $8.000000000e+00, v46;
	v45 =	vld [tilespmem:s15+$0xFFFFFE10]  }
0x173: {  	v63 =	vmul.f32 $8.000000000e+00, v48;
	[tilespmem:v47+s28+$0x0] =	vst.idx.msk $0xffff, v43;
	v46 =	vadd.s32 v25, v34;
	v62 =	vld [tilespmem:s15+$0x190]  }
0x174: {  	v54 =	vadd.s32 v6, v39;
	v48 =	vld [tilespmem:s15+$0xFFFFFE90];
	[tilespmem:v49+s28+$0x0] =	vst.idx.msk $0xffff, v2;
	v2 =	vmul.f32 $8.000000000e+00, v50  }
0x175: {  	s19 =	simm.s32 $0x9;
	v32 =	vmul.f32 $8.000000000e+00, v52;
	v52 =	vadd.s32 v9, v30;
	[tilespmem:v51+s28+$0x0] =	vst.idx.msk $0xffff, v63;
	v49 =	vadd.s32 v15, v41;
	v55 =	vld [tilespmem:s15+$0xFFFFFF10]  }
0x176: {  	s23 =	simm.s32 $0x8;
	v47 =	vmov s19;
	v43 =	vadd.s32 v60, v33;
	v56 =	vld [tilespmem:s15+$0xFFFFFF90];
	[tilespmem:v44+s28+$0x0] =	vst.idx.msk $0xffff, v2;
	v2 =	vmul.f32 $8.000000000e+00, v53  }
0x177: {  	v0 =	vmov s23;
	v53 =	vadd.s32 v13, v37;
	[tilespmem:v38+s28+$0x0] =	vst.idx.msk $0xffff, v32;
	v57 =	vld [tilespmem:s15+$0x10];
	v63 =	vmul.f32 $8.000000000e+00, v45  }
0x178: {  	s23 =	simm.s32 $0xB;
	v0 =	vshrl.u32 v0, $0x3;
	v45 =	vadd.s32 v10, v36;
	v58 =	vld [tilespmem:s15+$0x90];
	v62 =	vmul.f32 $8.000000000e+00, v62;
	[tilespmem:v46+s28+$0x0] =	vst.idx.msk $0xffff, v2  }
0x179: {  	s22 =	simm.s32 $0xA;
	v51 =	vmov s23;
	v32 =	vmul.f32 $8.000000000e+00, v48;
	v48 =	vadd.s32 v21, v35;
	v59 =	vld [tilespmem:s15+$0x110];
	[tilespmem:v54+s28+$0x0] =	vst.idx.msk $0xffff, v63  }
0x17a: {  	v50 =	vmov s22;
	s22 =	simm.s32 $0xD;
	v0 =	vshll.u32 v0, v1;
	[tilespmem:v49+s28+$0x0] =	vst.idx.msk $0xffff, v62;
	v62 =	vmul.f32 $8.000000000e+00, v55;
	v54 =	vld [tilespmem:s15+$0xFFFFFE20]  }
0x17b: {  	v42 =	vmov s22;
	[tilespmem:v52+s28+$0x0] =	vst.idx.msk $0xffff, v32;
	v63 =	vmul.f32 $8.000000000e+00, v56;
	v52 =	vadd.s32 v61, v34;
	v49 =	vld [tilespmem:s15+$0x1A0]  }
0x17c: {  	s23 =	simm.s32 $0xE;
	v55 =	vld [tilespmem:s15+$0xFFFFFEA0];
	[tilespmem:v53+s28+$0x0] =	vst.idx.msk $0xffff, v62;
	v32 =	vmul.f32 $8.000000000e+00, v57;
	v57 =	vshrl.u32 v51, $0x3;
	v51 =	vadd.s32 v7, v39  }
0x17d: {  	v20 =	vmovc v24;
	v2 =	vmov s23;
	v53 =	vadd.s32 v3, v41;
	[tilespmem:v45+s28+$0x0] =	vst.idx.msk $0xffff, v63;
	v40 =	vmul.f32 $8.000000000e+00, v58;
	v56 =	vld [tilespmem:s15+$0xFFFFFF20]  }
0x17e: {  	v24 =	vmovc v60;
	v58 =	vadd.s32 v11, v30;
	v60 =	vld [tilespmem:s15+$0xFFFFFFA0];
	[tilespmem:v48+s28+$0x0] =	vst.idx.msk $0xffff, v32;
	v38 =	vmul.f32 $8.000000000e+00, v59;
	v59 =	vshrl.u32 v42, $0x3  }
0x17f: {  	v28 =	vmovc v61;
	s19 =	simm.s32 $0xC;
	v48 =	vadd.s32 v16, v37;
	[tilespmem:v43+s28+$0x0] =	vst.idx.msk $0xffff, v40;
	v42 =	vshrl.u32 v2, $0x3;
	v61 =	vld [tilespmem:s15+$0x20];
	v2 =	vmul.f32 $8.000000000e+00, v54  }
0x180: {  	v50 =	vshrl.u32 v50, $0x3;
	v44 =	vmov s19;
	v62 =	vld [tilespmem:s15+$0xA0];
	v49 =	vmul.f32 $8.000000000e+00, v49;
	[tilespmem:v52+s28+$0x0] =	vst.idx.msk $0xffff, v38  }
0x181: {  	v46 =	vshrl.u32 v44, $0x3;
	v38 =	vbroadcast v0, $0x0;
	v0 =	vmul.f32 $8.000000000e+00, v55;
	v40 =	vld [tilespmem:s15+$0x120];
	[tilespmem:v51+s28+$0x0] =	vst.idx.msk $0xffff, v2  }
0x182: {  	v44 =	vshll.u32 v50, v1;
	v32 =	vadd.s32 v19, v36;
	[tilespmem:v53+s28+$0x0] =	vst.idx.msk $0xffff, v49;
	v2 =	vmul.f32 $8.000000000e+00, v56;
	v50 =	vld [tilespmem:s15+$0xFFFFFE30]  }
0x183: {  	[tilespmem:v58+s28+$0x0] =	vst.idx.msk $0xffff, v0;
	v56 =	vld [tilespmem:s15+$0x1B0]  }
0x184: {  	v63 =	vadd.s32 v23, v35;
	v52 =	vld [tilespmem:s15+$0xFFFFFEB0];
	[tilespmem:v48+s28+$0x0] =	vst.idx.msk $0xffff, v2  }
0x185: {  	v0 =	vmul.f32 $8.000000000e+00, v60;
	v3 =	vld [tilespmem:$0x1FFC0]  }
0x186: {  	v4 =	vmov v5;
	v5 =	vmov v6;
	v6 =	vmov v7;
	v7 =	vld [tilespmem:$0x1FFE0]  }
0x187: {  	v2 =	vmul.f32 $8.000000000e+00, v61;
	v49 =	vld [tilespmem:s15+$0xFFFFFF30];
	[tilespmem:v32+s28+$0x0] =	vst.idx.msk $0xffff, v0  }
0x188: {  	v0 =	vld [tilespmem:$0x1FFD0]  }
0x189: {  	v54 =	vld [tilespmem:s15+$0xFFFFFFB0];
	[tilespmem:v63+s28+$0x0] =	vst.idx.msk $0xffff, v2  }
0x18a: {  	v8 =	vmovc v9;
	v12 =	vmov v13;
	v47 =	vshrl.u32 v47, $0x3;
	v13 =	vmov v16;
	v16 =	vld [tilespmem:$0x1FF70]  }
0x18b: {  	v17 =	vmovc v10;
	v9 =	vmovc v11;
	v47 =	vshll.u32 v47, v1;
	v46 =	vshll.u32 v46, v1;
	v11 =	vmov v4;
	v4 =	vld [tilespmem:$0x1FF80]  }
0x18c: {  	v10 =	vmovc v21;
	v45 =	vshll.u32 v57, v1;
	v43 =	vshll.u32 v59, v1;
	v55 =	vadd.s32 v27, v33;
	v21 =	vld [tilespmem:$0x1FF90]  }
0x18d: {  	v51 =	vadd.s32 v31, v34;
	v40 =	vmul.f32 $8.000000000e+00, v40;
	v32 =	vld [tilespmem:$0x1FFB0];
	v53 =	vadd.s32 v3, v41  }
0x18e: {  	s18 =	simm.s32 $0x10;
	s19 =	simm.s32 $0xF;
	v48 =	vadd.s32 v7, v39;
	v39 =	vmul.f32 $8.000000000e+00, v62;
	v41 =	vadd.s32 v0, v30;
	v30 =	vld [tilespmem:$0x1FFA0]  }
.LBB2_9:
0x18f: {  	_ =	sdelay $0x1  }
0x190: {  	v0 =	vmov s19;
	v2 =	vadd.s32 v16, v37;
	v59 =	vld [tilespmem:s15+$0x30];
	[tilespmem:v55+s28+$0x0] =	vst.idx.msk $0xffff, v39;
	v62 =	vmul.f32 $8.000000000e+00, v56  }
0x191: {  	v36 =	vadd.s32 v4, v36;
	v0 =	vshrl.u32 v0, $0x3;
	[tilespmem:v51+s28+$0x0] =	vst.idx.msk $0xffff, v40;
	v63 =	vmul.f32 $8.000000000e+00, v50  }
0x192: {  	v35 =	vadd.s32 v21, v35;
	v0 =	vshll.u32 v0, v1;
	v58 =	vld [tilespmem:s15+$0x130];
	v57 =	vmul.f32 $8.000000000e+00, v52;
	[tilespmem:v53+s28+$0x0] =	vst.idx.msk $0xffff, v62  }
0x193: {  	v40 =	vbroadcast v0, $0x0;
	v56 =	vld [tilespmem:s15+$0xB0];
	s15 =	sadd.s32 $0x400, s15;
	v0 =	vmul.f32 $8.000000000e+00, v49;
	[tilespmem:v48+s28+$0x0] =	vst.idx.msk $0xffff, v63  }
0x194: {  	v34 =	vadd.s32 v32, v34;
	v60 =	vmul.f32 $8.000000000e+00, v54;
	[tilespmem:v41+s28+$0x0] =	vst.idx.msk $0xffff, v57;
	v53 =	vld [tilespmem:s15+$0x180]  }
0x195: {  	v33 =	vadd.s32 v30, v33;
	v39 =	vmov v38;
	[tilespmem:v2+s28+$0x0] =	vst.idx.msk $0xffff, v0;
	v0 =	vmul.f32 $8.000000000e+00, v59;
	v38 =	vld [tilespmem:s15+$0xFFFFFE00]  }
0x196: {  	v61 =	vadd.s32 v29, v40;
	v41 =	vbroadcast v47, $0x0;
	[tilespmem:v36+s28+$0x0] =	vst.idx.msk $0xffff, v60;
	v49 =	vld [tilespmem:s15+$0xFFFFFE80]  }
0x197: {  	v37 =	vbroadcast v44, $0x0;
	v2 =	vadd.s32 v11, v39;
	v62 =	vld [tilespmem:s15+$0xFFFFFF00];
	[tilespmem:v35+s28+$0x0] =	vst.idx.msk $0xffff, v0;
	v0 =	vmul.f32 $8.000000000e+00, v58  }
0x198: {  	v36 =	vbroadcast v45, $0x0;
	v63 =	vld [tilespmem:s15+$0xFFFFFF80];
	v60 =	vadd.s32 v14, v41;
	v59 =	vmul.f32 $8.000000000e+00, v56  }
0x199: {  	v3 =	vld [tilespmem:$0x1FFF0];
	v45 =	vadd.s32 v18, v37;
	[tilespmem:v34+s28+$0x0] =	vst.idx.msk $0xffff, v0;
	v57 =	vmul.f32 $8.000000000e+00, v53  }
0x19a: {  	v35 =	vbroadcast v46, $0x0;
	v58 =	vadd.s32 v22, v36;
	v56 =	vld [tilespmem:s15+$0x0];
	[tilespmem:v33+s28+$0x0] =	vst.idx.msk $0xffff, v59;
	v38 =	vmul.f32 $8.000000000e+00, v38  }
0x19b: {  	v42 =	vshll.u32 v42, v1;
	v33 =	vbroadcast v43, $0x0;
	v59 =	vld [tilespmem:s15+$0x80];
	v0 =	vmul.f32 $8.000000000e+00, v49;
	[tilespmem:v61+s28+$0x0] =	vst.idx.msk $0xffff, v57  }
0x19c: {  	v34 =	vbroadcast v42, $0x0;
	v43 =	vadd.s32 v26, v35;
	v49 =	vld [tilespmem:s15+$0x100];
	[tilespmem:v2+s28+$0x0] =	vst.idx.msk $0xffff, v38;
	v2 =	vmul.f32 $8.000000000e+00, v62  }
0x19d: {  	v38 =	vadd.s32 v20, v33;
	[tilespmem:v60+s28+$0x0] =	vst.idx.msk $0xffff, v0;
	v0 =	vmul.f32 $8.000000000e+00, v63;
	v62 =	vld [tilespmem:s15+$0xFFFFFE10]  }
0x19e: {  	v63 =	vadd.s32 v25, v34;
	v60 =	vld [tilespmem:s15+$0xFFFFFE90];
	[tilespmem:v45+s28+$0x0] =	vst.idx.msk $0xffff, v2  }
0x19f: {  	v54 =	vadd.s32 v5, v39;
	v46 =	vld [tilespmem:s15+$0x190];
	v2 =	vmul.f32 $8.000000000e+00, v56;
	[tilespmem:v58+s28+$0x0] =	vst.idx.msk $0xffff, v0  }
0x1a0: {  	v53 =	vadd.s32 v8, v41;
	v61 =	vmov s18;
	v0 =	vmul.f32 $8.000000000e+00, v59;
	v56 =	vld [tilespmem:s15+$0xFFFFFF90]  }
0x1a1: {  	s22 =	sadd.s32 $0x1, s18;
	v42 =	vshrl.u32 v61, $0x3;
	v45 =	vadd.s32 v15, v40;
	v61 =	vld [tilespmem:s15+$0xFFFFFF10];
	[tilespmem:v43+s28+$0x0] =	vst.idx.msk $0xffff, v2;
	v2 =	vmul.f32 $8.000000000e+00, v49  }
0x1a2: {  	s23 =	sadd.s32 $0x2, s18;
	v50 =	vmov s22;
	s22 =	sadd.s32 $0x3, s18;
	v47 =	vadd.s32 v17, v36;
	v57 =	vld [tilespmem:s15+$0x10];
	[tilespmem:v38+s28+$0x0] =	vst.idx.msk $0xffff, v0;
	v62 =	vmul.f32 $8.000000000e+00, v62  }
0x1a3: {  	v52 =	vmov s23;
	v44 =	vmov s22;
	v58 =	vld [tilespmem:s15+$0x90];
	[tilespmem:v63+s28+$0x0] =	vst.idx.msk $0xffff, v2;
	v63 =	vmul.f32 $8.000000000e+00, v60  }
0x1a4: {  	s23 =	sadd.s32 $0x4, s18;
	v48 =	vadd.s32 v9, v41;
	v49 =	vadd.s32 v12, v37;
	v0 =	vmul.f32 $8.000000000e+00, v46;
	v59 =	vld [tilespmem:s15+$0x110];
	[tilespmem:v54+s28+$0x0] =	vst.idx.msk $0xffff, v62  }
0x1a5: {  	s22 =	sadd.s32 $0x5, s18;
	v43 =	vmov s23;
	s23 =	sadd.s32 $0x6, s18;
	v60 =	vadd.s32 v10, v35;
	[tilespmem:v53+s28+$0x0] =	vst.idx.msk $0xffff, v63;
	v62 =	vmul.f32 $8.000000000e+00, v56;
	v54 =	vld [tilespmem:s15+$0xFFFFFE20]  }
0x1a6: {  	v38 =	vmov s22;
	v2 =	vmov s23;
	[tilespmem:v45+s28+$0x0] =	vst.idx.msk $0xffff, v0;
	v45 =	vadd.s32 v24, v33;
	v55 =	vld [tilespmem:s15+$0xFFFFFEA0]  }
0x1a7: {  	v0 =	vshll.u32 v42, v1;
	v61 =	vmul.f32 $8.000000000e+00, v61;
	v53 =	vadd.s32 v28, v34;
	v46 =	vld [tilespmem:s15+$0x1A0];
	[tilespmem:v47+s28+$0x0] =	vst.idx.msk $0xffff, v62  }
0x1a8: {  	v42 =	vshrl.u32 v2, $0x3;
	v63 =	vmul.f32 $8.000000000e+00, v57;
	v47 =	vmul.f32 $8.000000000e+00, v58;
	v58 =	vld [tilespmem:s15+$0xFFFFFFA0]  }
0x1a9: {  	[tilespmem:v49+s28+$0x0] =	vst.idx.msk $0xffff, v61;
	v49 =	vadd.s32 v3, v40;
	v57 =	vshrl.u32 v44, $0x3;
	v44 =	vadd.s32 v6, v39  }
0x1aa: {  	v56 =	vld [tilespmem:s15+$0xFFFFFF20];
	[tilespmem:v60+s28+$0x0] =	vst.idx.msk $0xffff, v63;
	v51 =	vmul.f32 $8.000000000e+00, v59;
	v2 =	vmul.f32 $8.000000000e+00, v54;
	v54 =	vadd.s32 v19, v36  }
0x1ab: {  	v59 =	vshrl.u32 v38, $0x3;
	v38 =	vbroadcast v0, $0x0;
	v61 =	vld [tilespmem:s15+$0x20];
	[tilespmem:v45+s28+$0x0] =	vst.idx.msk $0xffff, v47;
	v0 =	vmul.f32 $8.000000000e+00, v55  }
0x1ac: {  	v45 =	vmul.f32 $8.000000000e+00, v46;
	v62 =	vld [tilespmem:s15+$0xA0];
	[tilespmem:v53+s28+$0x0] =	vst.idx.msk $0xffff, v51  }
0x1ad: {  	v60 =	vadd.s32 v13, v37;
	v3 =	vld [tilespmem:s15+$0x120];
	[tilespmem:v48+s28+$0x0] =	vst.idx.msk $0xffff, v0;
	v0 =	vmul.f32 $8.000000000e+00, v58  }
0x1ae: {  	[tilespmem:v49+s28+$0x0] =	vst.idx.msk $0xffff, v45;
	v45 =	vshll.u32 v57, v1;
	v57 =	vld [tilespmem:$0x1FFC0]  }
0x1af: {  	p0 =	slt.u32 s18, $0x78;
	v50 =	vshrl.u32 v50, $0x3;
	v63 =	vadd.s32 v23, v35;
	[tilespmem:v54+s28+$0x0] =	vst.idx.msk $0xffff, v0;
	v0 =	vld [tilespmem:$0x1FFD0]  }
.Ltmp4:
0x1b0: {  	v52 =	vshrl.u32 v52, $0x3;
	v43 =	vshrl.u32 v43, $0x3;
	[tilespmem:v44+s28+$0x0] =	vst.idx.msk $0xffff, v2;
	v2 =	vmul.f32 $8.000000000e+00, v56;
	v56 =	vld [tilespmem:s15+$0x1B0];
	(pc) =	sbr.rel @p0 .LBB2_9-.Ltmp4, $4  }
0x1b1: {  	v47 =	vshll.u32 v50, v1;
	v55 =	vadd.s32 v27, v33;
	v51 =	vadd.s32 v31, v34;
	v50 =	vld [tilespmem:s15+$0xFFFFFE30]  }
0x1b2: {  	v46 =	vshll.u32 v43, v1;
	v44 =	vshll.u32 v52, v1;
	v52 =	vld [tilespmem:s15+$0xFFFFFEB0];
	[tilespmem:v60+s28+$0x0] =	vst.idx.msk $0xffff, v2;
	v2 =	vmul.f32 $8.000000000e+00, v61  }
0x1b3: {  	v43 =	vshll.u32 v59, v1;
	v48 =	vadd.s32 v7, v39;
	v49 =	vld [tilespmem:s15+$0xFFFFFF30];
	v39 =	vmul.f32 $8.000000000e+00, v62  }
0x1b4: {  	s19 =	sadd.s32 $0x7, s18;
	s18 =	sadd.s32 $0x8, s18;
	v54 =	vld [tilespmem:s15+$0xFFFFFFB0];
	[tilespmem:v63+s28+$0x0] =	vst.idx.msk $0xffff, v2;
	v53 =	vadd.s32 v57, v40;
	v40 =	vmul.f32 $8.000000000e+00, v3;
	v41 =	vadd.s32 v0, v41  }
0x1b5: {  	_ =	sdelay $0x3  }
0x1b6: {  	v0 =	vmov s19;
	v2 =	vadd.s32 v16, v37;
	v3 =	vld [tilespmem:s15+$0x30];
	[tilespmem:v55+s28+$0x0] =	vst.idx.msk $0xffff, v39;
	v56 =	vmul.f32 $8.000000000e+00, v56  }
0x1b7: {  	v36 =	vadd.s32 v4, v36;
	v0 =	vshrl.u32 v0, $0x3;
	v58 =	vmul.f32 $8.000000000e+00, v50;
	v59 =	vld [tilespmem:s15+$0xB0];
	[tilespmem:v51+s28+$0x0] =	vst.idx.msk $0xffff, v40  }
0x1b8: {  	v35 =	vadd.s32 v21, v35;
	s22 =	sadd.s32 $0x400, s15;
	v0 =	vshll.u32 v0, v1;
	v63 =	vmul.f32 $8.000000000e+00, v52;
	v51 =	vld [tilespmem:s15+$0x130];
	[tilespmem:v53+s28+$0x0] =	vst.idx.msk $0xffff, v56  }
0x1b9: {  	v33 =	vadd.s32 v30, v33;
	v37 =	vld [tilespmem:s22+$0x180];
	v0 =	vbroadcast v0, $0x0;
	[tilespmem:v48+s28+$0x0] =	vst.idx.msk $0xffff, v58;
	v52 =	vmul.f32 $8.000000000e+00, v49  }
0x1ba: {  	v42 =	vshll.u32 v42, v1;
	v34 =	vadd.s32 v32, v34;
	v48 =	vld [tilespmem:s22+$0xFFFFFE00];
	[tilespmem:v41+s28+$0x0] =	vst.idx.msk $0xffff, v63;
	v53 =	vmul.f32 $8.000000000e+00, v54  }
0x1bb: {  	v47 =	vbroadcast v47, $0x0;
	v41 =	vld [tilespmem:s22+$0xFFFFFE80];
	v49 =	vadd.s32 v29, v0;
	[tilespmem:v2+s28+$0x0] =	vst.idx.msk $0xffff, v52;
	v2 =	vmul.f32 $8.000000000e+00, v3  }
0x1bc: {  	v44 =	vbroadcast v44, $0x0;
	v54 =	vld [tilespmem:s22+$0xFFFFFF00];
	v3 =	vadd.s32 v11, v38;
	[tilespmem:v36+s28+$0x0] =	vst.idx.msk $0xffff, v53;
	v55 =	vmul.f32 $8.000000000e+00, v59  }
0x1bd: {  	v45 =	vbroadcast v45, $0x0;
	v50 =	vld [tilespmem:s22+$0xFFFFFF80];
	v40 =	vadd.s32 v14, v47;
	[tilespmem:v35+s28+$0x0] =	vst.idx.msk $0xffff, v2;
	v2 =	vmul.f32 $8.000000000e+00, v51  }
0x1be: {  	v46 =	vbroadcast v46, $0x0;
	v37 =	vmul.f32 $8.000000000e+00, v37;
	v35 =	vadd.s32 v18, v44;
	v51 =	vld [tilespmem:s22+$0x0];
	[tilespmem:v33+s28+$0x0] =	vst.idx.msk $0xffff, v55  }
0x1bf: {  	v43 =	vbroadcast v43, $0x0;
	v36 =	vadd.s32 v22, v45;
	v58 =	vmul.f32 $8.000000000e+00, v48;
	v48 =	vld [tilespmem:s22+$0x80];
	[tilespmem:v34+s28+$0x0] =	vst.idx.msk $0xffff, v2  }
0x1c0: {  	v42 =	vbroadcast v42, $0x0;
	v2 =	vmul.f32 $8.000000000e+00, v41;
	v34 =	vadd.s32 v26, v46;
	v41 =	vld [tilespmem:s22+$0x100];
	[tilespmem:v49+s28+$0x0] =	vst.idx.msk $0xffff, v37  }
0x1c1: {  	v33 =	vadd.s32 v20, v43;
	[tilespmem:v3+s28+$0x0] =	vst.idx.msk $0xffff, v58;
	v3 =	vmul.f32 $8.000000000e+00, v54;
	v37 =	vld [tilespmem:s22+$0x190]  }
0x1c2: {  	v56 =	vadd.s32 v25, v42;
	v63 =	vld [tilespmem:s22+$0xFFFFFE10];
	[tilespmem:v40+s28+$0x0] =	vst.idx.msk $0xffff, v2;
	v2 =	vmul.f32 $8.000000000e+00, v50  }
0x1c3: {  	v58 =	vld [tilespmem:s22+$0xFFFFFE90];
	[tilespmem:v35+s28+$0x0] =	vst.idx.msk $0xffff, v3;
	v3 =	vmul.f32 $8.000000000e+00, v51;
	v35 =	vadd.s32 v15, v0  }
0x1c4: {  	v50 =	vadd.s32 v5, v38;
	v51 =	vld [tilespmem:s22+$0xFFFFFF10];
	[tilespmem:v36+s28+$0x0] =	vst.idx.msk $0xffff, v2;
	v2 =	vmul.f32 $8.000000000e+00, v48  }
0x1c5: {  	v36 =	vadd.s32 v8, v47;
	[tilespmem:v34+s28+$0x0] =	vst.idx.msk $0xffff, v3;
	v3 =	vmul.f32 $8.000000000e+00, v41  }
0x1c6: {  	v34 =	vadd.s32 v12, v44;
	[tilespmem:v33+s28+$0x0] =	vst.idx.msk $0xffff, v2;
	v2 =	vmul.f32 $8.000000000e+00, v37  }
0x1c7: {  	v52 =	vld [tilespmem:s22+$0x10];
	v53 =	vmul.f32 $8.000000000e+00, v63;
	[tilespmem:v56+s28+$0x0] =	vst.idx.msk $0xffff, v3  }
0x1c8: {  	v48 =	vld [tilespmem:s22+$0xFFFFFF90];
	v3 =	vmul.f32 $8.000000000e+00, v58;
	[tilespmem:v35+s28+$0x0] =	vst.idx.msk $0xffff, v2  }
0x1c9: {  	v63 =	vld [tilespmem:s22+$0x90];
	[tilespmem:v50+s28+$0x0] =	vst.idx.msk $0xffff, v53;
	v2 =	vmul.f32 $8.000000000e+00, v51  }
0x1ca: {  	v37 =	vadd.s32 v17, v45;
	v49 =	vld [tilespmem:s22+$0x110];
	[tilespmem:v36+s28+$0x0] =	vst.idx.msk $0xffff, v3  }
0x1cb: {  	v35 =	vld [tilespmem:s22+$0x1A0];
	[tilespmem:v34+s28+$0x0] =	vst.idx.msk $0xffff, v2  }
0x1cc: {  	v40 =	vadd.s32 v10, v46;
	v2 =	vmul.f32 $8.000000000e+00, v52;
	v52 =	vld [tilespmem:$0x1FFF0]  }
0x1cd: {  	v58 =	vadd.s32 v24, v43;
	v50 =	vld [tilespmem:s22+$0xFFFFFE20];
	v3 =	vmul.f32 $8.000000000e+00, v48  }
0x1ce: {  	v36 =	vadd.s32 v28, v42;
	v48 =	vld [tilespmem:s22+$0xFFFFFEA0]  }
0x1cf: {  	v41 =	vadd.s32 v6, v38;
	[tilespmem:v37+s28+$0x0] =	vst.idx.msk $0xffff, v3  }
0x1d0: {  	v3 =	vmul.f32 $8.000000000e+00, v63;
	v37 =	vadd.s32 v9, v47;
	v39 =	vld [tilespmem:s22+$0xFFFFFFA0]  }
0x1d1: {  	v51 =	vld [tilespmem:s22+$0xFFFFFF20];
	[tilespmem:v40+s28+$0x0] =	vst.idx.msk $0xffff, v2;
	v2 =	vmul.f32 $8.000000000e+00, v49;
	v34 =	vadd.s32 v52, v0  }
0x1d2: {  	[tilespmem:v58+s28+$0x0] =	vst.idx.msk $0xffff, v3;
	v3 =	vmul.f32 $8.000000000e+00, v35;
	v53 =	vmul.f32 $8.000000000e+00, v50;
	v35 =	vadd.s32 v19, v45  }
0x1d3: {  	v40 =	vadd.s32 v13, v44;
	[tilespmem:v36+s28+$0x0] =	vst.idx.msk $0xffff, v2;
	v2 =	vmul.f32 $8.000000000e+00, v48  }
0x1d4: {  	[tilespmem:v41+s28+$0x0] =	vst.idx.msk $0xffff, v53  }
0x1d5: {  	[tilespmem:v37+s28+$0x0] =	vst.idx.msk $0xffff, v2;
	v2 =	vmul.f32 $8.000000000e+00, v39  }
0x1d6: {  	v49 =	vld [tilespmem:s22+$0x20];
	[tilespmem:v34+s28+$0x0] =	vst.idx.msk $0xffff, v3;
	v3 =	vmul.f32 $8.000000000e+00, v51  }
0x1d7: {  	v58 =	vld [tilespmem:s22+$0xA0];
	[tilespmem:v35+s28+$0x0] =	vst.idx.msk $0xffff, v2  }
0x1d8: {  	v48 =	vld [tilespmem:s22+$0x120];
	[tilespmem:v40+s28+$0x0] =	vst.idx.msk $0xffff, v3  }
0x1d9: {  	v61 =	vmov v11;
	v36 =	vadd.s32 v23, v46;
	v11 =	vld [tilespmem:$0x1FFD0]  }
0x1da: {  	v33 =	vadd.s32 v27, v43;
	v41 =	vld [tilespmem:s22+$0xFFFFFE30]  }
0x1db: {  	v51 =	vadd.s32 v31, v42;
	v34 =	vld [tilespmem:s22+$0x1B0]  }
0x1dc: {  	v38 =	vadd.s32 v7, v38;
	v53 =	vld [tilespmem:s22+$0xFFFFFEB0];
	v3 =	vmul.f32 $8.000000000e+00, v49  }
0x1dd: {  	v0 =	vadd.s32 v57, v0;
	v2 =	vmul.f32 $8.000000000e+00, v58;
	v40 =	vld [tilespmem:s22+$0xFFFFFF30]  }
0x1de: {  	v60 =	vmov v16;
	v58 =	vld [tilespmem:s22+$0xFFFFFFB0];
	[tilespmem:v36+s28+$0x0] =	vst.idx.msk $0xffff, v3;
	v3 =	vmul.f32 $8.000000000e+00, v48;
	v35 =	vadd.s32 v11, v47  }
0x1df: {  	v62 =	vmov v4;
	[tilespmem:v33+s28+$0x0] =	vst.idx.msk $0xffff, v2;
	v36 =	vadd.s32 v60, v44;
	v48 =	vmul.f32 $8.000000000e+00, v41;
	v44 =	vld [tilespmem:s22+$0x30]  }
0x1e0: {  	v49 =	vadd.s32 v62, v45;
	v50 =	vld [tilespmem:s22+$0xB0];
	v2 =	vmul.f32 $8.000000000e+00, v34;
	[tilespmem:v51+s28+$0x0] =	vst.idx.msk $0xffff, v3  }
0x1e1: {  	v16 =	vmov v30;
	v3 =	vmul.f32 $8.000000000e+00, v53;
	v51 =	vadd.s32 v21, v46;
	[tilespmem:v38+s28+$0x0] =	vst.idx.msk $0xffff, v48;
	v53 =	vld [tilespmem:s22+$0x130]  }
0x1e2: {  	v30 =	vmov v32;
	[tilespmem:v0+s28+$0x0] =	vst.idx.msk $0xffff, v2;
	v0 =	vmul.f32 $8.000000000e+00, v40;
	v2 =	vadd.s32 v16, v43  }
0x1e3: {  	[tilespmem:v35+s28+$0x0] =	vst.idx.msk $0xffff, v3;
	v3 =	vmul.f32 $8.000000000e+00, v58;
	v58 =	vadd.s32 v30, v42  }
0x1e4: {  	[tilespmem:v36+s28+$0x0] =	vst.idx.msk $0xffff, v0;
	v0 =	vmul.f32 $8.000000000e+00, v44  }
0x1e5: {  	s7 =	sshll.u32 s7, $0xF;
	[tilespmem:v49+s28+$0x0] =	vst.idx.msk $0xffff, v3;
	v3 =	vmul.f32 $8.000000000e+00, v50  }
0x1e6: {  	s7 =	sand.u32 $0x1FFF8000, s7;
	[tilespmem:v51+s28+$0x0] =	vst.idx.msk $0xffff, v0;
	v0 =	vmul.f32 $8.000000000e+00, v53  }
0x1e7: {  	s0 =	sor.u32 s0, s7;
	[tilespmem:v2+s28+$0x0] =	vst.idx.msk $0xffff, v3  }
0x1e8: {  	s7 =	sadd.s32 s3, s0;
	[tilespmem:v58+s28+$0x0] =	vst.idx.msk $0xffff, v0  }
0x1e9: {  	[hbm4b:s7+s4] =	stream.linear.scatter [tilespmem:s28], [sflag:$0x4], $0x80, $0x38;
	[tilespmem:$0xC500] =	vst v63  }
0x1ea: {  	s18 =	simm.s32 $0xA388;
	s23 =	sadd.s32 $0x10, s7  }
0x1eb: {  	[hbm4b:s23+s4] =	stream.linear.scatter [tilespmem:s18], [sflag:$0x4], $0x80, $0x38;
	[tilespmem:$0xC500] =	vst v63  }
0x1ec: {  	s19 =	simm.s32 $0xA410;
	s18 =	sadd.s32 $0x20, s7  }
0x1ed: {  	[hbm4b:s18+s4] =	stream.linear.scatter [tilespmem:s19], [sflag:$0x4], $0x80, $0x38;
	[tilespmem:$0xC500] =	vst v63  }
0x1ee: {  	s22 =	sadd.s32 $0x30, s7;
	s23 =	simm.s32 $0xA498  }
0x1ef: {  	[hbm4b:s22+s4] =	stream.linear.scatter [tilespmem:s23], [sflag:$0x4], $0x80, $0x38;
	[tilespmem:$0xC500] =	vst v63  }
0x1f0: {  	s18 =	sadd.s32 $0x40, s7;
	s19 =	simm.s32 $0xA520  }
0x1f1: {  	[hbm4b:s18+s4] =	stream.linear.scatter [tilespmem:s19], [sflag:$0x4], $0x80, $0x38;
	[tilespmem:$0xC500] =	vst v63  }
0x1f2: {  	s22 =	sadd.s32 $0x50, s7;
	s23 =	simm.s32 $0xA5A8  }
0x1f3: {  	[hbm4b:s22+s4] =	stream.linear.scatter [tilespmem:s23], [sflag:$0x4], $0x80, $0x38;
	[tilespmem:$0xC500] =	vst v63  }
0x1f4: {  	s18 =	sadd.s32 $0x60, s7;
	s19 =	simm.s32 $0xA630  }
0x1f5: {  	[hbm4b:s18+s4] =	stream.linear.scatter [tilespmem:s19], [sflag:$0x4], $0x80, $0x38;
	[tilespmem:$0xC500] =	vst v63  }
0x1f6: {  	s7 =	sadd.s32 $0x70, s7;
	s22 =	simm.s32 $0xA6B8  }
0x1f7: {  	[hbm4b:s7+s4] =	stream.linear.scatter [tilespmem:s22], [sflag:$0x4], $0x80, $0x38;
	[tilespmem:$0xC500] =	vst v63  }
0x1f8: {  	s23 =	simm.s32 $0xA740;
	s7 =	sadd.s32 s0, s8  }
0x1f9: {  	[hbm4b:s7+s4] =	stream.linear.scatter [tilespmem:s23], [sflag:$0x4], $0x80, $0x38;
	[tilespmem:$0xC500] =	vst v63  }
0x1fa: {  	s19 =	simm.s32 $0xA7C8;
	s18 =	sadd.s32 $0x10, s7  }
0x1fb: {  	[hbm4b:s18+s4] =	stream.linear.scatter [tilespmem:s19], [sflag:$0x4], $0x80, $0x38;
	[tilespmem:$0xC500] =	vst v63  }
0x1fc: {  	s22 =	sadd.s32 $0x20, s7;
	s23 =	simm.s32 $0xA850  }
0x1fd: {  	[hbm4b:s22+s4] =	stream.linear.scatter [tilespmem:s23], [sflag:$0x4], $0x80, $0x38;
	[tilespmem:$0xC500] =	vst v63  }
0x1fe: {  	s18 =	sadd.s32 $0x30, s7;
	s19 =	simm.s32 $0xA8D8  }
0x1ff: {  	[hbm4b:s18+s4] =	stream.linear.scatter [tilespmem:s19], [sflag:$0x4], $0x80, $0x38;
	[tilespmem:$0xC500] =	vst v63  }
0x200: {  	s22 =	sadd.s32 $0x40, s7;
	s23 =	simm.s32 $0xA960  }
0x201: {  	[hbm4b:s22+s4] =	stream.linear.scatter [tilespmem:s23], [sflag:$0x4], $0x80, $0x38;
	[tilespmem:$0xC500] =	vst v63  }
0x202: {  	s18 =	sadd.s32 $0x50, s7;
	s19 =	simm.s32 $0xA9E8  }
0x203: {  	[hbm4b:s18+s4] =	stream.linear.scatter [tilespmem:s19], [sflag:$0x4], $0x80, $0x38;
	[tilespmem:$0xC500] =	vst v63  }
0x204: {  	s22 =	sadd.s32 $0x60, s7;
	s23 =	simm.s32 $0xAA70  }
0x205: {  	[hbm4b:s22+s4] =	stream.linear.scatter [tilespmem:s23], [sflag:$0x4], $0x80, $0x38;
	[tilespmem:$0xC500] =	vst v63  }
0x206: {  	s7 =	sadd.s32 $0x70, s7;
	s18 =	simm.s32 $0xAAF8  }
0x207: {  	[hbm4b:s7+s4] =	stream.linear.scatter [tilespmem:s18], [sflag:$0x4], $0x80, $0x38;
	[tilespmem:$0xC500] =	vst v63  }
0x208: {  	s19 =	simm.s32 $0xAB80;
	s7 =	sadd.s32 s0, s9  }
0x209: {  	[hbm4b:s7+s4] =	stream.linear.scatter [tilespmem:s19], [sflag:$0x4], $0x80, $0x38;
	[tilespmem:$0xC500] =	vst v63  }
0x20a: {  	s23 =	simm.s32 $0xAC08;
	s22 =	sadd.s32 $0x10, s7  }
0x20b: {  	[hbm4b:s22+s4] =	stream.linear.scatter [tilespmem:s23], [sflag:$0x4], $0x80, $0x38;
	[tilespmem:$0xC500] =	vst v63  }
0x20c: {  	s18 =	sadd.s32 $0x20, s7;
	s19 =	simm.s32 $0xAC90  }
0x20d: {  	[hbm4b:s18+s4] =	stream.linear.scatter [tilespmem:s19], [sflag:$0x4], $0x80, $0x38;
	[tilespmem:$0xC500] =	vst v63  }
0x20e: {  	s22 =	sadd.s32 $0x30, s7;
	s23 =	simm.s32 $0xAD18  }
0x20f: {  	[hbm4b:s22+s4] =	stream.linear.scatter [tilespmem:s23], [sflag:$0x4], $0x80, $0x38;
	[tilespmem:$0xC500] =	vst v63  }
0x210: {  	s18 =	sadd.s32 $0x40, s7;
	s19 =	simm.s32 $0xADA0  }
0x211: {  	[hbm4b:s18+s4] =	stream.linear.scatter [tilespmem:s19], [sflag:$0x4], $0x80, $0x38;
	[tilespmem:$0xC500] =	vst v63  }
0x212: {  	s22 =	sadd.s32 $0x50, s7;
	s23 =	simm.s32 $0xAE28  }
0x213: {  	[hbm4b:s22+s4] =	stream.linear.scatter [tilespmem:s23], [sflag:$0x4], $0x80, $0x38;
	[tilespmem:$0xC500] =	vst v63  }
0x214: {  	s18 =	sadd.s32 $0x60, s7;
	s19 =	simm.s32 $0xAEB0  }
0x215: {  	[hbm4b:s18+s4] =	stream.linear.scatter [tilespmem:s19], [sflag:$0x4], $0x80, $0x38;
	[tilespmem:$0xC500] =	vst v63  }
0x216: {  	s7 =	sadd.s32 $0x70, s7;
	s22 =	simm.s32 $0xAF38  }
0x217: {  	[hbm4b:s7+s4] =	stream.linear.scatter [tilespmem:s22], [sflag:$0x4], $0x80, $0x38;
	[tilespmem:$0xC500] =	vst v63  }
0x218: {  	s23 =	simm.s32 $0xAFC0;
	s7 =	sadd.s32 s0, s10  }
0x219: {  	[hbm4b:s7+s4] =	stream.linear.scatter [tilespmem:s23], [sflag:$0x4], $0x80, $0x38;
	[tilespmem:$0xC500] =	vst v63  }
0x21a: {  	s19 =	simm.s32 $0xB048;
	s18 =	sadd.s32 $0x10, s7  }
0x21b: {  	[hbm4b:s18+s4] =	stream.linear.scatter [tilespmem:s19], [sflag:$0x4], $0x80, $0x38;
	[tilespmem:$0xC500] =	vst v63  }
0x21c: {  	s22 =	sadd.s32 $0x20, s7;
	s23 =	simm.s32 $0xB0D0  }
0x21d: {  	[hbm4b:s22+s4] =	stream.linear.scatter [tilespmem:s23], [sflag:$0x4], $0x80, $0x38;
	[tilespmem:$0xC500] =	vst v63  }
0x21e: {  	s18 =	sadd.s32 $0x30, s7;
	s19 =	simm.s32 $0xB158  }
0x21f: {  	[hbm4b:s18+s4] =	stream.linear.scatter [tilespmem:s19], [sflag:$0x4], $0x80, $0x38;
	[tilespmem:$0xC500] =	vst v63  }
0x220: {  	s22 =	sadd.s32 $0x40, s7;
	s23 =	simm.s32 $0xB1E0  }
0x221: {  	[hbm4b:s22+s4] =	stream.linear.scatter [tilespmem:s23], [sflag:$0x4], $0x80, $0x38;
	[tilespmem:$0xC500] =	vst v63  }
0x222: {  	s18 =	sadd.s32 $0x50, s7;
	s19 =	simm.s32 $0xB268  }
0x223: {  	[hbm4b:s18+s4] =	stream.linear.scatter [tilespmem:s19], [sflag:$0x4], $0x80, $0x38;
	[tilespmem:$0xC500] =	vst v63  }
0x224: {  	s22 =	sadd.s32 $0x60, s7;
	s23 =	simm.s32 $0xB2F0  }
0x225: {  	[hbm4b:s22+s4] =	stream.linear.scatter [tilespmem:s23], [sflag:$0x4], $0x80, $0x38;
	[tilespmem:$0xC500] =	vst v63  }
0x226: {  	s7 =	sadd.s32 $0x70, s7;
	s18 =	simm.s32 $0xB378  }
0x227: {  	[hbm4b:s7+s4] =	stream.linear.scatter [tilespmem:s18], [sflag:$0x4], $0x80, $0x38;
	[tilespmem:$0xC500] =	vst v63  }
0x228: {  	s19 =	simm.s32 $0xB400;
	s7 =	sadd.s32 s0, s11  }
0x229: {  	[hbm4b:s7+s4] =	stream.linear.scatter [tilespmem:s19], [sflag:$0x4], $0x80, $0x38;
	[tilespmem:$0xC500] =	vst v63  }
0x22a: {  	s23 =	simm.s32 $0xB488;
	s22 =	sadd.s32 $0x10, s7  }
0x22b: {  	[hbm4b:s22+s4] =	stream.linear.scatter [tilespmem:s23], [sflag:$0x4], $0x80, $0x38;
	[tilespmem:$0xC500] =	vst v63  }
0x22c: {  	s18 =	sadd.s32 $0x20, s7;
	s19 =	simm.s32 $0xB510  }
0x22d: {  	[hbm4b:s18+s4] =	stream.linear.scatter [tilespmem:s19], [sflag:$0x4], $0x80, $0x38;
	[tilespmem:$0xC500] =	vst v63  }
0x22e: {  	s22 =	sadd.s32 $0x30, s7;
	s23 =	simm.s32 $0xB598  }
0x22f: {  	[hbm4b:s22+s4] =	stream.linear.scatter [tilespmem:s23], [sflag:$0x4], $0x80, $0x38;
	[tilespmem:$0xC500] =	vst v63  }
0x230: {  	s18 =	sadd.s32 $0x40, s7;
	s19 =	simm.s32 $0xB620  }
0x231: {  	[hbm4b:s18+s4] =	stream.linear.scatter [tilespmem:s19], [sflag:$0x4], $0x80, $0x38;
	[tilespmem:$0xC500] =	vst v63  }
0x232: {  	s22 =	sadd.s32 $0x50, s7;
	s23 =	simm.s32 $0xB6A8  }
0x233: {  	[hbm4b:s22+s4] =	stream.linear.scatter [tilespmem:s23], [sflag:$0x4], $0x80, $0x38;
	[tilespmem:$0xC500] =	vst v63  }
0x234: {  	s18 =	sadd.s32 $0x60, s7;
	s19 =	simm.s32 $0xB730  }
0x235: {  	[hbm4b:s18+s4] =	stream.linear.scatter [tilespmem:s19], [sflag:$0x4], $0x80, $0x38;
	[tilespmem:$0xC500] =	vst v63  }
0x236: {  	s7 =	sadd.s32 $0x70, s7;
	s22 =	simm.s32 $0xB7B8  }
0x237: {  	[hbm4b:s7+s4] =	stream.linear.scatter [tilespmem:s22], [sflag:$0x4], $0x80, $0x38;
	[tilespmem:$0xC500] =	vst v63  }
0x238: {  	s23 =	simm.s32 $0xB840;
	s7 =	sadd.s32 s0, s12  }
0x239: {  	[hbm4b:s7+s4] =	stream.linear.scatter [tilespmem:s23], [sflag:$0x4], $0x80, $0x38;
	[tilespmem:$0xC500] =	vst v63  }
0x23a: {  	s19 =	simm.s32 $0xB8C8;
	s18 =	sadd.s32 $0x10, s7  }
0x23b: {  	[hbm4b:s18+s4] =	stream.linear.scatter [tilespmem:s19], [sflag:$0x4], $0x80, $0x38;
	[tilespmem:$0xC500] =	vst v63  }
0x23c: {  	s22 =	sadd.s32 $0x20, s7;
	s23 =	simm.s32 $0xB950  }
0x23d: {  	[hbm4b:s22+s4] =	stream.linear.scatter [tilespmem:s23], [sflag:$0x4], $0x80, $0x38;
	[tilespmem:$0xC500] =	vst v63  }
0x23e: {  	s18 =	sadd.s32 $0x30, s7;
	s19 =	simm.s32 $0xB9D8  }
0x23f: {  	[hbm4b:s18+s4] =	stream.linear.scatter [tilespmem:s19], [sflag:$0x4], $0x80, $0x38;
	[tilespmem:$0xC500] =	vst v63  }
0x240: {  	s22 =	sadd.s32 $0x40, s7;
	s23 =	simm.s32 $0xBA60  }
0x241: {  	[hbm4b:s22+s4] =	stream.linear.scatter [tilespmem:s23], [sflag:$0x4], $0x80, $0x38;
	[tilespmem:$0xC500] =	vst v63  }
0x242: {  	s18 =	sadd.s32 $0x50, s7;
	s19 =	simm.s32 $0xBAE8  }
0x243: {  	[hbm4b:s18+s4] =	stream.linear.scatter [tilespmem:s19], [sflag:$0x4], $0x80, $0x38;
	[tilespmem:$0xC500] =	vst v63  }
0x244: {  	s22 =	sadd.s32 $0x60, s7;
	s23 =	simm.s32 $0xBB70  }
0x245: {  	[hbm4b:s22+s4] =	stream.linear.scatter [tilespmem:s23], [sflag:$0x4], $0x80, $0x38;
	[tilespmem:$0xC500] =	vst v63  }
0x246: {  	s7 =	sadd.s32 $0x70, s7;
	s18 =	simm.s32 $0xBBF8  }
0x247: {  	[hbm4b:s7+s4] =	stream.linear.scatter [tilespmem:s18], [sflag:$0x4], $0x80, $0x38;
	[tilespmem:$0xC500] =	vst v63  }
0x248: {  	s19 =	simm.s32 $0xBC80;
	s7 =	sadd.s32 s0, s13  }
0x249: {  	[hbm4b:s7+s4] =	stream.linear.scatter [tilespmem:s19], [sflag:$0x4], $0x80, $0x38;
	[tilespmem:$0xC500] =	vst v63  }
0x24a: {  	s23 =	simm.s32 $0xBD08;
	s22 =	sadd.s32 $0x10, s7  }
0x24b: {  	[hbm4b:s22+s4] =	stream.linear.scatter [tilespmem:s23], [sflag:$0x4], $0x80, $0x38;
	[tilespmem:$0xC500] =	vst v63  }
0x24c: {  	s18 =	sadd.s32 $0x20, s7;
	s19 =	simm.s32 $0xBD90  }
0x24d: {  	[hbm4b:s18+s4] =	stream.linear.scatter [tilespmem:s19], [sflag:$0x4], $0x80, $0x38;
	[tilespmem:$0xC500] =	vst v63  }
0x24e: {  	s22 =	sadd.s32 $0x30, s7;
	s23 =	simm.s32 $0xBE18  }
0x24f: {  	[hbm4b:s22+s4] =	stream.linear.scatter [tilespmem:s23], [sflag:$0x4], $0x80, $0x38;
	[tilespmem:$0xC500] =	vst v63  }
0x250: {  	s18 =	sadd.s32 $0x40, s7;
	s19 =	simm.s32 $0xBEA0  }
0x251: {  	[hbm4b:s18+s4] =	stream.linear.scatter [tilespmem:s19], [sflag:$0x4], $0x80, $0x38;
	[tilespmem:$0xC500] =	vst v63  }
0x252: {  	s22 =	sadd.s32 $0x50, s7;
	s23 =	simm.s32 $0xBF28  }
0x253: {  	[hbm4b:s22+s4] =	stream.linear.scatter [tilespmem:s23], [sflag:$0x4], $0x80, $0x38;
	[tilespmem:$0xC500] =	vst v63  }
0x254: {  	s19 =	sadd.s32 $0x60, s7;
	s22 =	simm.s32 $0xBFB0  }
0x255: {  	[hbm4b:s19+s4] =	stream.linear.scatter [tilespmem:s22], [sflag:$0x4], $0x80, $0x38;
	[tilespmem:$0xC500] =	vst v63  }
0x256: {  	s7 =	sadd.s32 $0x70, s7;
	s23 =	simm.s32 $0xC038  }
0x257: {  	[hbm4b:s7+s4] =	stream.linear.scatter [tilespmem:s23], [sflag:$0x4], $0x80, $0x38;
	[tilespmem:$0xC500] =	vst v63  }
0x258: {  	s15 =	simm.s32 $0xC0C0;
	s0 =	sadd.s32 s0, s14  }
0x259: {  	[hbm4b:s0+s4] =	stream.linear.scatter [tilespmem:s15], [sflag:$0x4], $0x80, $0x38;
	[tilespmem:$0xC500] =	vst v63  }
0x25a: {  	s18 =	sadd.s32 $0x10, s0;
	s19 =	simm.s32 $0xC148  }
0x25b: {  	[hbm4b:s18+s4] =	stream.linear.scatter [tilespmem:s19], [sflag:$0x4], $0x80, $0x38;
	[tilespmem:$0xC500] =	vst v63  }
0x25c: {  	s22 =	sadd.s32 $0x20, s0;
	s23 =	simm.s32 $0xC1D0  }
0x25d: {  	[hbm4b:s22+s4] =	stream.linear.scatter [tilespmem:s23], [sflag:$0x4], $0x80, $0x38;
	[tilespmem:$0xC500] =	vst v63  }
0x25e: {  	s15 =	sadd.s32 $0x30, s0;
	s18 =	simm.s32 $0xC258  }
0x25f: {  	[hbm4b:s15+s4] =	stream.linear.scatter [tilespmem:s18], [sflag:$0x4], $0x80, $0x38;
	[tilespmem:$0xC500] =	vst v63  }
0x260: {  	s1 =	sadd.s32 $0x1, s1;
	s19 =	sadd.s32 $0x40, s0  }
0x261: {  	[hbm4b:s19+s4] =	stream.linear.scatter [tilespmem:s24], [sflag:$0x4], $0x80, $0x38;
	[tilespmem:$0xC500] =	vst v63  }
0x262: {  	p0 =	sne.s32 s1, $0x64;
	s22 =	sadd.s32 $0x50, s0  }
0x263: {  	v4 =	vmovc v21;
	v32 =	vmovc v29;
	v29 =	vmov v28;
	v59 =	vmov v18;
	v18 =	vmov v8;
	[hbm4b:s22+s4] =	stream.linear.scatter [tilespmem:s29], [sflag:$0x4], $0x80, $0x38;
	[tilespmem:$0xC500] =	vst v63  }
.Ltmp5:
0x264: {  	v55 =	vmovc v20;
	v54 =	vmovc v25;
	v20 =	vmov v12;
	v25 =	vmov v24;
	v8 =	vmov v14;
	(pc) =	sbr.rel @p0 .LBB2_2-.Ltmp5, $4  }
0x265: {  	v14 =	vmovc v60;
	v7 =	vmovc v6;
	v12 =	vmov v59;
	v56 =	vmov v10;
	v10 =	vmov v13;
	s23 =	sadd.s32 $0x60, s0  }
0x266: {  	v6 =	vmovc v22;
	v22 =	vmovc v4;
	v24 =	vmov v55;
	v28 =	vmov v54;
	v63 =	vmov v9;
	[hbm4b:s23+s4] =	stream.linear.scatter [tilespmem:s30], [sflag:$0x4], $0x80, $0x38;
	[tilespmem:$0xC500] =	vst v63  }
0x267: {  	v9 =	vmovc v18;
	v18 =	vmovc v62;
	v13 =	vmov v20;
	v20 =	vmov v26;
	v26 =	vmov v16;
	s0 =	sadd.s32 $0x70, s0  }
0x268: {  	v41 =	vmovc v56;
	v21 =	vmovc v5;
	v11 =	vmov v10;
	v10 =	vmov v17;
	v3 =	vmov v52;
	[hbm4b:s0+s4] =	stream.linear.scatter [tilespmem:s31], [sflag:$0x4], $0x80, $0x38;
	[tilespmem:$0xC500] =	vst v63  }
0x269: {  	s0 =	simm.s32 $0x3  }
0x26a: {  	_ =	swait.ge [sflag:s0], $0x400  }
0x26b: {  	[sflag:s0] =	ssyncset.done $0x0  }
0x26c: {  	[sflag:s0] =	ssyncadd.s32 $0xFFFFFC00  }
0x26d: {  	_ =	swait.ge [sflag:s0], $0x400  }
0x26e: {  	[sflag:s0] =	ssyncset.done $0x0  }
0x26f: {  	[sflag:s0] =	ssyncadd.s32 $0xFFFFFC00  }
0x270: {  	_ =	swait.ge [sflag:s0], $0x400  }
0x271: {  	[sflag:s0] =	ssyncset.done $0x0  }
0x272: {  	[sflag:s0] =	ssyncadd.s32 $0xFFFFFC00  }
0x273: {  	_ =	swait.ge [sflag:s0], $0x400  }
0x274: {  	[sflag:s0] =	ssyncset.done $0x0  }
0x275: {  	[sflag:s0] =	ssyncadd.s32 $0xFFFFFC00  }
0x276: {  	_ =	swait.ge [sflag:s0], $0x400  }
0x277: {  	[sflag:s0] =	ssyncset.done $0x0  }
0x278: {  	[sflag:s0] =	ssyncadd.s32 $0xFFFFFC00  }
0x279: {  	_ =	swait.ge [sflag:s0], $0x400  }
0x27a: {  	[sflag:s0] =	ssyncset.done $0x0  }
0x27b: {  	[sflag:s0] =	ssyncadd.s32 $0xFFFFFC00  }
0x27c: {  	_ =	swait.ge [sflag:s0], $0x400  }
0x27d: {  	[sflag:s0] =	ssyncset.done $0x0  }
0x27e: {  	[sflag:s0] =	ssyncadd.s32 $0xFFFFFC00  }
0x27f: {  	_ =	swait.ge [sflag:s0], $0x400  }
0x280: {  	[sflag:s0] =	ssyncset.done $0x0  }
0x281: {  	[sflag:s0] =	ssyncadd.s32 $0xFFFFFC00  }
0x282: {  	_ =	swait.ge [sflag:s26], $0x400  }
0x283: {  	[sflag:s26] =	ssyncset.done $0x0  }
0x284: {  	[sflag:s26] =	ssyncadd.s32 $0xFFFFFC00  }
0x285: {  	_ =	swait.ge [sflag:s26], $0x400  }
0x286: {  	[sflag:s26] =	ssyncset.done $0x0  }
0x287: {  	[sflag:s26] =	ssyncadd.s32 $0xFFFFFC00  }
0x288: {  	_ =	swait.ge [sflag:s26], $0x400  }
0x289: {  	[sflag:s26] =	ssyncset.done $0x0  }
0x28a: {  	[sflag:s26] =	ssyncadd.s32 $0xFFFFFC00  }
0x28b: {  	_ =	swait.ge [sflag:s26], $0x400  }
0x28c: {  	[sflag:s26] =	ssyncset.done $0x0  }
0x28d: {  	[sflag:s26] =	ssyncadd.s32 $0xFFFFFC00  }
0x28e: {  	_ =	swait.ge [sflag:s26], $0x400  }
0x28f: {  	[sflag:s26] =	ssyncset.done $0x0  }
0x290: {  	[sflag:s26] =	ssyncadd.s32 $0xFFFFFC00  }
0x291: {  	_ =	swait.ge [sflag:s26], $0x400  }
0x292: {  	[sflag:s26] =	ssyncset.done $0x0  }
0x293: {  	[sflag:s26] =	ssyncadd.s32 $0xFFFFFC00  }
0x294: {  	_ =	swait.ge [sflag:s26], $0x400  }
0x295: {  	[sflag:s26] =	ssyncset.done $0x0  }
0x296: {  	[sflag:s26] =	ssyncadd.s32 $0xFFFFFC00  }
0x297: {  	_ =	swait.ge [sflag:s26], $0x400  }
0x298: {  	s1 =	rddreg [dreg:$0x6]  }
0x299: {  	s23 =	rddreg [dreg:$0x5];
	s1 =	sadd.s32 $0x1, s1  }
0x29a: {  	p0 =	sne.s32 s1, s23  }
.Ltmp6:
0x29b: {  	_ = 	snop;
	(pc) =	sbr.rel @p0 .LBB2_1-.Ltmp6, $3  }
0x29c: {  	_ =	sdelay $0x1  }
0x29d: {  	[sflag:s26] =	ssyncset.done $0x0  }
0x29e: {  	[sflag:s26] =	ssyncadd.s32 $0xFFFFFC00  }
0x29f: {  	_ =	sfence.sel $0x180000  }
0x2a0: {  	[bflag:$0x0] =	sbarrier.arrive $0xFFFF  }
0x2a1: {  	_ =	strace $0x90000047  }
0x2a2: {  	s0 =	stileid.u32;
	[bflag:$0x2] =	sbarrier.arrive $0xFFFF  }
0x2a3: {  	p0 =	sne.s32 s0, $0x0;
	s0 =	rddreg [dreg:$0x3]  }
0x2a4: {  	s0 =	sadd.s32 @!p0 $0x100000, s0  }
0x2a5: {  	[sflag:s0] =	ssyncadd.tile.s32 @!p0 $0x1;
	_ =	shalt  }
.Lfunc_end2:
_tile_overlayer_lowered:
.L_overlay_start_2:
0x2a6: {  	(tag) =	ssettag $0x2  }
0x2a7: {  	s0 =	rddreg [dreg:$0x0];
	s2 =	stileid.u32  }
0x2a8: {  	s1 =	rddreg [dreg:$0x1];
	p0 =	sne.s32 s2, $0x0  }
0x2a9: {  	s3 =	rddreg [dreg:$0x2];
	[bflag:$0x3] =	sbarrier.arrive $0xFFFF;
	s2 =	simm.s32 @!p0 $0x1C05  }
0x2aa: {  	[timem:s3], [sflag:s2] =	dma.local @!p0 [hbm:s0], s1  }
0x2ab: {  	s0 =	simm.s32 @!p0 $0x5  }
0x2ac: {  	_ =	swait.ge @!p0 [sflag:s0], s1  }
0x2ad: {  	s1 =	ssub.s32 @!p0 $0x0, s1;
	[sflag:s0] =	ssyncset.done @!p0 $0x0  }
0x2ae: {  	[sflag:s0] =	ssyncadd.s32 @!p0 s1  }
0x2af: {  	[bflag:$0x3] =	sbarrier.arrive $0xFFFF  }
0x2b0: {  	_ =	shalt  }

</sc_bundles>
